<compile_context>
chip_gen: v7x
topology: tpu7x:2x2x1
jax: 0.10.2.dev20260603
libtpu: 0.0.44.dev20260713+nightly
codegen_flags: <defaults>
</compile_context>

<pallas_src>
import functools

import jax
import jax.numpy as jnp
from jax import lax
from jax.experimental import pallas as pl
from jax.experimental.pallas import tpu as pltpu
from jax.experimental.pallas import tpu_sc as plsc

_NUM_BOXES = 100000
_DIM = 64
_NROW = 2 * _DIM
_BATCH = 16384
_QT = _BATCH // 4

_INFO = plsc.get_sparse_core_info()
_NC = _INFO.num_cores
_NS = _INFO.num_subcores
_NW = _NC * _NS
_R_PER_W = _NROW // _NW
_L = 16
_UNROLL = 8


@functools.partial(
    pl.kernel,
    out_type=jax.ShapeDtypeStruct((_NROW, _BATCH), jnp.float32),
    mesh=plsc.VectorSubcoreMesh(core_axis_name="c", subcore_axis_name="s"),
    compiler_params=pltpu.CompilerParams(needs_layout_passes=False),
    scratch_types=[
        pltpu.VMEM((_BATCH,), jnp.int32),
        pltpu.VMEM((_NUM_BOXES,), jnp.float32),
        pltpu.VMEM((2 * _QT,), jnp.float32),
        pltpu.SemaphoreType.DMA,
    ],
)
def _gather_rows(table_hbm, ids_hbm, out_hbm, ids_v, row_v, out_v, osem):
    wid = lax.axis_index("s") * _NC + lax.axis_index("c")
    pltpu.sync_copy(ids_hbm, ids_v)
    out_pending = []

    for r in range(_R_PER_W):
        row = wid * _R_PER_W + r
        pltpu.sync_copy(table_hbm.at[row], row_v)

        for q in range(4):
            base = q * _QT
            obase = (q % 2) * _QT
            if len(out_pending) >= 2:
                out_pending.pop(0).wait()

            def body(i, carry):
                off = i * _L * _UNROLL
                for u in range(_UNROLL):
                    idx = ids_v[pl.ds(base + off + u * _L, _L)]
                    out_v[pl.ds(obase + off + u * _L, _L)] = plsc.load_gather(
                        row_v, [idx]
                    )
                return carry

            lax.fori_loop(0, _QT // (_L * _UNROLL), body, 0)
            out_pending.append(
                pltpu.async_copy(
                    out_v.at[pl.ds(obase, _QT)],
                    out_hbm.at[row, pl.ds(base, _QT)],
                    osem,
                )
            )

    for d in out_pending:
        d.wait()


def kernel(boxes, ids):
    num_models, num_boxes, two, dim = boxes.shape
    tableT = jnp.transpose(boxes, (0, 2, 3, 1)).reshape(two * dim, num_boxes)
    outT = _gather_rows(tableT, ids.astype(jnp.int32))
    return jnp.transpose(outT.reshape(num_models, two, dim, _BATCH), (0, 3, 1, 2))

# --- scband reference (transcript-rebuilt; emitter-appended) ---
"""Pipeline reference for scband-unit-boxes-51479478009904 (READ-ONLY COPY).

The authoritative reference and input builder live on the scoring server;
editing this copy changes nothing except your own understanding.
"""

import jax, jax.numpy as jnp
import numpy as np

NUM_MODELS = 1
NUM_BOXES = 100000
DIM = 64
INIT_MIN_VOL = 0.01
BATCH = 16384


def setup_inputs(seed: int = 0) -> dict:
    key = jax.random.key(seed)
    k1, k2, k3 = jax.random.split(key, 3)
    eps = INIT_MIN_VOL ** (1.0 / DIM)
    z = jax.random.uniform(k1, (NUM_MODELS, NUM_BOXES, DIM), dtype=jnp.float32) * (1.0 - eps)
    Z = z + eps + jax.random.uniform(k2, (NUM_MODELS, NUM_BOXES, DIM), dtype=jnp.float32) * (1.0 - (z + eps))
    boxes = jnp.stack((z, Z), axis=2)  # [num_models, num_boxes, 2, dim]
    ids = jax.random.randint(k3, (BATCH,), 0, NUM_BOXES)
    return {"boxes": boxes, "ids": ids}


def reference(boxes, ids):
    # Faithful translation of UnitBoxes.min/max lookup: gathers both the
    # min (index 0 along dim 2) and max (index 1 along dim 2) corners for
    # the requested box ids. Returned as the full gathered slab
    # boxes[:, ids] of shape [num_models, batch, 2, dim]; out[:, :, 0] is
    # min(ids) and out[:, :, 1] is max(ids).
    out = jnp.take(boxes, ids, axis=1)
    return out

if __name__ == "__main__":
    import jax
    _d = setup_inputs()
    print(jax.jit(kernel)(*tuple(_d.values())))

</pallas_src>

<mosaic_0001>
#map = affine_map<(d0, d1) -> (0, 0)>
#map1 = affine_map<(d0, d1) -> (0)>
module attributes {stable_mosaic.version = 14 : i64} {
  func.func @_gather_rows(%arg0: i32, %arg1: i32, %arg2: memref<128x100000xf32, #tpu.memory_space<hbm>>, %arg3: memref<16384xi32, #tpu.memory_space<hbm>>, %arg4: memref<128x16384xf32, #tpu.memory_space<hbm>>, %arg5: memref<16384xi32, #tpu.memory_space<vmem>>, %arg6: memref<100000xf32, #tpu.memory_space<vmem>>, %arg7: memref<8192xf32, #tpu.memory_space<vmem>>, %arg8: memref<!tpu.dma_semaphore, #tpu.memory_space<semaphore_mem>>) attributes {dimension_semantics = [#tpu.dimension_semantics<core_parallel>, #tpu.dimension_semantics<subcore_parallel>], iteration_bounds = array<i64: 2, 16>, scalar_prefetch = 0 : i64, scratch_operands = 4 : i64, tpu.core_type = #tpu.core_type<sc_vector_subcore>, window_params = [{transform_indices = #map}, {transform_indices = #map1}, {transform_indices = #map}]} {
    %mul3A = arith.constant 2 : i32
    %mul3A_0 = arith.muli %arg1, %mul3A : i32
    %add3A = arith.addi %mul3A_0, %arg0 : i32
    "tpu.region"() ({
      %run_scoped3A = tpu.sem_alloc : memref<!tpu.dma_semaphore, #tpu.memory_space<semaphore_mem>>
      tpu.enqueue_dma source(%arg3 : memref<16384xi32, #tpu.memory_space<hbm>>) target(%arg5 : memref<16384xi32, #tpu.memory_space<vmem>>) target_semaphore(%run_scoped3A : memref<!tpu.dma_semaphore, #tpu.memory_space<semaphore_mem>>)
      tpu.wait_dma2 semaphore(%run_scoped3A : memref<!tpu.dma_semaphore, #tpu.memory_space<semaphore_mem>>) src(%arg3 : memref<16384xi32, #tpu.memory_space<hbm>>) dst(%arg5 : memref<16384xi32, #tpu.memory_space<vmem>>)
      tpu.yield
    }) : () -> ()
    %mul3A_1 = arith.constant 4 : i32
    %mul3A_2 = arith.muli %add3A, %mul3A_1 : i32
    %add3A_3 = arith.constant 0 : i32
    %add3A_4 = arith.addi %mul3A_2, %add3A_3 : i32
    "tpu.region"() ({
      %run_scoped3A = tpu.sem_alloc : memref<!tpu.dma_semaphore, #tpu.memory_space<semaphore_mem>>
      %dma_start3A_430 = arith.constant 0 : i32
      %dma_start3A_431 = tpu.memref_slice %arg2[%add3A_4, %dma_start3A_430] : memref<128x100000xf32, #tpu.memory_space<hbm>> -> memref<1x100000xf32, #tpu.memory_space<hbm>>
      %dma_start3A_432 = tpu.memref_squeeze %dma_start3A_431 : memref<1x100000xf32, #tpu.memory_space<hbm>> -> memref<100000xf32, #tpu.memory_space<hbm>>
      %dma_start3A_433 = arith.constant 0 : i32
      %dma_start3A_434 = tpu.memref_slice %arg2[%add3A_4, %dma_start3A_433] : memref<128x100000xf32, #tpu.memory_space<hbm>> -> memref<1x100000xf32, #tpu.memory_space<hbm>>
      %dma_start3A_435 = tpu.memref_squeeze %dma_start3A_434 : memref<1x100000xf32, #tpu.memory_space<hbm>> -> memref<100000xf32, #tpu.memory_space<hbm>>
      tpu.enqueue_dma source(%dma_start3A_435 : memref<100000xf32, #tpu.memory_space<hbm>>) target(%arg6 : memref<100000xf32, #tpu.memory_space<vmem>>) target_semaphore(%run_scoped3A : memref<!tpu.dma_semaphore, #tpu.memory_space<semaphore_mem>>)
      %dma_wait3A_436 = arith.constant 0 : i32
      %dma_wait3A_437 = tpu.memref_slice %arg2[%add3A_4, %dma_wait3A_436] : memref<128x100000xf32, #tpu.memory_space<hbm>> -> memref<1x100000xf32, #tpu.memory_space<hbm>>
      %dma_wait3A_438 = tpu.memref_squeeze %dma_wait3A_437 : memref<1x100000xf32, #tpu.memory_space<hbm>> -> memref<100000xf32, #tpu.memory_space<hbm>>
      %dma_wait3A_439 = arith.constant 0 : i32
      %dma_wait3A_440 = tpu.memref_slice %arg2[%add3A_4, %dma_wait3A_439] : memref<128x100000xf32, #tpu.memory_space<hbm>> -> memref<1x100000xf32, #tpu.memory_space<hbm>>
      %dma_wait3A_441 = tpu.memref_squeeze %dma_wait3A_440 : memref<1x100000xf32, #tpu.memory_space<hbm>> -> memref<100000xf32, #tpu.memory_space<hbm>>
      tpu.wait_dma2 semaphore(%run_scoped3A : memref<!tpu.dma_semaphore, #tpu.memory_space<semaphore_mem>>) src(%dma_wait3A_441 : memref<100000xf32, #tpu.memory_space<hbm>>) dst(%arg6 : memref<100000xf32, #tpu.memory_space<vmem>>)
      tpu.yield
    }) : () -> ()
    %scan3A = arith.constant 0 : i32
    %scan3A_5 = arith.constant 0 : i32
    %scan3A_6 = arith.constant 32 : i32
    %scan3A_7 = arith.addi %scan3A_5, %scan3A_6 : i32
    %scan3A_8 = arith.constant 1 : i32
    scf.for %scan3A_430 = %scan3A_5 to %scan3A_7 step %scan3A_8  : i32 {
      %mul3A_431 = arith.constant 16 : i32
      %mul3A_432 = arith.muli %scan3A_430, %mul3A_431 : i32
      %mul3A_433 = arith.constant 8 : i32
      %mul3A_434 = arith.muli %mul3A_432, %mul3A_433 : i32
      %add3A_435 = arith.constant 0 : i32
      %add3A_436 = arith.addi %add3A_435, %mul3A_434 : i32
      %add3A_437 = arith.constant 0 : i32
      %add3A_438 = arith.addi %add3A_436, %add3A_437 : i32
      %get3A = arith.index_cast %add3A_438 : i32 to index
      %get3A_439 = tpu.vector_load %arg5[%get3A] {strides = array<i32>} : memref<16384xi32, #tpu.memory_space<vmem>>, vector<16xi32>,
      %gather3A = tpu.vector_load_idx %arg6[%get3A_439] : memref<100000xf32, #tpu.memory_space<vmem>>[vector<16xi32>], vector<16xf32>,
      %add3A_440 = arith.constant 0 : i32
      %add3A_441 = arith.addi %add3A_440, %mul3A_434 : i32
      %add3A_442 = arith.constant 0 : i32
      %add3A_443 = arith.addi %add3A_441, %add3A_442 : i32
      %swap3A = arith.index_cast %add3A_443 : i32 to index
      %swap3A_444 = tpu.vector_load %arg7[%swap3A] {strides = array<i32>} : memref<8192xf32, #tpu.memory_space<vmem>>, vector<16xf32>,
      tpu.vector_store %arg7[%swap3A], %gather3A {strides = array<i32>} : memref<8192xf32, #tpu.memory_space<vmem>>, vector<16xf32>,
      %add3A_445 = arith.constant 0 : i32
      %add3A_446 = arith.addi %add3A_445, %mul3A_434 : i32
      %add3A_447 = arith.constant 16 : i32
      %add3A_448 = arith.addi %add3A_446, %add3A_447 : i32
      %get3A_449 = arith.index_cast %add3A_448 : i32 to index
      %get3A_450 = tpu.vector_load %arg5[%get3A_449] {strides = array<i32>} : memref<16384xi32, #tpu.memory_space<vmem>>, vector<16xi32>,
      %gather3A_451 = tpu.vector_load_idx %arg6[%get3A_450] : memref<100000xf32, #tpu.memory_space<vmem>>[vector<16xi32>], vector<16xf32>,
      %add3A_452 = arith.constant 0 : i32
      %add3A_453 = arith.addi %add3A_452, %mul3A_434 : i32
      %add3A_454 = arith.constant 16 : i32
      %add3A_455 = arith.addi %add3A_453, %add3A_454 : i32
      %swap3A_456 = arith.index_cast %add3A_455 : i32 to index
      %swap3A_457 = tpu.vector_load %arg7[%swap3A_456] {strides = array<i32>} : memref<8192xf32, #tpu.memory_space<vmem>>, vector<16xf32>,
      tpu.vector_store %arg7[%swap3A_456], %gather3A_451 {strides = array<i32>} : memref<8192xf32, #tpu.memory_space<vmem>>, vector<16xf32>,
      %add3A_458 = arith.constant 0 : i32
      %add3A_459 = arith.addi %add3A_458, %mul3A_434 : i32
      %add3A_460 = arith.constant 32 : i32
      %add3A_461 = arith.addi %add3A_459, %add3A_460 : i32
      %get3A_462 = arith.index_cast %add3A_461 : i32 to index
      %get3A_463 = tpu.vector_load %arg5[%get3A_462] {strides = array<i32>} : memref<16384xi32, #tpu.memory_space<vmem>>, vector<16xi32>,
      %gather3A_464 = tpu.vector_load_idx %arg6[%get3A_463] : memref<100000xf32, #tpu.memory_space<vmem>>[vector<16xi32>], vector<16xf32>,
      %add3A_465 = arith.constant 0 : i32
      %add3A_466 = arith.addi %add3A_465, %mul3A_434 : i32
      %add3A_467 = arith.constant 32 : i32
      %add3A_468 = arith.addi %add3A_466, %add3A_467 : i32
      %swap3A_469 = arith.index_cast %add3A_468 : i32 to index
      %swap3A_470 = tpu.vector_load %arg7[%swap3A_469] {strides = array<i32>} : memref<8192xf32, #tpu.memory_space<vmem>>, vector<16xf32>,
      tpu.vector_store %arg7[%swap3A_469], %gather3A_464 {strides = array<i32>} : memref<8192xf32, #tpu.memory_space<vmem>>, vector<16xf32>,
      %add3A_471 = arith.constant 0 : i32
      %add3A_472 = arith.addi %add3A_471, %mul3A_434 : i32
      %add3A_473 = arith.constant 48 : i32
      %add3A_474 = arith.addi %add3A_472, %add3A_473 : i32
      %get3A_475 = arith.index_cast %add3A_474 : i32 to index
      %get3A_476 = tpu.vector_load %arg5[%get3A_475] {strides = array<i32>} : memref<16384xi32, #tpu.memory_space<vmem>>, vector<16xi32>,
      %gather3A_477 = tpu.vector_load_idx %arg6[%get3A_476] : memref<100000xf32, #tpu.memory_space<vmem>>[vector<16xi32>], vector<16xf32>,
      %add3A_478 = arith.constant 0 : i32
      %add3A_479 = arith.addi %add3A_478, %mul3A_434 : i32
      %add3A_480 = arith.constant 48 : i32
      %add3A_481 = arith.addi %add3A_479, %add3A_480 : i32
      %swap3A_482 = arith.index_cast %add3A_481 : i32 to index
      %swap3A_483 = tpu.vector_load %arg7[%swap3A_482] {strides = array<i32>} : memref<8192xf32, #tpu.memory_space<vmem>>, vector<16xf32>,
      tpu.vector_store %arg7[%swap3A_482], %gather3A_477 {strides = array<i32>} : memref<8192xf32, #tpu.memory_space<vmem>>, vector<16xf32>,
      %add3A_484 = arith.constant 0 : i32
      %add3A_485 = arith.addi %add3A_484, %mul3A_434 : i32
      %add3A_486 = arith.constant 64 : i32
      %add3A_487 = arith.addi %add3A_485, %add3A_486 : i32
      %get3A_488 = arith.index_cast %add3A_487 : i32 to index
      %get3A_489 = tpu.vector_load %arg5[%get3A_488] {strides = array<i32>} : memref<16384xi32, #tpu.memory_space<vmem>>, vector<16xi32>,
      %gather3A_490 = tpu.vector_load_idx %arg6[%get3A_489] : memref<100000xf32, #tpu.memory_space<vmem>>[vector<16xi32>], vector<16xf32>,
      %add3A_491 = arith.constant 0 : i32
      %add3A_492 = arith.addi %add3A_491, %mul3A_434 : i32
      %add3A_493 = arith.constant 64 : i32
      %add3A_494 = arith.addi %add3A_492, %add3A_493 : i32
      %swap3A_495 = arith.index_cast %add3A_494 : i32 to index
      %swap3A_496 = tpu.vector_load %arg7[%swap3A_495] {strides = array<i32>} : memref<8192xf32, #tpu.memory_space<vmem>>, vector<16xf32>,
      tpu.vector_store %arg7[%swap3A_495], %gather3A_490 {strides = array<i32>} : memref<8192xf32, #tpu.memory_space<vmem>>, vector<16xf32>,
      %add3A_497 = arith.constant 0 : i32
      %add3A_498 = arith.addi %add3A_497, %mul3A_434 : i32
      %add3A_499 = arith.constant 80 : i32
      %add3A_500 = arith.addi %add3A_498, %add3A_499 : i32
      %get3A_501 = arith.index_cast %add3A_500 : i32 to index
      %get3A_502 = tpu.vector_load %arg5[%get3A_501] {strides = array<i32>} : memref<16384xi32, #tpu.memory_space<vmem>>, vector<16xi32>,
      %gather3A_503 = tpu.vector_load_idx %arg6[%get3A_502] : memref<100000xf32, #tpu.memory_space<vmem>>[vector<16xi32>], vector<16xf32>,
      %add3A_504 = arith.constant 0 : i32
      %add3A_505 = arith.addi %add3A_504, %mul3A_434 : i32
      %add3A_506 = arith.constant 80 : i32
      %add3A_507 = arith.addi %add3A_505, %add3A_506 : i32
      %swap3A_508 = arith.index_cast %add3A_507 : i32 to index
      %swap3A_509 = tpu.vector_load %arg7[%swap3A_508] {strides = array<i32>} : memref<8192xf32, #tpu.memory_space<vmem>>, vector<16xf32>,
      tpu.vector_store %arg7[%swap3A_508], %gather3A_503 {strides = array<i32>} : memref<8192xf32, #tpu.memory_space<vmem>>, vector<16xf32>,
      %add3A_510 = arith.constant 0 : i32
      %add3A_511 = arith.addi %add3A_510, %mul3A_434 : i32
      %add3A_512 = arith.constant 96 : i32
      %add3A_513 = arith.addi %add3A_511, %add3A_512 : i32
      %get3A_514 = arith.index_cast %add3A_513 : i32 to index
      %get3A_515 = tpu.vector_load %arg5[%get3A_514] {strides = array<i32>} : memref<16384xi32, #tpu.memory_space<vmem>>, vector<16xi32>,
      %gather3A_516 = tpu.vector_load_idx %arg6[%get3A_515] : memref<100000xf32, #tpu.memory_space<vmem>>[vector<16xi32>], vector<16xf32>,
      %add3A_517 = arith.constant 0 : i32
      %add3A_518 = arith.addi %add3A_517, %mul3A_434 : i32
      %add3A_519 = arith.constant 96 : i32
      %add3A_520 = arith.addi %add3A_518, %add3A_519 : i32
      %swap3A_521 = arith.index_cast %add3A_520 : i32 to index
      %swap3A_522 = tpu.vector_load %arg7[%swap3A_521] {strides = array<i32>} : memref<8192xf32, #tpu.memory_space<vmem>>, vector<16xf32>,
      tpu.vector_store %arg7[%swap3A_521], %gather3A_516 {strides = array<i32>} : memref<8192xf32, #tpu.memory_space<vmem>>, vector<16xf32>,
      %add3A_523 = arith.constant 0 : i32
      %add3A_524 = arith.addi %add3A_523, %mul3A_434 : i32
      %add3A_525 = arith.constant 112 : i32
      %add3A_526 = arith.addi %add3A_524, %add3A_525 : i32
      %get3A_527 = arith.index_cast %add3A_526 : i32 to index
      %get3A_528 = tpu.vector_load %arg5[%get3A_527] {strides = array<i32>} : memref<16384xi32, #tpu.memory_space<vmem>>, vector<16xi32>,
      %gather3A_529 = tpu.vector_load_idx %arg6[%get3A_528] : memref<100000xf32, #tpu.memory_space<vmem>>[vector<16xi32>], vector<16xf32>,
      %add3A_530 = arith.constant 0 : i32
      %add3A_531 = arith.addi %add3A_530, %mul3A_434 : i32
      %add3A_532 = arith.constant 112 : i32
      %add3A_533 = arith.addi %add3A_531, %add3A_532 : i32
      %swap3A_534 = arith.index_cast %add3A_533 : i32 to index
      %swap3A_535 = tpu.vector_load %arg7[%swap3A_534] {strides = array<i32>} : memref<8192xf32, #tpu.memory_space<vmem>>, vector<16xf32>,
      tpu.vector_store %arg7[%swap3A_534], %gather3A_529 {strides = array<i32>} : memref<8192xf32, #tpu.memory_space<vmem>>, vector<16xf32>,
    }
    %scan3A_9 = arith.constant 32 : i32
    %dma_start3A = arith.constant 0 : i32
    %dma_start3A_10 = tpu.memref_slice %arg7[%dma_start3A] : memref<8192xf32, #tpu.memory_space<vmem>> -> memref<4096xf32, #tpu.memory_space<vmem>>
    %dma_start3A_11 = arith.constant 0 : i32
    %dma_start3A_12 = tpu.memref_slice %arg4[%add3A_4, %dma_start3A_11] : memref<128x16384xf32, #tpu.memory_space<hbm>> -> memref<1x4096xf32, #tpu.memory_space<hbm>>
    %dma_start3A_13 = tpu.memref_squeeze %dma_start3A_12 : memref<1x4096xf32, #tpu.memory_space<hbm>> -> memref<4096xf32, #tpu.memory_space<hbm>>
    %dma_start3A_14 = arith.constant 0 : i32
    %dma_start3A_15 = tpu.memref_slice %arg4[%add3A_4, %dma_start3A_14] : memref<128x16384xf32, #tpu.memory_space<hbm>> -> memref<1x4096xf32, #tpu.memory_space<hbm>>
    %dma_start3A_16 = tpu.memref_squeeze %dma_start3A_15 : memref<1x4096xf32, #tpu.memory_space<hbm>> -> memref<4096xf32, #tpu.memory_space<hbm>>
    %dma_start3A_17 = arith.constant 0 : i32
    %dma_start3A_18 = tpu.memref_slice %arg7[%dma_start3A_17] : memref<8192xf32, #tpu.memory_space<vmem>> -> memref<4096xf32, #tpu.memory_space<vmem>>
    tpu.enqueue_dma source(%dma_start3A_18 : memref<4096xf32, #tpu.memory_space<vmem>>) target(%dma_start3A_16 : memref<4096xf32, #tpu.memory_space<hbm>>) target_semaphore(%arg8 : memref<!tpu.dma_semaphore, #tpu.memory_space<semaphore_mem>>)
    %scan3A_19 = arith.constant 0 : i32
    %scan3A_20 = arith.constant 0 : i32
    %scan3A_21 = arith.constant 32 : i32
    %scan3A_22 = arith.addi %scan3A_20, %scan3A_21 : i32
    %scan3A_23 = arith.constant 1 : i32
    scf.for %scan3A_430 = %scan3A_20 to %scan3A_22 step %scan3A_23  : i32 {
      %mul3A_431 = arith.constant 16 : i32
      %mul3A_432 = arith.muli %scan3A_430, %mul3A_431 : i32
      %mul3A_433 = arith.constant 8 : i32
      %mul3A_434 = arith.muli %mul3A_432, %mul3A_433 : i32
      %add3A_435 = arith.constant 4096 : i32
      %add3A_436 = arith.addi %add3A_435, %mul3A_434 : i32
      %add3A_437 = arith.constant 0 : i32
      %add3A_438 = arith.addi %add3A_436, %add3A_437 : i32
      %get3A = arith.index_cast %add3A_438 : i32 to index
      %get3A_439 = tpu.vector_load %arg5[%get3A] {strides = array<i32>} : memref<16384xi32, #tpu.memory_space<vmem>>, vector<16xi32>,
      %gather3A = tpu.vector_load_idx %arg6[%get3A_439] : memref<100000xf32, #tpu.memory_space<vmem>>[vector<16xi32>], vector<16xf32>,
      %add3A_440 = arith.constant 4096 : i32
      %add3A_441 = arith.addi %add3A_440, %mul3A_434 : i32
      %add3A_442 = arith.constant 0 : i32
      %add3A_443 = arith.addi %add3A_441, %add3A_442 : i32
      %swap3A = arith.index_cast %add3A_443 : i32 to index
      %swap3A_444 = tpu.vector_load %arg7[%swap3A] {strides = array<i32>} : memref<8192xf32, #tpu.memory_space<vmem>>, vector<16xf32>,
      tpu.vector_store %arg7[%swap3A], %gather3A {strides = array<i32>} : memref<8192xf32, #tpu.memory_space<vmem>>, vector<16xf32>,
      %add3A_445 = arith.constant 4096 : i32
      %add3A_446 = arith.addi %add3A_445, %mul3A_434 : i32
      %add3A_447 = arith.constant 16 : i32
      %add3A_448 = arith.addi %add3A_446, %add3A_447 : i32
      %get3A_449 = arith.index_cast %add3A_448 : i32 to index
      %get3A_450 = tpu.vector_load %arg5[%get3A_449] {strides = array<i32>} : memref<16384xi32, #tpu.memory_space<vmem>>, vector<16xi32>,
      %gather3A_451 = tpu.vector_load_idx %arg6[%get3A_450] : memref<100000xf32, #tpu.memory_space<vmem>>[vector<16xi32>], vector<16xf32>,
      %add3A_452 = arith.constant 4096 : i32
      %add3A_453 = arith.addi %add3A_452, %mul3A_434 : i32
      %add3A_454 = arith.constant 16 : i32
      %add3A_455 = arith.addi %add3A_453, %add3A_454 : i32
      %swap3A_456 = arith.index_cast %add3A_455 : i32 to index
      %swap3A_457 = tpu.vector_load %arg7[%swap3A_456] {strides = array<i32>} : memref<8192xf32, #tpu.memory_space<vmem>>, vector<16xf32>,
      tpu.vector_store %arg7[%swap3A_456], %gather3A_451 {strides = array<i32>} : memref<8192xf32, #tpu.memory_space<vmem>>, vector<16xf32>,
      %add3A_458 = arith.constant 4096 : i32
      %add3A_459 = arith.addi %add3A_458, %mul3A_434 : i32
      %add3A_460 = arith.constant 32 : i32
      %add3A_461 = arith.addi %add3A_459, %add3A_460 : i32
      %get3A_462 = arith.index_cast %add3A_461 : i32 to index
      %get3A_463 = tpu.vector_load %arg5[%get3A_462] {strides = array<i32>} : memref<16384xi32, #tpu.memory_space<vmem>>, vector<16xi32>,
      %gather3A_464 = tpu.vector_load_idx %arg6[%get3A_463] : memref<100000xf32, #tpu.memory_space<vmem>>[vector<16xi32>], vector<16xf32>,
      %add3A_465 = arith.constant 4096 : i32
      %add3A_466 = arith.addi %add3A_465, %mul3A_434 : i32
      %add3A_467 = arith.constant 32 : i32
      %add3A_468 = arith.addi %add3A_466, %add3A_467 : i32
      %swap3A_469 = arith.index_cast %add3A_468 : i32 to index
      %swap3A_470 = tpu.vector_load %arg7[%swap3A_469] {strides = array<i32>} : memref<8192xf32, #tpu.memory_space<vmem>>, vector<16xf32>,
      tpu.vector_store %arg7[%swap3A_469], %gather3A_464 {strides = array<i32>} : memref<8192xf32, #tpu.memory_space<vmem>>, vector<16xf32>,
      %add3A_471 = arith.constant 4096 : i32
      %add3A_472 = arith.addi %add3A_471, %mul3A_434 : i32
      %add3A_473 = arith.constant 48 : i32
      %add3A_474 = arith.addi %add3A_472, %add3A_473 : i32
      %get3A_475 = arith.index_cast %add3A_474 : i32 to index
      %get3A_476 = tpu.vector_load %arg5[%get3A_475] {strides = array<i32>} : memref<16384xi32, #tpu.memory_space<vmem>>, vector<16xi32>,
      %gather3A_477 = tpu.vector_load_idx %arg6[%get3A_476] : memref<100000xf32, #tpu.memory_space<vmem>>[vector<16xi32>], vector<16xf32>,
      %add3A_478 = arith.constant 4096 : i32
      %add3A_479 = arith.addi %add3A_478, %mul3A_434 : i32
      %add3A_480 = arith.constant 48 : i32
      %add3A_481 = arith.addi %add3A_479, %add3A_480 : i32
      %swap3A_482 = arith.index_cast %add3A_481 : i32 to index
      %swap3A_483 = tpu.vector_load %arg7[%swap3A_482] {strides = array<i32>} : memref<8192xf32, #tpu.memory_space<vmem>>, vector<16xf32>,
      tpu.vector_store %arg7[%swap3A_482], %gather3A_477 {strides = array<i32>} : memref<8192xf32, #tpu.memory_space<vmem>>, vector<16xf32>,
      %add3A_484 = arith.constant 4096 : i32
      %add3A_485 = arith.addi %add3A_484, %mul3A_434 : i32
      %add3A_486 = arith.constant 64 : i32
      %add3A_487 = arith.addi %add3A_485, %add3A_486 : i32
      %get3A_488 = arith.index_cast %add3A_487 : i32 to index
      %get3A_489 = tpu.vector_load %arg5[%get3A_488] {strides = array<i32>} : memref<16384xi32, #tpu.memory_space<vmem>>, vector<16xi32>,
      %gather3A_490 = tpu.vector_load_idx %arg6[%get3A_489] : memref<100000xf32, #tpu.memory_space<vmem>>[vector<16xi32>], vector<16xf32>,
      %add3A_491 = arith.constant 4096 : i32
      %add3A_492 = arith.addi %add3A_491, %mul3A_434 : i32
      %add3A_493 = arith.constant 64 : i32
      %add3A_494 = arith.addi %add3A_492, %add3A_493 : i32
      %swap3A_495 = arith.index_cast %add3A_494 : i32 to index
      %swap3A_496 = tpu.vector_load %arg7[%swap3A_495] {strides = array<i32>} : memref<8192xf32, #tpu.memory_space<vmem>>, vector<16xf32>,
      tpu.vector_store %arg7[%swap3A_495], %gather3A_490 {strides = array<i32>} : memref<8192xf32, #tpu.memory_space<vmem>>, vector<16xf32>,
      %add3A_497 = arith.constant 4096 : i32
      %add3A_498 = arith.addi %add3A_497, %mul3A_434 : i32
      %add3A_499 = arith.constant 80 : i32
      %add3A_500 = arith.addi %add3A_498, %add3A_499 : i32
      %get3A_501 = arith.index_cast %add3A_500 : i32 to index
      %get3A_502 = tpu.vector_load %arg5[%get3A_501] {strides = array<i32>} : memref<16384xi32, #tpu.memory_space<vmem>>, vector<16xi32>,
      %gather3A_503 = tpu.vector_load_idx %arg6[%get3A_502] : memref<100000xf32, #tpu.memory_space<vmem>>[vector<16xi32>], vector<16xf32>,
      %add3A_504 = arith.constant 4096 : i32
      %add3A_505 = arith.addi %add3A_504, %mul3A_434 : i32
      %add3A_506 = arith.constant 80 : i32
      %add3A_507 = arith.addi %add3A_505, %add3A_506 : i32
      %swap3A_508 = arith.index_cast %add3A_507 : i32 to index
      %swap3A_509 = tpu.vector_load %arg7[%swap3A_508] {strides = array<i32>} : memref<8192xf32, #tpu.memory_space<vmem>>, vector<16xf32>,
      tpu.vector_store %arg7[%swap3A_508], %gather3A_503 {strides = array<i32>} : memref<8192xf32, #tpu.memory_space<vmem>>, vector<16xf32>,
      %add3A_510 = arith.constant 4096 : i32
      %add3A_511 = arith.addi %add3A_510, %mul3A_434 : i32
      %add3A_512 = arith.constant 96 : i32
      %add3A_513 = arith.addi %add3A_511, %add3A_512 : i32
      %get3A_514 = arith.index_cast %add3A_513 : i32 to index
      %get3A_515 = tpu.vector_load %arg5[%get3A_514] {strides = array<i32>} : memref<16384xi32, #tpu.memory_space<vmem>>, vector<16xi32>,
      %gather3A_516 = tpu.vector_load_idx %arg6[%get3A_515] : memref<100000xf32, #tpu.memory_space<vmem>>[vector<16xi32>], vector<16xf32>,
      %add3A_517 = arith.constant 4096 : i32
      %add3A_518 = arith.addi %add3A_517, %mul3A_434 : i32
      %add3A_519 = arith.constant 96 : i32
      %add3A_520 = arith.addi %add3A_518, %add3A_519 : i32
      %swap3A_521 = arith.index_cast %add3A_520 : i32 to index
      %swap3A_522 = tpu.vector_load %arg7[%swap3A_521] {strides = array<i32>} : memref<8192xf32, #tpu.memory_space<vmem>>, vector<16xf32>,
      tpu.vector_store %arg7[%swap3A_521], %gather3A_516 {strides = array<i32>} : memref<8192xf32, #tpu.memory_space<vmem>>, vector<16xf32>,
      %add3A_523 = arith.constant 4096 : i32
      %add3A_524 = arith.addi %add3A_523, %mul3A_434 : i32
      %add3A_525 = arith.constant 112 : i32
      %add3A_526 = arith.addi %add3A_524, %add3A_525 : i32
      %get3A_527 = arith.index_cast %add3A_526 : i32 to index
      %get3A_528 = tpu.vector_load %arg5[%get3A_527] {strides = array<i32>} : memref<16384xi32, #tpu.memory_space<vmem>>, vector<16xi32>,
      %gather3A_529 = tpu.vector_load_idx %arg6[%get3A_528] : memref<100000xf32, #tpu.memory_space<vmem>>[vector<16xi32>], vector<16xf32>,
      %add3A_530 = arith.constant 4096 : i32
      %add3A_531 = arith.addi %add3A_530, %mul3A_434 : i32
      %add3A_532 = arith.constant 112 : i32
      %add3A_533 = arith.addi %add3A_531, %add3A_532 : i32
      %swap3A_534 = arith.index_cast %add3A_533 : i32 to index
      %swap3A_535 = tpu.vector_load %arg7[%swap3A_534] {strides = array<i32>} : memref<8192xf32, #tpu.memory_space<vmem>>, vector<16xf32>,
      tpu.vector_store %arg7[%swap3A_534], %gather3A_529 {strides = array<i32>} : memref<8192xf32, #tpu.memory_space<vmem>>, vector<16xf32>,
    }
    %scan3A_24 = arith.constant 32 : i32
    %dma_start3A_25 = arith.constant 4096 : i32
    %dma_start3A_26 = tpu.memref_slice %arg7[%dma_start3A_25] : memref<8192xf32, #tpu.memory_space<vmem>> -> memref<4096xf32, #tpu.memory_space<vmem>>
    %dma_start3A_27 = arith.constant 4096 : i32
    %dma_start3A_28 = tpu.memref_slice %arg4[%add3A_4, %dma_start3A_27] : memref<128x16384xf32, #tpu.memory_space<hbm>> -> memref<1x4096xf32, #tpu.memory_space<hbm>>
    %dma_start3A_29 = tpu.memref_squeeze %dma_start3A_28 : memref<1x4096xf32, #tpu.memory_space<hbm>> -> memref<4096xf32, #tpu.memory_space<hbm>>
    %dma_start3A_30 = arith.constant 4096 : i32
    %dma_start3A_31 = tpu.memref_slice %arg4[%add3A_4, %dma_start3A_30] : memref<128x16384xf32, #tpu.memory_space<hbm>> -> memref<1x4096xf32, #tpu.memory_space<hbm>>
    %dma_start3A_32 = tpu.memref_squeeze %dma_start3A_31 : memref<1x4096xf32, #tpu.memory_space<hbm>> -> memref<4096xf32, #tpu.memory_space<hbm>>
    %dma_start3A_33 = arith.constant 4096 : i32
    %dma_start3A_34 = tpu.memref_slice %arg7[%dma_start3A_33] : memref<8192xf32, #tpu.memory_space<vmem>> -> memref<4096xf32, #tpu.memory_space<vmem>>
    tpu.enqueue_dma source(%dma_start3A_34 : memref<4096xf32, #tpu.memory_space<vmem>>) target(%dma_start3A_32 : memref<4096xf32, #tpu.memory_space<hbm>>) target_semaphore(%arg8 : memref<!tpu.dma_semaphore, #tpu.memory_space<semaphore_mem>>)
    %dma_wait3A = arith.constant 0 : i32
    %dma_wait3A_35 = tpu.memref_slice %arg7[%dma_wait3A] : memref<8192xf32, #tpu.memory_space<vmem>> -> memref<4096xf32, #tpu.memory_space<vmem>>
    %dma_wait3A_36 = arith.constant 0 : i32
    %dma_wait3A_37 = tpu.memref_slice %arg4[%add3A_4, %dma_wait3A_36] : memref<128x16384xf32, #tpu.memory_space<hbm>> -> memref<1x4096xf32, #tpu.memory_space<hbm>>
    %dma_wait3A_38 = tpu.memref_squeeze %dma_wait3A_37 : memref<1x4096xf32, #tpu.memory_space<hbm>> -> memref<4096xf32, #tpu.memory_space<hbm>>
    %dma_wait3A_39 = arith.constant 0 : i32
    %dma_wait3A_40 = tpu.memref_slice %arg4[%add3A_4, %dma_wait3A_39] : memref<128x16384xf32, #tpu.memory_space<hbm>> -> memref<1x4096xf32, #tpu.memory_space<hbm>>
    %dma_wait3A_41 = tpu.memref_squeeze %dma_wait3A_40 : memref<1x4096xf32, #tpu.memory_space<hbm>> -> memref<4096xf32, #tpu.memory_space<hbm>>
    %dma_wait3A_42 = arith.constant 0 : i32
    %dma_wait3A_43 = tpu.memref_slice %arg7[%dma_wait3A_42] : memref<8192xf32, #tpu.memory_space<vmem>> -> memref<4096xf32, #tpu.memory_space<vmem>>
    tpu.wait_dma2 semaphore(%arg8 : memref<!tpu.dma_semaphore, #tpu.memory_space<semaphore_mem>>) src(%dma_wait3A_43 : memref<4096xf32, #tpu.memory_space<vmem>>) dst(%dma_wait3A_41 : memref<4096xf32, #tpu.memory_space<hbm>>)
    %scan3A_44 = arith.constant 0 : i32
    %scan3A_45 = arith.constant 0 : i32
    %scan3A_46 = arith.constant 32 : i32
    %scan3A_47 = arith.addi %scan3A_45, %scan3A_46 : i32
    %scan3A_48 = arith.constant 1 : i32
    scf.for %scan3A_430 = %scan3A_45 to %scan3A_47 step %scan3A_48  : i32 {
      %mul3A_431 = arith.constant 16 : i32
      %mul3A_432 = arith.muli %scan3A_430, %mul3A_431 : i32
      %mul3A_433 = arith.constant 8 : i32
      %mul3A_434 = arith.muli %mul3A_432, %mul3A_433 : i32
      %add3A_435 = arith.constant 8192 : i32
      %add3A_436 = arith.addi %add3A_435, %mul3A_434 : i32
      %add3A_437 = arith.constant 0 : i32
      %add3A_438 = arith.addi %add3A_436, %add3A_437 : i32
      %get3A = arith.index_cast %add3A_438 : i32 to index
      %get3A_439 = tpu.vector_load %arg5[%get3A] {strides = array<i32>} : memref<16384xi32, #tpu.memory_space<vmem>>, vector<16xi32>,
      %gather3A = tpu.vector_load_idx %arg6[%get3A_439] : memref<100000xf32, #tpu.memory_space<vmem>>[vector<16xi32>], vector<16xf32>,
      %add3A_440 = arith.constant 0 : i32
      %add3A_441 = arith.addi %add3A_440, %mul3A_434 : i32
      %add3A_442 = arith.constant 0 : i32
      %add3A_443 = arith.addi %add3A_441, %add3A_442 : i32
      %swap3A = arith.index_cast %add3A_443 : i32 to index
      %swap3A_444 = tpu.vector_load %arg7[%swap3A] {strides = array<i32>} : memref<8192xf32, #tpu.memory_space<vmem>>, vector<16xf32>,
      tpu.vector_store %arg7[%swap3A], %gather3A {strides = array<i32>} : memref<8192xf32, #tpu.memory_space<vmem>>, vector<16xf32>,
      %add3A_445 = arith.constant 8192 : i32
      %add3A_446 = arith.addi %add3A_445, %mul3A_434 : i32
      %add3A_447 = arith.constant 16 : i32
      %add3A_448 = arith.addi %add3A_446, %add3A_447 : i32
      %get3A_449 = arith.index_cast %add3A_448 : i32 to index
      %get3A_450 = tpu.vector_load %arg5[%get3A_449] {strides = array<i32>} : memref<16384xi32, #tpu.memory_space<vmem>>, vector<16xi32>,
      %gather3A_451 = tpu.vector_load_idx %arg6[%get3A_450] : memref<100000xf32, #tpu.memory_space<vmem>>[vector<16xi32>], vector<16xf32>,
      %add3A_452 = arith.constant 0 : i32
      %add3A_453 = arith.addi %add3A_452, %mul3A_434 : i32
      %add3A_454 = arith.constant 16 : i32
      %add3A_455 = arith.addi %add3A_453, %add3A_454 : i32
      %swap3A_456 = arith.index_cast %add3A_455 : i32 to index
      %swap3A_457 = tpu.vector_load %arg7[%swap3A_456] {strides = array<i32>} : memref<8192xf32, #tpu.memory_space<vmem>>, vector<16xf32>,
      tpu.vector_store %arg7[%swap3A_456], %gather3A_451 {strides = array<i32>} : memref<8192xf32, #tpu.memory_space<vmem>>, vector<16xf32>,
      %add3A_458 = arith.constant 8192 : i32
      %add3A_459 = arith.addi %add3A_458, %mul3A_434 : i32
      %add3A_460 = arith.constant 32 : i32
      %add3A_461 = arith.addi %add3A_459, %add3A_460 : i32
      %get3A_462 = arith.index_cast %add3A_461 : i32 to index
      %get3A_463 = tpu.vector_load %arg5[%get3A_462] {strides = array<i32>} : memref<16384xi32, #tpu.memory_space<vmem>>, vector<16xi32>,
      %gather3A_464 = tpu.vector_load_idx %arg6[%get3A_463] : memref<100000xf32, #tpu.memory_space<vmem>>[vector<16xi32>], vector<16xf32>,
      %add3A_465 = arith.constant 0 : i32
      %add3A_466 = arith.addi %add3A_465, %mul3A_434 : i32
      %add3A_467 = arith.constant 32 : i32
      %add3A_468 = arith.addi %add3A_466, %add3A_467 : i32
      %swap3A_469 = arith.index_cast %add3A_468 : i32 to index
      %swap3A_470 = tpu.vector_load %arg7[%swap3A_469] {strides = array<i32>} : memref<8192xf32, #tpu.memory_space<vmem>>, vector<16xf32>,
      tpu.vector_store %arg7[%swap3A_469], %gather3A_464 {strides = array<i32>} : memref<8192xf32, #tpu.memory_space<vmem>>, vector<16xf32>,
      %add3A_471 = arith.constant 8192 : i32
      %add3A_472 = arith.addi %add3A_471, %mul3A_434 : i32
      %add3A_473 = arith.constant 48 : i32
      %add3A_474 = arith.addi %add3A_472, %add3A_473 : i32
      %get3A_475 = arith.index_cast %add3A_474 : i32 to index
      %get3A_476 = tpu.vector_load %arg5[%get3A_475] {strides = array<i32>} : memref<16384xi32, #tpu.memory_space<vmem>>, vector<16xi32>,
      %gather3A_477 = tpu.vector_load_idx %arg6[%get3A_476] : memref<100000xf32, #tpu.memory_space<vmem>>[vector<16xi32>], vector<16xf32>,
      %add3A_478 = arith.constant 0 : i32
      %add3A_479 = arith.addi %add3A_478, %mul3A_434 : i32
      %add3A_480 = arith.constant 48 : i32
      %add3A_481 = arith.addi %add3A_479, %add3A_480 : i32
      %swap3A_482 = arith.index_cast %add3A_481 : i32 to index
      %swap3A_483 = tpu.vector_load %arg7[%swap3A_482] {strides = array<i32>} : memref<8192xf32, #tpu.memory_space<vmem>>, vector<16xf32>,
      tpu.vector_store %arg7[%swap3A_482], %gather3A_477 {strides = array<i32>} : memref<8192xf32, #tpu.memory_space<vmem>>, vector<16xf32>,
      %add3A_484 = arith.constant 8192 : i32
      %add3A_485 = arith.addi %add3A_484, %mul3A_434 : i32
      %add3A_486 = arith.constant 64 : i32
      %add3A_487 = arith.addi %add3A_485, %add3A_486 : i32
      %get3A_488 = arith.index_cast %add3A_487 : i32 to index
      %get3A_489 = tpu.vector_load %arg5[%get3A_488] {strides = array<i32>} : memref<16384xi32, #tpu.memory_space<vmem>>, vector<16xi32>,
      %gather3A_490 = tpu.vector_load_idx %arg6[%get3A_489] : memref<100000xf32, #tpu.memory_space<vmem>>[vector<16xi32>], vector<16xf32>,
      %add3A_491 = arith.constant 0 : i32
      %add3A_492 = arith.addi %add3A_491, %mul3A_434 : i32
      %add3A_493 = arith.constant 64 : i32
      %add3A_494 = arith.addi %add3A_492, %add3A_493 : i32
      %swap3A_495 = arith.index_cast %add3A_494 : i32 to index
      %swap3A_496 = tpu.vector_load %arg7[%swap3A_495] {strides = array<i32>} : memref<8192xf32, #tpu.memory_space<vmem>>, vector<16xf32>,
      tpu.vector_store %arg7[%swap3A_495], %gather3A_490 {strides = array<i32>} : memref<8192xf32, #tpu.memory_space<vmem>>, vector<16xf32>,
      %add3A_497 = arith.constant 8192 : i32
      %add3A_498 = arith.addi %add3A_497, %mul3A_434 : i32
      %add3A_499 = arith.constant 80 : i32
      %add3A_500 = arith.addi %add3A_498, %add3A_499 : i32
      %get3A_501 = arith.index_cast %add3A_500 : i32 to index
      %get3A_502 = tpu.vector_load %arg5[%get3A_501] {strides = array<i32>} : memref<16384xi32, #tpu.memory_space<vmem>>, vector<16xi32>,
      %gather3A_503 = tpu.vector_load_idx %arg6[%get3A_502] : memref<100000xf32, #tpu.memory_space<vmem>>[vector<16xi32>], vector<16xf32>,
      %add3A_504 = arith.constant 0 : i32
      %add3A_505 = arith.addi %add3A_504, %mul3A_434 : i32
      %add3A_506 = arith.constant 80 : i32
      %add3A_507 = arith.addi %add3A_505, %add3A_506 : i32
      %swap3A_508 = arith.index_cast %add3A_507 : i32 to index
      %swap3A_509 = tpu.vector_load %arg7[%swap3A_508] {strides = array<i32>} : memref<8192xf32, #tpu.memory_space<vmem>>, vector<16xf32>,
      tpu.vector_store %arg7[%swap3A_508], %gather3A_503 {strides = array<i32>} : memref<8192xf32, #tpu.memory_space<vmem>>, vector<16xf32>,
      %add3A_510 = arith.constant 8192 : i32
      %add3A_511 = arith.addi %add3A_510, %mul3A_434 : i32
      %add3A_512 = arith.constant 96 : i32
      %add3A_513 = arith.addi %add3A_511, %add3A_512 : i32
      %get3A_514 = arith.index_cast %add3A_513 : i32 to index
      %get3A_515 = tpu.vector_load %arg5[%get3A_514] {strides = array<i32>} : memref<16384xi32, #tpu.memory_space<vmem>>, vector<16xi32>,
      %gather3A_516 = tpu.vector_load_idx %arg6[%get3A_515] : memref<100000xf32, #tpu.memory_space<vmem>>[vector<16xi32>], vector<16xf32>,
      %add3A_517 = arith.constant 0 : i32
      %add3A_518 = arith.addi %add3A_517, %mul3A_434 : i32
      %add3A_519 = arith.constant 96 : i32
      %add3A_520 = arith.addi %add3A_518, %add3A_519 : i32
      %swap3A_521 = arith.index_cast %add3A_520 : i32 to index
      %swap3A_522 = tpu.vector_load %arg7[%swap3A_521] {strides = array<i32>} : memref<8192xf32, #tpu.memory_space<vmem>>, vector<16xf32>,
      tpu.vector_store %arg7[%swap3A_521], %gather3A_516 {strides = array<i32>} : memref<8192xf32, #tpu.memory_space<vmem>>, vector<16xf32>,
      %add3A_523 = arith.constant 8192 : i32
      %add3A_524 = arith.addi %add3A_523, %mul3A_434 : i32
      %add3A_525 = arith.constant 112 : i32
      %add3A_526 = arith.addi %add3A_524, %add3A_525 : i32
      %get3A_527 = arith.index_cast %add3A_526 : i32 to index
      %get3A_528 = tpu.vector_load %arg5[%get3A_527] {strides = array<i32>} : memref<16384xi32, #tpu.memory_space<vmem>>, vector<16xi32>,
      %gather3A_529 = tpu.vector_load_idx %arg6[%get3A_528] : memref<100000xf32, #tpu.memory_space<vmem>>[vector<16xi32>], vector<16xf32>,
      %add3A_530 = arith.constant 0 : i32
      %add3A_531 = arith.addi %add3A_530, %mul3A_434 : i32
      %add3A_532 = arith.constant 112 : i32
      %add3A_533 = arith.addi %add3A_531, %add3A_532 : i32
      %swap3A_534 = arith.index_cast %add3A_533 : i32 to index
      %swap3A_535 = tpu.vector_load %arg7[%swap3A_534] {strides = array<i32>} : memref<8192xf32, #tpu.memory_space<vmem>>, vector<16xf32>,
      tpu.vector_store %arg7[%swap3A_534], %gather3A_529 {strides = array<i32>} : memref<8192xf32, #tpu.memory_space<vmem>>, vector<16xf32>,
    }
    %scan3A_49 = arith.constant 32 : i32
    %dma_start3A_50 = arith.constant 0 : i32
    %dma_start3A_51 = tpu.memref_slice %arg7[%dma_start3A_50] : memref<8192xf32, #tpu.memory_space<vmem>> -> memref<4096xf32, #tpu.memory_space<vmem>>
    %dma_start3A_52 = arith.constant 8192 : i32
    %dma_start3A_53 = tpu.memref_slice %arg4[%add3A_4, %dma_start3A_52] : memref<128x16384xf32, #tpu.memory_space<hbm>> -> memref<1x4096xf32, #tpu.memory_space<hbm>>
    %dma_start3A_54 = tpu.memref_squeeze %dma_start3A_53 : memref<1x4096xf32, #tpu.memory_space<hbm>> -> memref<4096xf32, #tpu.memory_space<hbm>>
    %dma_start3A_55 = arith.constant 8192 : i32
    %dma_start3A_56 = tpu.memref_slice %arg4[%add3A_4, %dma_start3A_55] : memref<128x16384xf32, #tpu.memory_space<hbm>> -> memref<1x4096xf32, #tpu.memory_space<hbm>>
    %dma_start3A_57 = tpu.memref_squeeze %dma_start3A_56 : memref<1x4096xf32, #tpu.memory_space<hbm>> -> memref<4096xf32, #tpu.memory_space<hbm>>
    %dma_start3A_58 = arith.constant 0 : i32
    %dma_start3A_59 = tpu.memref_slice %arg7[%dma_start3A_58] : memref<8192xf32, #tpu.memory_space<vmem>> -> memref<4096xf32, #tpu.memory_space<vmem>>
    tpu.enqueue_dma source(%dma_start3A_59 : memref<4096xf32, #tpu.memory_space<vmem>>) target(%dma_start3A_57 : memref<4096xf32, #tpu.memory_space<hbm>>) target_semaphore(%arg8 : memref<!tpu.dma_semaphore, #tpu.memory_space<semaphore_mem>>)
    %dma_wait3A_60 = arith.constant 4096 : i32
    %dma_wait3A_61 = tpu.memref_slice %arg7[%dma_wait3A_60] : memref<8192xf32, #tpu.memory_space<vmem>> -> memref<4096xf32, #tpu.memory_space<vmem>>
    %dma_wait3A_62 = arith.constant 4096 : i32
    %dma_wait3A_63 = tpu.memref_slice %arg4[%add3A_4, %dma_wait3A_62] : memref<128x16384xf32, #tpu.memory_space<hbm>> -> memref<1x4096xf32, #tpu.memory_space<hbm>>
    %dma_wait3A_64 = tpu.memref_squeeze %dma_wait3A_63 : memref<1x4096xf32, #tpu.memory_space<hbm>> -> memref<4096xf32, #tpu.memory_space<hbm>>
    %dma_wait3A_65 = arith.constant 4096 : i32
    %dma_wait3A_66 = tpu.memref_slice %arg4[%add3A_4, %dma_wait3A_65] : memref<128x16384xf32, #tpu.memory_space<hbm>> -> memref<1x4096xf32, #tpu.memory_space<hbm>>
    %dma_wait3A_67 = tpu.memref_squeeze %dma_wait3A_66 : memref<1x4096xf32, #tpu.memory_space<hbm>> -> memref<4096xf32, #tpu.memory_space<hbm>>
    %dma_wait3A_68 = arith.constant 4096 : i32
    %dma_wait3A_69 = tpu.memref_slice %arg7[%dma_wait3A_68] : memref<8192xf32, #tpu.memory_space<vmem>> -> memref<4096xf32, #tpu.memory_space<vmem>>
    tpu.wait_dma2 semaphore(%arg8 : memref<!tpu.dma_semaphore, #tpu.memory_space<semaphore_mem>>) src(%dma_wait3A_69 : memref<4096xf32, #tpu.memory_space<vmem>>) dst(%dma_wait3A_67 : memref<4096xf32, #tpu.memory_space<hbm>>)
    %scan3A_70 = arith.constant 0 : i32
    %scan3A_71 = arith.constant 0 : i32
    %scan3A_72 = arith.constant 32 : i32
    %scan3A_73 = arith.addi %scan3A_71, %scan3A_72 : i32
    %scan3A_74 = arith.constant 1 : i32
    scf.for %scan3A_430 = %scan3A_71 to %scan3A_73 step %scan3A_74  : i32 {
      %mul3A_431 = arith.constant 16 : i32
      %mul3A_432 = arith.muli %scan3A_430, %mul3A_431 : i32
      %mul3A_433 = arith.constant 8 : i32
      %mul3A_434 = arith.muli %mul3A_432, %mul3A_433 : i32
      %add3A_435 = arith.constant 12288 : i32
      %add3A_436 = arith.addi %add3A_435, %mul3A_434 : i32
      %add3A_437 = arith.constant 0 : i32
      %add3A_438 = arith.addi %add3A_436, %add3A_437 : i32
      %get3A = arith.index_cast %add3A_438 : i32 to index
      %get3A_439 = tpu.vector_load %arg5[%get3A] {strides = array<i32>} : memref<16384xi32, #tpu.memory_space<vmem>>, vector<16xi32>,
      %gather3A = tpu.vector_load_idx %arg6[%get3A_439] : memref<100000xf32, #tpu.memory_space<vmem>>[vector<16xi32>], vector<16xf32>,
      %add3A_440 = arith.constant 4096 : i32
      %add3A_441 = arith.addi %add3A_440, %mul3A_434 : i32
      %add3A_442 = arith.constant 0 : i32
      %add3A_443 = arith.addi %add3A_441, %add3A_442 : i32
      %swap3A = arith.index_cast %add3A_443 : i32 to index
      %swap3A_444 = tpu.vector_load %arg7[%swap3A] {strides = array<i32>} : memref<8192xf32, #tpu.memory_space<vmem>>, vector<16xf32>,
      tpu.vector_store %arg7[%swap3A], %gather3A {strides = array<i32>} : memref<8192xf32, #tpu.memory_space<vmem>>, vector<16xf32>,
      %add3A_445 = arith.constant 12288 : i32
      %add3A_446 = arith.addi %add3A_445, %mul3A_434 : i32
      %add3A_447 = arith.constant 16 : i32
      %add3A_448 = arith.addi %add3A_446, %add3A_447 : i32
      %get3A_449 = arith.index_cast %add3A_448 : i32 to index
      %get3A_450 = tpu.vector_load %arg5[%get3A_449] {strides = array<i32>} : memref<16384xi32, #tpu.memory_space<vmem>>, vector<16xi32>,
      %gather3A_451 = tpu.vector_load_idx %arg6[%get3A_450] : memref<100000xf32, #tpu.memory_space<vmem>>[vector<16xi32>], vector<16xf32>,
      %add3A_452 = arith.constant 4096 : i32
      %add3A_453 = arith.addi %add3A_452, %mul3A_434 : i32
      %add3A_454 = arith.constant 16 : i32
      %add3A_455 = arith.addi %add3A_453, %add3A_454 : i32
      %swap3A_456 = arith.index_cast %add3A_455 : i32 to index
      %swap3A_457 = tpu.vector_load %arg7[%swap3A_456] {strides = array<i32>} : memref<8192xf32, #tpu.memory_space<vmem>>, vector<16xf32>,
      tpu.vector_store %arg7[%swap3A_456], %gather3A_451 {strides = array<i32>} : memref<8192xf32, #tpu.memory_space<vmem>>, vector<16xf32>,
      %add3A_458 = arith.constant 12288 : i32
      %add3A_459 = arith.addi %add3A_458, %mul3A_434 : i32
      %add3A_460 = arith.constant 32 : i32
      %add3A_461 = arith.addi %add3A_459, %add3A_460 : i32
      %get3A_462 = arith.index_cast %add3A_461 : i32 to index
      %get3A_463 = tpu.vector_load %arg5[%get3A_462] {strides = array<i32>} : memref<16384xi32, #tpu.memory_space<vmem>>, vector<16xi32>,
      %gather3A_464 = tpu.vector_load_idx %arg6[%get3A_463] : memref<100000xf32, #tpu.memory_space<vmem>>[vector<16xi32>], vector<16xf32>,
      %add3A_465 = arith.constant 4096 : i32
      %add3A_466 = arith.addi %add3A_465, %mul3A_434 : i32
      %add3A_467 = arith.constant 32 : i32
      %add3A_468 = arith.addi %add3A_466, %add3A_467 : i32
      %swap3A_469 = arith.index_cast %add3A_468 : i32 to index
      %swap3A_470 = tpu.vector_load %arg7[%swap3A_469] {strides = array<i32>} : memref<8192xf32, #tpu.memory_space<vmem>>, vector<16xf32>,
      tpu.vector_store %arg7[%swap3A_469], %gather3A_464 {strides = array<i32>} : memref<8192xf32, #tpu.memory_space<vmem>>, vector<16xf32>,
      %add3A_471 = arith.constant 12288 : i32
      %add3A_472 = arith.addi %add3A_471, %mul3A_434 : i32
      %add3A_473 = arith.constant 48 : i32
      %add3A_474 = arith.addi %add3A_472, %add3A_473 : i32
      %get3A_475 = arith.index_cast %add3A_474 : i32 to index
      %get3A_476 = tpu.vector_load %arg5[%get3A_475] {strides = array<i32>} : memref<16384xi32, #tpu.memory_space<vmem>>, vector<16xi32>,
      %gather3A_477 = tpu.vector_load_idx %arg6[%get3A_476] : memref<100000xf32, #tpu.memory_space<vmem>>[vector<16xi32>], vector<16xf32>,
      %add3A_478 = arith.constant 4096 : i32
      %add3A_479 = arith.addi %add3A_478, %mul3A_434 : i32
      %add3A_480 = arith.constant 48 : i32
      %add3A_481 = arith.addi %add3A_479, %add3A_480 : i32
      %swap3A_482 = arith.index_cast %add3A_481 : i32 to index
      %swap3A_483 = tpu.vector_load %arg7[%swap3A_482] {strides = array<i32>} : memref<8192xf32, #tpu.memory_space<vmem>>, vector<16xf32>,
      tpu.vector_store %arg7[%swap3A_482], %gather3A_477 {strides = array<i32>} : memref<8192xf32, #tpu.memory_space<vmem>>, vector<16xf32>,
      %add3A_484 = arith.constant 12288 : i32
      %add3A_485 = arith.addi %add3A_484, %mul3A_434 : i32
      %add3A_486 = arith.constant 64 : i32
      %add3A_487 = arith.addi %add3A_485, %add3A_486 : i32
      %get3A_488 = arith.index_cast %add3A_487 : i32 to index
      %get3A_489 = tpu.vector_load %arg5[%get3A_488] {strides = array<i32>} : memref<16384xi32, #tpu.memory_space<vmem>>, vector<16xi32>,
      %gather3A_490 = tpu.vector_load_idx %arg6[%get3A_489] : memref<100000xf32, #tpu.memory_space<vmem>>[vector<16xi32>], vector<16xf32>,
      %add3A_491 = arith.constant 4096 : i32
      %add3A_492 = arith.addi %add3A_491, %mul3A_434 : i32
      %add3A_493 = arith.constant 64 : i32
      %add3A_494 = arith.addi %add3A_492, %add3A_493 : i32
      %swap3A_495 = arith.index_cast %add3A_494 : i32 to index
      %swap3A_496 = tpu.vector_load %arg7[%swap3A_495] {strides = array<i32>} : memref<8192xf32, #tpu.memory_space<vmem>>, vector<16xf32>,
      tpu.vector_store %arg7[%swap3A_495], %gather3A_490 {strides = array<i32>} : memref<8192xf32, #tpu.memory_space<vmem>>, vector<16xf32>,
      %add3A_497 = arith.constant 12288 : i32
      %add3A_498 = arith.addi %add3A_497, %mul3A_434 : i32
      %add3A_499 = arith.constant 80 : i32
      %add3A_500 = arith.addi %add3A_498, %add3A_499 : i32
      %get3A_501 = arith.index_cast %add3A_500 : i32 to index
      %get3A_502 = tpu.vector_load %arg5[%get3A_501] {strides = array<i32>} : memref<16384xi32, #tpu.memory_space<vmem>>, vector<16xi32>,
      %gather3A_503 = tpu.vector_load_idx %arg6[%get3A_502] : memref<100000xf32, #tpu.memory_space<vmem>>[vector<16xi32>], vector<16xf32>,
      %add3A_504 = arith.constant 4096 : i32
      %add3A_505 = arith.addi %add3A_504, %mul3A_434 : i32
      %add3A_506 = arith.constant 80 : i32
      %add3A_507 = arith.addi %add3A_505, %add3A_506 : i32
      %swap3A_508 = arith.index_cast %add3A_507 : i32 to index
      %swap3A_509 = tpu.vector_load %arg7[%swap3A_508] {strides = array<i32>} : memref<8192xf32, #tpu.memory_space<vmem>>, vector<16xf32>,
      tpu.vector_store %arg7[%swap3A_508], %gather3A_503 {strides = array<i32>} : memref<8192xf32, #tpu.memory_space<vmem>>, vector<16xf32>,
      %add3A_510 = arith.constant 12288 : i32
      %add3A_511 = arith.addi %add3A_510, %mul3A_434 : i32
      %add3A_512 = arith.constant 96 : i32
      %add3A_513 = arith.addi %add3A_511, %add3A_512 : i32
      %get3A_514 = arith.index_cast %add3A_513 : i32 to index
      %get3A_515 = tpu.vector_load %arg5[%get3A_514] {strides = array<i32>} : memref<16384xi32, #tpu.memory_space<vmem>>, vector<16xi32>,
      %gather3A_516 = tpu.vector_load_idx %arg6[%get3A_515] : memref<100000xf32, #tpu.memory_space<vmem>>[vector<16xi32>], vector<16xf32>,
      %add3A_517 = arith.constant 4096 : i32
      %add3A_518 = arith.addi %add3A_517, %mul3A_434 : i32
      %add3A_519 = arith.constant 96 : i32
      %add3A_520 = arith.addi %add3A_518, %add3A_519 : i32
      %swap3A_521 = arith.index_cast %add3A_520 : i32 to index
      %swap3A_522 = tpu.vector_load %arg7[%swap3A_521] {strides = array<i32>} : memref<8192xf32, #tpu.memory_space<vmem>>, vector<16xf32>,
      tpu.vector_store %arg7[%swap3A_521], %gather3A_516 {strides = array<i32>} : memref<8192xf32, #tpu.memory_space<vmem>>, vector<16xf32>,
      %add3A_523 = arith.constant 12288 : i32
      %add3A_524 = arith.addi %add3A_523, %mul3A_434 : i32
      %add3A_525 = arith.constant 112 : i32
      %add3A_526 = arith.addi %add3A_524, %add3A_525 : i32
      %get3A_527 = arith.index_cast %add3A_526 : i32 to index
      %get3A_528 = tpu.vector_load %arg5[%get3A_527] {strides = array<i32>} : memref<16384xi32, #tpu.memory_space<vmem>>, vector<16xi32>,
      %gather3A_529 = tpu.vector_load_idx %arg6[%get3A_528] : memref<100000xf32, #tpu.memory_space<vmem>>[vector<16xi32>], vector<16xf32>,
      %add3A_530 = arith.constant 4096 : i32
      %add3A_531 = arith.addi %add3A_530, %mul3A_434 : i32
      %add3A_532 = arith.constant 112 : i32
      %add3A_533 = arith.addi %add3A_531, %add3A_532 : i32
      %swap3A_534 = arith.index_cast %add3A_533 : i32 to index
      %swap3A_535 = tpu.vector_load %arg7[%swap3A_534] {strides = array<i32>} : memref<8192xf32, #tpu.memory_space<vmem>>, vector<16xf32>,
      tpu.vector_store %arg7[%swap3A_534], %gather3A_529 {strides = array<i32>} : memref<8192xf32, #tpu.memory_space<vmem>>, vector<16xf32>,
    }
    %scan3A_75 = arith.constant 32 : i32
    %dma_start3A_76 = arith.constant 4096 : i32
    %dma_start3A_77 = tpu.memref_slice %arg7[%dma_start3A_76] : memref<8192xf32, #tpu.memory_space<vmem>> -> memref<4096xf32, #tpu.memory_space<vmem>>
    %dma_start3A_78 = arith.constant 12288 : i32
    %dma_start3A_79 = tpu.memref_slice %arg4[%add3A_4, %dma_start3A_78] : memref<128x16384xf32, #tpu.memory_space<hbm>> -> memref<1x4096xf32, #tpu.memory_space<hbm>>
    %dma_start3A_80 = tpu.memref_squeeze %dma_start3A_79 : memref<1x4096xf32, #tpu.memory_space<hbm>> -> memref<4096xf32, #tpu.memory_space<hbm>>
    %dma_start3A_81 = arith.constant 12288 : i32
    %dma_start3A_82 = tpu.memref_slice %arg4[%add3A_4, %dma_start3A_81] : memref<128x16384xf32, #tpu.memory_space<hbm>> -> memref<1x4096xf32, #tpu.memory_space<hbm>>
    %dma_start3A_83 = tpu.memref_squeeze %dma_start3A_82 : memref<1x4096xf32, #tpu.memory_space<hbm>> -> memref<4096xf32, #tpu.memory_space<hbm>>
    %dma_start3A_84 = arith.constant 4096 : i32
    %dma_start3A_85 = tpu.memref_slice %arg7[%dma_start3A_84] : memref<8192xf32, #tpu.memory_space<vmem>> -> memref<4096xf32, #tpu.memory_space<vmem>>
    tpu.enqueue_dma source(%dma_start3A_85 : memref<4096xf32, #tpu.memory_space<vmem>>) target(%dma_start3A_83 : memref<4096xf32, #tpu.memory_space<hbm>>) target_semaphore(%arg8 : memref<!tpu.dma_semaphore, #tpu.memory_space<semaphore_mem>>)
    %mul3A_86 = arith.constant 4 : i32
    %mul3A_87 = arith.muli %add3A, %mul3A_86 : i32
    %add3A_88 = arith.constant 1 : i32
    %add3A_89 = arith.addi %mul3A_87, %add3A_88 : i32
    "tpu.region"() ({
      %run_scoped3A = tpu.sem_alloc : memref<!tpu.dma_semaphore, #tpu.memory_space<semaphore_mem>>
      %dma_start3A_430 = arith.constant 0 : i32
      %dma_start3A_431 = tpu.memref_slice %arg2[%add3A_89, %dma_start3A_430] : memref<128x100000xf32, #tpu.memory_space<hbm>> -> memref<1x100000xf32, #tpu.memory_space<hbm>>
      %dma_start3A_432 = tpu.memref_squeeze %dma_start3A_431 : memref<1x100000xf32, #tpu.memory_space<hbm>> -> memref<100000xf32, #tpu.memory_space<hbm>>
      %dma_start3A_433 = arith.constant 0 : i32
      %dma_start3A_434 = tpu.memref_slice %arg2[%add3A_89, %dma_start3A_433] : memref<128x100000xf32, #tpu.memory_space<hbm>> -> memref<1x100000xf32, #tpu.memory_space<hbm>>
      %dma_start3A_435 = tpu.memref_squeeze %dma_start3A_434 : memref<1x100000xf32, #tpu.memory_space<hbm>> -> memref<100000xf32, #tpu.memory_space<hbm>>
      tpu.enqueue_dma source(%dma_start3A_435 : memref<100000xf32, #tpu.memory_space<hbm>>) target(%arg6 : memref<100000xf32, #tpu.memory_space<vmem>>) target_semaphore(%run_scoped3A : memref<!tpu.dma_semaphore, #tpu.memory_space<semaphore_mem>>)
      %dma_wait3A_436 = arith.constant 0 : i32
      %dma_wait3A_437 = tpu.memref_slice %arg2[%add3A_89, %dma_wait3A_436] : memref<128x100000xf32, #tpu.memory_space<hbm>> -> memref<1x100000xf32, #tpu.memory_space<hbm>>
      %dma_wait3A_438 = tpu.memref_squeeze %dma_wait3A_437 : memref<1x100000xf32, #tpu.memory_space<hbm>> -> memref<100000xf32, #tpu.memory_space<hbm>>
      %dma_wait3A_439 = arith.constant 0 : i32
      %dma_wait3A_440 = tpu.memref_slice %arg2[%add3A_89, %dma_wait3A_439] : memref<128x100000xf32, #tpu.memory_space<hbm>> -> memref<1x100000xf32, #tpu.memory_space<hbm>>
      %dma_wait3A_441 = tpu.memref_squeeze %dma_wait3A_440 : memref<1x100000xf32, #tpu.memory_space<hbm>> -> memref<100000xf32, #tpu.memory_space<hbm>>
      tpu.wait_dma2 semaphore(%run_scoped3A : memref<!tpu.dma_semaphore, #tpu.memory_space<semaphore_mem>>) src(%dma_wait3A_441 : memref<100000xf32, #tpu.memory_space<hbm>>) dst(%arg6 : memref<100000xf32, #tpu.memory_space<vmem>>)
      tpu.yield
    }) : () -> ()
    %dma_wait3A_90 = arith.constant 0 : i32
    %dma_wait3A_91 = tpu.memref_slice %arg7[%dma_wait3A_90] : memref<8192xf32, #tpu.memory_space<vmem>> -> memref<4096xf32, #tpu.memory_space<vmem>>
    %dma_wait3A_92 = arith.constant 8192 : i32
    %dma_wait3A_93 = tpu.memref_slice %arg4[%add3A_4, %dma_wait3A_92] : memref<128x16384xf32, #tpu.memory_space<hbm>> -> memref<1x4096xf32, #tpu.memory_space<hbm>>
    %dma_wait3A_94 = tpu.memref_squeeze %dma_wait3A_93 : memref<1x4096xf32, #tpu.memory_space<hbm>> -> memref<4096xf32, #tpu.memory_space<hbm>>
    %dma_wait3A_95 = arith.constant 8192 : i32
    %dma_wait3A_96 = tpu.memref_slice %arg4[%add3A_4, %dma_wait3A_95] : memref<128x16384xf32, #tpu.memory_space<hbm>> -> memref<1x4096xf32, #tpu.memory_space<hbm>>
    %dma_wait3A_97 = tpu.memref_squeeze %dma_wait3A_96 : memref<1x4096xf32, #tpu.memory_space<hbm>> -> memref<4096xf32, #tpu.memory_space<hbm>>
    %dma_wait3A_98 = arith.constant 0 : i32
    %dma_wait3A_99 = tpu.memref_slice %arg7[%dma_wait3A_98] : memref<8192xf32, #tpu.memory_space<vmem>> -> memref<4096xf32, #tpu.memory_space<vmem>>
    tpu.wait_dma2 semaphore(%arg8 : memref<!tpu.dma_semaphore, #tpu.memory_space<semaphore_mem>>) src(%dma_wait3A_99 : memref<4096xf32, #tpu.memory_space<vmem>>) dst(%dma_wait3A_97 : memref<4096xf32, #tpu.memory_space<hbm>>)
    %scan3A_100 = arith.constant 0 : i32
    %scan3A_101 = arith.constant 0 : i32
    %scan3A_102 = arith.constant 32 : i32
    %scan3A_103 = arith.addi %scan3A_101, %scan3A_102 : i32
    %scan3A_104 = arith.constant 1 : i32
    scf.for %scan3A_430 = %scan3A_101 to %scan3A_103 step %scan3A_104  : i32 {
      %mul3A_431 = arith.constant 16 : i32
      %mul3A_432 = arith.muli %scan3A_430, %mul3A_431 : i32
      %mul3A_433 = arith.constant 8 : i32
      %mul3A_434 = arith.muli %mul3A_432, %mul3A_433 : i32
      %add3A_435 = arith.constant 0 : i32
      %add3A_436 = arith.addi %add3A_435, %mul3A_434 : i32
      %add3A_437 = arith.constant 0 : i32
      %add3A_438 = arith.addi %add3A_436, %add3A_437 : i32
      %get3A = arith.index_cast %add3A_438 : i32 to index
      %get3A_439 = tpu.vector_load %arg5[%get3A] {strides = array<i32>} : memref<16384xi32, #tpu.memory_space<vmem>>, vector<16xi32>,
      %gather3A = tpu.vector_load_idx %arg6[%get3A_439] : memref<100000xf32, #tpu.memory_space<vmem>>[vector<16xi32>], vector<16xf32>,
      %add3A_440 = arith.constant 0 : i32
      %add3A_441 = arith.addi %add3A_440, %mul3A_434 : i32
      %add3A_442 = arith.constant 0 : i32
      %add3A_443 = arith.addi %add3A_441, %add3A_442 : i32
      %swap3A = arith.index_cast %add3A_443 : i32 to index
      %swap3A_444 = tpu.vector_load %arg7[%swap3A] {strides = array<i32>} : memref<8192xf32, #tpu.memory_space<vmem>>, vector<16xf32>,
      tpu.vector_store %arg7[%swap3A], %gather3A {strides = array<i32>} : memref<8192xf32, #tpu.memory_space<vmem>>, vector<16xf32>,
      %add3A_445 = arith.constant 0 : i32
      %add3A_446 = arith.addi %add3A_445, %mul3A_434 : i32
      %add3A_447 = arith.constant 16 : i32
      %add3A_448 = arith.addi %add3A_446, %add3A_447 : i32
      %get3A_449 = arith.index_cast %add3A_448 : i32 to index
      %get3A_450 = tpu.vector_load %arg5[%get3A_449] {strides = array<i32>} : memref<16384xi32, #tpu.memory_space<vmem>>, vector<16xi32>,
      %gather3A_451 = tpu.vector_load_idx %arg6[%get3A_450] : memref<100000xf32, #tpu.memory_space<vmem>>[vector<16xi32>], vector<16xf32>,
      %add3A_452 = arith.constant 0 : i32
      %add3A_453 = arith.addi %add3A_452, %mul3A_434 : i32
      %add3A_454 = arith.constant 16 : i32
      %add3A_455 = arith.addi %add3A_453, %add3A_454 : i32
      %swap3A_456 = arith.index_cast %add3A_455 : i32 to index
      %swap3A_457 = tpu.vector_load %arg7[%swap3A_456] {strides = array<i32>} : memref<8192xf32, #tpu.memory_space<vmem>>, vector<16xf32>,
      tpu.vector_store %arg7[%swap3A_456], %gather3A_451 {strides = array<i32>} : memref<8192xf32, #tpu.memory_space<vmem>>, vector<16xf32>,
      %add3A_458 = arith.constant 0 : i32
      %add3A_459 = arith.addi %add3A_458, %mul3A_434 : i32
      %add3A_460 = arith.constant 32 : i32
      %add3A_461 = arith.addi %add3A_459, %add3A_460 : i32
      %get3A_462 = arith.index_cast %add3A_461 : i32 to index
      %get3A_463 = tpu.vector_load %arg5[%get3A_462] {strides = array<i32>} : memref<16384xi32, #tpu.memory_space<vmem>>, vector<16xi32>,
      %gather3A_464 = tpu.vector_load_idx %arg6[%get3A_463] : memref<100000xf32, #tpu.memory_space<vmem>>[vector<16xi32>], vector<16xf32>,
      %add3A_465 = arith.constant 0 : i32
      %add3A_466 = arith.addi %add3A_465, %mul3A_434 : i32
      %add3A_467 = arith.constant 32 : i32
      %add3A_468 = arith.addi %add3A_466, %add3A_467 : i32
      %swap3A_469 = arith.index_cast %add3A_468 : i32 to index
      %swap3A_470 = tpu.vector_load %arg7[%swap3A_469] {strides = array<i32>} : memref<8192xf32, #tpu.memory_space<vmem>>, vector<16xf32>,
      tpu.vector_store %arg7[%swap3A_469], %gather3A_464 {strides = array<i32>} : memref<8192xf32, #tpu.memory_space<vmem>>, vector<16xf32>,
      %add3A_471 = arith.constant 0 : i32
      %add3A_472 = arith.addi %add3A_471, %mul3A_434 : i32
      %add3A_473 = arith.constant 48 : i32
      %add3A_474 = arith.addi %add3A_472, %add3A_473 : i32
      %get3A_475 = arith.index_cast %add3A_474 : i32 to index
      %get3A_476 = tpu.vector_load %arg5[%get3A_475] {strides = array<i32>} : memref<16384xi32, #tpu.memory_space<vmem>>, vector<16xi32>,
      %gather3A_477 = tpu.vector_load_idx %arg6[%get3A_476] : memref<100000xf32, #tpu.memory_space<vmem>>[vector<16xi32>], vector<16xf32>,
      %add3A_478 = arith.constant 0 : i32
      %add3A_479 = arith.addi %add3A_478, %mul3A_434 : i32
      %add3A_480 = arith.constant 48 : i32
      %add3A_481 = arith.addi %add3A_479, %add3A_480 : i32
      %swap3A_482 = arith.index_cast %add3A_481 : i32 to index
      %swap3A_483 = tpu.vector_load %arg7[%swap3A_482] {strides = array<i32>} : memref<8192xf32, #tpu.memory_space<vmem>>, vector<16xf32>,
      tpu.vector_store %arg7[%swap3A_482], %gather3A_477 {strides = array<i32>} : memref<8192xf32, #tpu.memory_space<vmem>>, vector<16xf32>,
      %add3A_484 = arith.constant 0 : i32
      %add3A_485 = arith.addi %add3A_484, %mul3A_434 : i32
      %add3A_486 = arith.constant 64 : i32
      %add3A_487 = arith.addi %add3A_485, %add3A_486 : i32
      %get3A_488 = arith.index_cast %add3A_487 : i32 to index
      %get3A_489 = tpu.vector_load %arg5[%get3A_488] {strides = array<i32>} : memref<16384xi32, #tpu.memory_space<vmem>>, vector<16xi32>,
      %gather3A_490 = tpu.vector_load_idx %arg6[%get3A_489] : memref<100000xf32, #tpu.memory_space<vmem>>[vector<16xi32>], vector<16xf32>,
      %add3A_491 = arith.constant 0 : i32
      %add3A_492 = arith.addi %add3A_491, %mul3A_434 : i32
      %add3A_493 = arith.constant 64 : i32
      %add3A_494 = arith.addi %add3A_492, %add3A_493 : i32
      %swap3A_495 = arith.index_cast %add3A_494 : i32 to index
      %swap3A_496 = tpu.vector_load %arg7[%swap3A_495] {strides = array<i32>} : memref<8192xf32, #tpu.memory_space<vmem>>, vector<16xf32>,
      tpu.vector_store %arg7[%swap3A_495], %gather3A_490 {strides = array<i32>} : memref<8192xf32, #tpu.memory_space<vmem>>, vector<16xf32>,
      %add3A_497 = arith.constant 0 : i32
      %add3A_498 = arith.addi %add3A_497, %mul3A_434 : i32
      %add3A_499 = arith.constant 80 : i32
      %add3A_500 = arith.addi %add3A_498, %add3A_499 : i32
      %get3A_501 = arith.index_cast %add3A_500 : i32 to index
      %get3A_502 = tpu.vector_load %arg5[%get3A_501] {strides = array<i32>} : memref<16384xi32, #tpu.memory_space<vmem>>, vector<16xi32>,
      %gather3A_503 = tpu.vector_load_idx %arg6[%get3A_502] : memref<100000xf32, #tpu.memory_space<vmem>>[vector<16xi32>], vector<16xf32>,
      %add3A_504 = arith.constant 0 : i32
      %add3A_505 = arith.addi %add3A_504, %mul3A_434 : i32
      %add3A_506 = arith.constant 80 : i32
      %add3A_507 = arith.addi %add3A_505, %add3A_506 : i32
      %swap3A_508 = arith.index_cast %add3A_507 : i32 to index
      %swap3A_509 = tpu.vector_load %arg7[%swap3A_508] {strides = array<i32>} : memref<8192xf32, #tpu.memory_space<vmem>>, vector<16xf32>,
      tpu.vector_store %arg7[%swap3A_508], %gather3A_503 {strides = array<i32>} : memref<8192xf32, #tpu.memory_space<vmem>>, vector<16xf32>,
      %add3A_510 = arith.constant 0 : i32
      %add3A_511 = arith.addi %add3A_510, %mul3A_434 : i32
      %add3A_512 = arith.constant 96 : i32
      %add3A_513 = arith.addi %add3A_511, %add3A_512 : i32
      %get3A_514 = arith.index_cast %add3A_513 : i32 to index
      %get3A_515 = tpu.vector_load %arg5[%get3A_514] {strides = array<i32>} : memref<16384xi32, #tpu.memory_space<vmem>>, vector<16xi32>,
      %gather3A_516 = tpu.vector_load_idx %arg6[%get3A_515] : memref<100000xf32, #tpu.memory_space<vmem>>[vector<16xi32>], vector<16xf32>,
      %add3A_517 = arith.constant 0 : i32
      %add3A_518 = arith.addi %add3A_517, %mul3A_434 : i32
      %add3A_519 = arith.constant 96 : i32
      %add3A_520 = arith.addi %add3A_518, %add3A_519 : i32
      %swap3A_521 = arith.index_cast %add3A_520 : i32 to index
      %swap3A_522 = tpu.vector_load %arg7[%swap3A_521] {strides = array<i32>} : memref<8192xf32, #tpu.memory_space<vmem>>, vector<16xf32>,
      tpu.vector_store %arg7[%swap3A_521], %gather3A_516 {strides = array<i32>} : memref<8192xf32, #tpu.memory_space<vmem>>, vector<16xf32>,
      %add3A_523 = arith.constant 0 : i32
      %add3A_524 = arith.addi %add3A_523, %mul3A_434 : i32
      %add3A_525 = arith.constant 112 : i32
      %add3A_526 = arith.addi %add3A_524, %add3A_525 : i32
      %get3A_527 = arith.index_cast %add3A_526 : i32 to index
      %get3A_528 = tpu.vector_load %arg5[%get3A_527] {strides = array<i32>} : memref<16384xi32, #tpu.memory_space<vmem>>, vector<16xi32>,
      %gather3A_529 = tpu.vector_load_idx %arg6[%get3A_528] : memref<100000xf32, #tpu.memory_space<vmem>>[vector<16xi32>], vector<16xf32>,
      %add3A_530 = arith.constant 0 : i32
      %add3A_531 = arith.addi %add3A_530, %mul3A_434 : i32
      %add3A_532 = arith.constant 112 : i32
      %add3A_533 = arith.addi %add3A_531, %add3A_532 : i32
      %swap3A_534 = arith.index_cast %add3A_533 : i32 to index
      %swap3A_535 = tpu.vector_load %arg7[%swap3A_534] {strides = array<i32>} : memref<8192xf32, #tpu.memory_space<vmem>>, vector<16xf32>,
      tpu.vector_store %arg7[%swap3A_534], %gather3A_529 {strides = array<i32>} : memref<8192xf32, #tpu.memory_space<vmem>>, vector<16xf32>,
    }
    %scan3A_105 = arith.constant 32 : i32
    %dma_start3A_106 = arith.constant 0 : i32
    %dma_start3A_107 = tpu.memref_slice %arg7[%dma_start3A_106] : memref<8192xf32, #tpu.memory_space<vmem>> -> memref<4096xf32, #tpu.memory_space<vmem>>
    %dma_start3A_108 = arith.constant 0 : i32
    %dma_start3A_109 = tpu.memref_slice %arg4[%add3A_89, %dma_start3A_108] : memref<128x16384xf32, #tpu.memory_space<hbm>> -> memref<1x4096xf32, #tpu.memory_space<hbm>>
    %dma_start3A_110 = tpu.memref_squeeze %dma_start3A_109 : memref<1x4096xf32, #tpu.memory_space<hbm>> -> memref<4096xf32, #tpu.memory_space<hbm>>
    %dma_start3A_111 = arith.constant 0 : i32
    %dma_start3A_112 = tpu.memref_slice %arg4[%add3A_89, %dma_start3A_111] : memref<128x16384xf32, #tpu.memory_space<hbm>> -> memref<1x4096xf32, #tpu.memory_space<hbm>>
    %dma_start3A_113 = tpu.memref_squeeze %dma_start3A_112 : memref<1x4096xf32, #tpu.memory_space<hbm>> -> memref<4096xf32, #tpu.memory_space<hbm>>
    %dma_start3A_114 = arith.constant 0 : i32
    %dma_start3A_115 = tpu.memref_slice %arg7[%dma_start3A_114] : memref<8192xf32, #tpu.memory_space<vmem>> -> memref<4096xf32, #tpu.memory_space<vmem>>
    tpu.enqueue_dma source(%dma_start3A_115 : memref<4096xf32, #tpu.memory_space<vmem>>) target(%dma_start3A_113 : memref<4096xf32, #tpu.memory_space<hbm>>) target_semaphore(%arg8 : memref<!tpu.dma_semaphore, #tpu.memory_space<semaphore_mem>>)
    %dma_wait3A_116 = arith.constant 4096 : i32
    %dma_wait3A_117 = tpu.memref_slice %arg7[%dma_wait3A_116] : memref<8192xf32, #tpu.memory_space<vmem>> -> memref<4096xf32, #tpu.memory_space<vmem>>
    %dma_wait3A_118 = arith.constant 12288 : i32
    %dma_wait3A_119 = tpu.memref_slice %arg4[%add3A_4, %dma_wait3A_118] : memref<128x16384xf32, #tpu.memory_space<hbm>> -> memref<1x4096xf32, #tpu.memory_space<hbm>>
    %dma_wait3A_120 = tpu.memref_squeeze %dma_wait3A_119 : memref<1x4096xf32, #tpu.memory_space<hbm>> -> memref<4096xf32, #tpu.memory_space<hbm>>
    %dma_wait3A_121 = arith.constant 12288 : i32
    %dma_wait3A_122 = tpu.memref_slice %arg4[%add3A_4, %dma_wait3A_121] : memref<128x16384xf32, #tpu.memory_space<hbm>> -> memref<1x4096xf32, #tpu.memory_space<hbm>>
    %dma_wait3A_123 = tpu.memref_squeeze %dma_wait3A_122 : memref<1x4096xf32, #tpu.memory_space<hbm>> -> memref<4096xf32, #tpu.memory_space<hbm>>
    %dma_wait3A_124 = arith.constant 4096 : i32
    %dma_wait3A_125 = tpu.memref_slice %arg7[%dma_wait3A_124] : memref<8192xf32, #tpu.memory_space<vmem>> -> memref<4096xf32, #tpu.memory_space<vmem>>
    tpu.wait_dma2 semaphore(%arg8 : memref<!tpu.dma_semaphore, #tpu.memory_space<semaphore_mem>>) src(%dma_wait3A_125 : memref<4096xf32, #tpu.memory_space<vmem>>) dst(%dma_wait3A_123 : memref<4096xf32, #tpu.memory_space<hbm>>)
    %scan3A_126 = arith.constant 0 : i32
    %scan3A_127 = arith.constant 0 : i32
    %scan3A_128 = arith.constant 32 : i32
    %scan3A_129 = arith.addi %scan3A_127, %scan3A_128 : i32
    %scan3A_130 = arith.constant 1 : i32
    scf.for %scan3A_430 = %scan3A_127 to %scan3A_129 step %scan3A_130  : i32 {
      %mul3A_431 = arith.constant 16 : i32
      %mul3A_432 = arith.muli %scan3A_430, %mul3A_431 : i32
      %mul3A_433 = arith.constant 8 : i32
      %mul3A_434 = arith.muli %mul3A_432, %mul3A_433 : i32
      %add3A_435 = arith.constant 4096 : i32
      %add3A_436 = arith.addi %add3A_435, %mul3A_434 : i32
      %add3A_437 = arith.constant 0 : i32
      %add3A_438 = arith.addi %add3A_436, %add3A_437 : i32
      %get3A = arith.index_cast %add3A_438 : i32 to index
      %get3A_439 = tpu.vector_load %arg5[%get3A] {strides = array<i32>} : memref<16384xi32, #tpu.memory_space<vmem>>, vector<16xi32>,
      %gather3A = tpu.vector_load_idx %arg6[%get3A_439] : memref<100000xf32, #tpu.memory_space<vmem>>[vector<16xi32>], vector<16xf32>,
      %add3A_440 = arith.constant 4096 : i32
      %add3A_441 = arith.addi %add3A_440, %mul3A_434 : i32
      %add3A_442 = arith.constant 0 : i32
      %add3A_443 = arith.addi %add3A_441, %add3A_442 : i32
      %swap3A = arith.index_cast %add3A_443 : i32 to index
      %swap3A_444 = tpu.vector_load %arg7[%swap3A] {strides = array<i32>} : memref<8192xf32, #tpu.memory_space<vmem>>, vector<16xf32>,
      tpu.vector_store %arg7[%swap3A], %gather3A {strides = array<i32>} : memref<8192xf32, #tpu.memory_space<vmem>>, vector<16xf32>,
      %add3A_445 = arith.constant 4096 : i32
      %add3A_446 = arith.addi %add3A_445, %mul3A_434 : i32
      %add3A_447 = arith.constant 16 : i32
      %add3A_448 = arith.addi %add3A_446, %add3A_447 : i32
      %get3A_449 = arith.index_cast %add3A_448 : i32 to index
      %get3A_450 = tpu.vector_load %arg5[%get3A_449] {strides = array<i32>} : memref<16384xi32, #tpu.memory_space<vmem>>, vector<16xi32>,
      %gather3A_451 = tpu.vector_load_idx %arg6[%get3A_450] : memref<100000xf32, #tpu.memory_space<vmem>>[vector<16xi32>], vector<16xf32>,
      %add3A_452 = arith.constant 4096 : i32
      %add3A_453 = arith.addi %add3A_452, %mul3A_434 : i32
      %add3A_454 = arith.constant 16 : i32
      %add3A_455 = arith.addi %add3A_453, %add3A_454 : i32
      %swap3A_456 = arith.index_cast %add3A_455 : i32 to index
      %swap3A_457 = tpu.vector_load %arg7[%swap3A_456] {strides = array<i32>} : memref<8192xf32, #tpu.memory_space<vmem>>, vector<16xf32>,
      tpu.vector_store %arg7[%swap3A_456], %gather3A_451 {strides = array<i32>} : memref<8192xf32, #tpu.memory_space<vmem>>, vector<16xf32>,
      %add3A_458 = arith.constant 4096 : i32
      %add3A_459 = arith.addi %add3A_458, %mul3A_434 : i32
      %add3A_460 = arith.constant 32 : i32
      %add3A_461 = arith.addi %add3A_459, %add3A_460 : i32
      %get3A_462 = arith.index_cast %add3A_461 : i32 to index
      %get3A_463 = tpu.vector_load %arg5[%get3A_462] {strides = array<i32>} : memref<16384xi32, #tpu.memory_space<vmem>>, vector<16xi32>,
      %gather3A_464 = tpu.vector_load_idx %arg6[%get3A_463] : memref<100000xf32, #tpu.memory_space<vmem>>[vector<16xi32>], vector<16xf32>,
      %add3A_465 = arith.constant 4096 : i32
      %add3A_466 = arith.addi %add3A_465, %mul3A_434 : i32
      %add3A_467 = arith.constant 32 : i32
      %add3A_468 = arith.addi %add3A_466, %add3A_467 : i32
      %swap3A_469 = arith.index_cast %add3A_468 : i32 to index
      %swap3A_470 = tpu.vector_load %arg7[%swap3A_469] {strides = array<i32>} : memref<8192xf32, #tpu.memory_space<vmem>>, vector<16xf32>,
      tpu.vector_store %arg7[%swap3A_469], %gather3A_464 {strides = array<i32>} : memref<8192xf32, #tpu.memory_space<vmem>>, vector<16xf32>,
      %add3A_471 = arith.constant 4096 : i32
      %add3A_472 = arith.addi %add3A_471, %mul3A_434 : i32
      %add3A_473 = arith.constant 48 : i32
      %add3A_474 = arith.addi %add3A_472, %add3A_473 : i32
      %get3A_475 = arith.index_cast %add3A_474 : i32 to index
      %get3A_476 = tpu.vector_load %arg5[%get3A_475] {strides = array<i32>} : memref<16384xi32, #tpu.memory_space<vmem>>, vector<16xi32>,
      %gather3A_477 = tpu.vector_load_idx %arg6[%get3A_476] : memref<100000xf32, #tpu.memory_space<vmem>>[vector<16xi32>], vector<16xf32>,
      %add3A_478 = arith.constant 4096 : i32
      %add3A_479 = arith.addi %add3A_478, %mul3A_434 : i32
      %add3A_480 = arith.constant 48 : i32
      %add3A_481 = arith.addi %add3A_479, %add3A_480 : i32
      %swap3A_482 = arith.index_cast %add3A_481 : i32 to index
      %swap3A_483 = tpu.vector_load %arg7[%swap3A_482] {strides = array<i32>} : memref<8192xf32, #tpu.memory_space<vmem>>, vector<16xf32>,
      tpu.vector_store %arg7[%swap3A_482], %gather3A_477 {strides = array<i32>} : memref<8192xf32, #tpu.memory_space<vmem>>, vector<16xf32>,
      %add3A_484 = arith.constant 4096 : i32
      %add3A_485 = arith.addi %add3A_484, %mul3A_434 : i32
      %add3A_486 = arith.constant 64 : i32
      %add3A_487 = arith.addi %add3A_485, %add3A_486 : i32
      %get3A_488 = arith.index_cast %add3A_487 : i32 to index
      %get3A_489 = tpu.vector_load %arg5[%get3A_488] {strides = array<i32>} : memref<16384xi32, #tpu.memory_space<vmem>>, vector<16xi32>,
      %gather3A_490 = tpu.vector_load_idx %arg6[%get3A_489] : memref<100000xf32, #tpu.memory_space<vmem>>[vector<16xi32>], vector<16xf32>,
      %add3A_491 = arith.constant 4096 : i32
      %add3A_492 = arith.addi %add3A_491, %mul3A_434 : i32
      %add3A_493 = arith.constant 64 : i32
      %add3A_494 = arith.addi %add3A_492, %add3A_493 : i32
      %swap3A_495 = arith.index_cast %add3A_494 : i32 to index
      %swap3A_496 = tpu.vector_load %arg7[%swap3A_495] {strides = array<i32>} : memref<8192xf32, #tpu.memory_space<vmem>>, vector<16xf32>,
      tpu.vector_store %arg7[%swap3A_495], %gather3A_490 {strides = array<i32>} : memref<8192xf32, #tpu.memory_space<vmem>>, vector<16xf32>,
      %add3A_497 = arith.constant 4096 : i32
      %add3A_498 = arith.addi %add3A_497, %mul3A_434 : i32
      %add3A_499 = arith.constant 80 : i32
      %add3A_500 = arith.addi %add3A_498, %add3A_499 : i32
      %get3A_501 = arith.index_cast %add3A_500 : i32 to index
      %get3A_502 = tpu.vector_load %arg5[%get3A_501] {strides = array<i32>} : memref<16384xi32, #tpu.memory_space<vmem>>, vector<16xi32>,
      %gather3A_503 = tpu.vector_load_idx %arg6[%get3A_502] : memref<100000xf32, #tpu.memory_space<vmem>>[vector<16xi32>], vector<16xf32>,
      %add3A_504 = arith.constant 4096 : i32
      %add3A_505 = arith.addi %add3A_504, %mul3A_434 : i32
      %add3A_506 = arith.constant 80 : i32
      %add3A_507 = arith.addi %add3A_505, %add3A_506 : i32
      %swap3A_508 = arith.index_cast %add3A_507 : i32 to index
      %swap3A_509 = tpu.vector_load %arg7[%swap3A_508] {strides = array<i32>} : memref<8192xf32, #tpu.memory_space<vmem>>, vector<16xf32>,
      tpu.vector_store %arg7[%swap3A_508], %gather3A_503 {strides = array<i32>} : memref<8192xf32, #tpu.memory_space<vmem>>, vector<16xf32>,
      %add3A_510 = arith.constant 4096 : i32
      %add3A_511 = arith.addi %add3A_510, %mul3A_434 : i32
      %add3A_512 = arith.constant 96 : i32
      %add3A_513 = arith.addi %add3A_511, %add3A_512 : i32
      %get3A_514 = arith.index_cast %add3A_513 : i32 to index
      %get3A_515 = tpu.vector_load %arg5[%get3A_514] {strides = array<i32>} : memref<16384xi32, #tpu.memory_space<vmem>>, vector<16xi32>,
      %gather3A_516 = tpu.vector_load_idx %arg6[%get3A_515] : memref<100000xf32, #tpu.memory_space<vmem>>[vector<16xi32>], vector<16xf32>,
      %add3A_517 = arith.constant 4096 : i32
      %add3A_518 = arith.addi %add3A_517, %mul3A_434 : i32
      %add3A_519 = arith.constant 96 : i32
      %add3A_520 = arith.addi %add3A_518, %add3A_519 : i32
      %swap3A_521 = arith.index_cast %add3A_520 : i32 to index
      %swap3A_522 = tpu.vector_load %arg7[%swap3A_521] {strides = array<i32>} : memref<8192xf32, #tpu.memory_space<vmem>>, vector<16xf32>,
      tpu.vector_store %arg7[%swap3A_521], %gather3A_516 {strides = array<i32>} : memref<8192xf32, #tpu.memory_space<vmem>>, vector<16xf32>,
      %add3A_523 = arith.constant 4096 : i32
      %add3A_524 = arith.addi %add3A_523, %mul3A_434 : i32
      %add3A_525 = arith.constant 112 : i32
      %add3A_526 = arith.addi %add3A_524, %add3A_525 : i32
      %get3A_527 = arith.index_cast %add3A_526 : i32 to index
      %get3A_528 = tpu.vector_load %arg5[%get3A_527] {strides = array<i32>} : memref<16384xi32, #tpu.memory_space<vmem>>, vector<16xi32>,
      %gather3A_529 = tpu.vector_load_idx %arg6[%get3A_528] : memref<100000xf32, #tpu.memory_space<vmem>>[vector<16xi32>], vector<16xf32>,
      %add3A_530 = arith.constant 4096 : i32
      %add3A_531 = arith.addi %add3A_530, %mul3A_434 : i32
      %add3A_532 = arith.constant 112 : i32
      %add3A_533 = arith.addi %add3A_531, %add3A_532 : i32
      %swap3A_534 = arith.index_cast %add3A_533 : i32 to index
      %swap3A_535 = tpu.vector_load %arg7[%swap3A_534] {strides = array<i32>} : memref<8192xf32, #tpu.memory_space<vmem>>, vector<16xf32>,
      tpu.vector_store %arg7[%swap3A_534], %gather3A_529 {strides = array<i32>} : memref<8192xf32, #tpu.memory_space<vmem>>, vector<16xf32>,
    }
    %scan3A_131 = arith.constant 32 : i32
    %dma_start3A_132 = arith.constant 4096 : i32
    %dma_start3A_133 = tpu.memref_slice %arg7[%dma_start3A_132] : memref<8192xf32, #tpu.memory_space<vmem>> -> memref<4096xf32, #tpu.memory_space<vmem>>
    %dma_start3A_134 = arith.constant 4096 : i32
    %dma_start3A_135 = tpu.memref_slice %arg4[%add3A_89, %dma_start3A_134] : memref<128x16384xf32, #tpu.memory_space<hbm>> -> memref<1x4096xf32, #tpu.memory_space<hbm>>
    %dma_start3A_136 = tpu.memref_squeeze %dma_start3A_135 : memref<1x4096xf32, #tpu.memory_space<hbm>> -> memref<4096xf32, #tpu.memory_space<hbm>>
    %dma_start3A_137 = arith.constant 4096 : i32
    %dma_start3A_138 = tpu.memref_slice %arg4[%add3A_89, %dma_start3A_137] : memref<128x16384xf32, #tpu.memory_space<hbm>> -> memref<1x4096xf32, #tpu.memory_space<hbm>>
    %dma_start3A_139 = tpu.memref_squeeze %dma_start3A_138 : memref<1x4096xf32, #tpu.memory_space<hbm>> -> memref<4096xf32, #tpu.memory_space<hbm>>
    %dma_start3A_140 = arith.constant 4096 : i32
    %dma_start3A_141 = tpu.memref_slice %arg7[%dma_start3A_140] : memref<8192xf32, #tpu.memory_space<vmem>> -> memref<4096xf32, #tpu.memory_space<vmem>>
    tpu.enqueue_dma source(%dma_start3A_141 : memref<4096xf32, #tpu.memory_space<vmem>>) target(%dma_start3A_139 : memref<4096xf32, #tpu.memory_space<hbm>>) target_semaphore(%arg8 : memref<!tpu.dma_semaphore, #tpu.memory_space<semaphore_mem>>)
    %dma_wait3A_142 = arith.constant 0 : i32
    %dma_wait3A_143 = tpu.memref_slice %arg7[%dma_wait3A_142] : memref<8192xf32, #tpu.memory_space<vmem>> -> memref<4096xf32, #tpu.memory_space<vmem>>
    %dma_wait3A_144 = arith.constant 0 : i32
    %dma_wait3A_145 = tpu.memref_slice %arg4[%add3A_89, %dma_wait3A_144] : memref<128x16384xf32, #tpu.memory_space<hbm>> -> memref<1x4096xf32, #tpu.memory_space<hbm>>
    %dma_wait3A_146 = tpu.memref_squeeze %dma_wait3A_145 : memref<1x4096xf32, #tpu.memory_space<hbm>> -> memref<4096xf32, #tpu.memory_space<hbm>>
    %dma_wait3A_147 = arith.constant 0 : i32
    %dma_wait3A_148 = tpu.memref_slice %arg4[%add3A_89, %dma_wait3A_147] : memref<128x16384xf32, #tpu.memory_space<hbm>> -> memref<1x4096xf32, #tpu.memory_space<hbm>>
    %dma_wait3A_149 = tpu.memref_squeeze %dma_wait3A_148 : memref<1x4096xf32, #tpu.memory_space<hbm>> -> memref<4096xf32, #tpu.memory_space<hbm>>
    %dma_wait3A_150 = arith.constant 0 : i32
    %dma_wait3A_151 = tpu.memref_slice %arg7[%dma_wait3A_150] : memref<8192xf32, #tpu.memory_space<vmem>> -> memref<4096xf32, #tpu.memory_space<vmem>>
    tpu.wait_dma2 semaphore(%arg8 : memref<!tpu.dma_semaphore, #tpu.memory_space<semaphore_mem>>) src(%dma_wait3A_151 : memref<4096xf32, #tpu.memory_space<vmem>>) dst(%dma_wait3A_149 : memref<4096xf32, #tpu.memory_space<hbm>>)
    %scan3A_152 = arith.constant 0 : i32
    %scan3A_153 = arith.constant 0 : i32
    %scan3A_154 = arith.constant 32 : i32
    %scan3A_155 = arith.addi %scan3A_153, %scan3A_154 : i32
    %scan3A_156 = arith.constant 1 : i32
    scf.for %scan3A_430 = %scan3A_153 to %scan3A_155 step %scan3A_156  : i32 {
      %mul3A_431 = arith.constant 16 : i32
      %mul3A_432 = arith.muli %scan3A_430, %mul3A_431 : i32
      %mul3A_433 = arith.constant 8 : i32
      %mul3A_434 = arith.muli %mul3A_432, %mul3A_433 : i32
      %add3A_435 = arith.constant 8192 : i32
      %add3A_436 = arith.addi %add3A_435, %mul3A_434 : i32
      %add3A_437 = arith.constant 0 : i32
      %add3A_438 = arith.addi %add3A_436, %add3A_437 : i32
      %get3A = arith.index_cast %add3A_438 : i32 to index
      %get3A_439 = tpu.vector_load %arg5[%get3A] {strides = array<i32>} : memref<16384xi32, #tpu.memory_space<vmem>>, vector<16xi32>,
      %gather3A = tpu.vector_load_idx %arg6[%get3A_439] : memref<100000xf32, #tpu.memory_space<vmem>>[vector<16xi32>], vector<16xf32>,
      %add3A_440 = arith.constant 0 : i32
      %add3A_441 = arith.addi %add3A_440, %mul3A_434 : i32
      %add3A_442 = arith.constant 0 : i32
      %add3A_443 = arith.addi %add3A_441, %add3A_442 : i32
      %swap3A = arith.index_cast %add3A_443 : i32 to index
      %swap3A_444 = tpu.vector_load %arg7[%swap3A] {strides = array<i32>} : memref<8192xf32, #tpu.memory_space<vmem>>, vector<16xf32>,
      tpu.vector_store %arg7[%swap3A], %gather3A {strides = array<i32>} : memref<8192xf32, #tpu.memory_space<vmem>>, vector<16xf32>,
      %add3A_445 = arith.constant 8192 : i32
      %add3A_446 = arith.addi %add3A_445, %mul3A_434 : i32
      %add3A_447 = arith.constant 16 : i32
      %add3A_448 = arith.addi %add3A_446, %add3A_447 : i32
      %get3A_449 = arith.index_cast %add3A_448 : i32 to index
      %get3A_450 = tpu.vector_load %arg5[%get3A_449] {strides = array<i32>} : memref<16384xi32, #tpu.memory_space<vmem>>, vector<16xi32>,
      %gather3A_451 = tpu.vector_load_idx %arg6[%get3A_450] : memref<100000xf32, #tpu.memory_space<vmem>>[vector<16xi32>], vector<16xf32>,
      %add3A_452 = arith.constant 0 : i32
      %add3A_453 = arith.addi %add3A_452, %mul3A_434 : i32
      %add3A_454 = arith.constant 16 : i32
      %add3A_455 = arith.addi %add3A_453, %add3A_454 : i32
      %swap3A_456 = arith.index_cast %add3A_455 : i32 to index
      %swap3A_457 = tpu.vector_load %arg7[%swap3A_456] {strides = array<i32>} : memref<8192xf32, #tpu.memory_space<vmem>>, vector<16xf32>,
      tpu.vector_store %arg7[%swap3A_456], %gather3A_451 {strides = array<i32>} : memref<8192xf32, #tpu.memory_space<vmem>>, vector<16xf32>,
      %add3A_458 = arith.constant 8192 : i32
      %add3A_459 = arith.addi %add3A_458, %mul3A_434 : i32
      %add3A_460 = arith.constant 32 : i32
      %add3A_461 = arith.addi %add3A_459, %add3A_460 : i32
      %get3A_462 = arith.index_cast %add3A_461 : i32 to index
      %get3A_463 = tpu.vector_load %arg5[%get3A_462] {strides = array<i32>} : memref<16384xi32, #tpu.memory_space<vmem>>, vector<16xi32>,
      %gather3A_464 = tpu.vector_load_idx %arg6[%get3A_463] : memref<100000xf32, #tpu.memory_space<vmem>>[vector<16xi32>], vector<16xf32>,
      %add3A_465 = arith.constant 0 : i32
      %add3A_466 = arith.addi %add3A_465, %mul3A_434 : i32
      %add3A_467 = arith.constant 32 : i32
      %add3A_468 = arith.addi %add3A_466, %add3A_467 : i32
      %swap3A_469 = arith.index_cast %add3A_468 : i32 to index
      %swap3A_470 = tpu.vector_load %arg7[%swap3A_469] {strides = array<i32>} : memref<8192xf32, #tpu.memory_space<vmem>>, vector<16xf32>,
      tpu.vector_store %arg7[%swap3A_469], %gather3A_464 {strides = array<i32>} : memref<8192xf32, #tpu.memory_space<vmem>>, vector<16xf32>,
      %add3A_471 = arith.constant 8192 : i32
      %add3A_472 = arith.addi %add3A_471, %mul3A_434 : i32
      %add3A_473 = arith.constant 48 : i32
      %add3A_474 = arith.addi %add3A_472, %add3A_473 : i32
      %get3A_475 = arith.index_cast %add3A_474 : i32 to index
      %get3A_476 = tpu.vector_load %arg5[%get3A_475] {strides = array<i32>} : memref<16384xi32, #tpu.memory_space<vmem>>, vector<16xi32>,
      %gather3A_477 = tpu.vector_load_idx %arg6[%get3A_476] : memref<100000xf32, #tpu.memory_space<vmem>>[vector<16xi32>], vector<16xf32>,
      %add3A_478 = arith.constant 0 : i32
      %add3A_479 = arith.addi %add3A_478, %mul3A_434 : i32
      %add3A_480 = arith.constant 48 : i32
      %add3A_481 = arith.addi %add3A_479, %add3A_480 : i32
      %swap3A_482 = arith.index_cast %add3A_481 : i32 to index
      %swap3A_483 = tpu.vector_load %arg7[%swap3A_482] {strides = array<i32>} : memref<8192xf32, #tpu.memory_space<vmem>>, vector<16xf32>,
      tpu.vector_store %arg7[%swap3A_482], %gather3A_477 {strides = array<i32>} : memref<8192xf32, #tpu.memory_space<vmem>>, vector<16xf32>,
      %add3A_484 = arith.constant 8192 : i32
      %add3A_485 = arith.addi %add3A_484, %mul3A_434 : i32
      %add3A_486 = arith.constant 64 : i32
      %add3A_487 = arith.addi %add3A_485, %add3A_486 : i32
      %get3A_488 = arith.index_cast %add3A_487 : i32 to index
      %get3A_489 = tpu.vector_load %arg5[%get3A_488] {strides = array<i32>} : memref<16384xi32, #tpu.memory_space<vmem>>, vector<16xi32>,
      %gather3A_490 = tpu.vector_load_idx %arg6[%get3A_489] : memref<100000xf32, #tpu.memory_space<vmem>>[vector<16xi32>], vector<16xf32>,
      %add3A_491 = arith.constant 0 : i32
      %add3A_492 = arith.addi %add3A_491, %mul3A_434 : i32
      %add3A_493 = arith.constant 64 : i32
      %add3A_494 = arith.addi %add3A_492, %add3A_493 : i32
      %swap3A_495 = arith.index_cast %add3A_494 : i32 to index
      %swap3A_496 = tpu.vector_load %arg7[%swap3A_495] {strides = array<i32>} : memref<8192xf32, #tpu.memory_space<vmem>>, vector<16xf32>,
      tpu.vector_store %arg7[%swap3A_495], %gather3A_490 {strides = array<i32>} : memref<8192xf32, #tpu.memory_space<vmem>>, vector<16xf32>,
      %add3A_497 = arith.constant 8192 : i32
      %add3A_498 = arith.addi %add3A_497, %mul3A_434 : i32
      %add3A_499 = arith.constant 80 : i32
      %add3A_500 = arith.addi %add3A_498, %add3A_499 : i32
      %get3A_501 = arith.index_cast %add3A_500 : i32 to index
      %get3A_502 = tpu.vector_load %arg5[%get3A_501] {strides = array<i32>} : memref<16384xi32, #tpu.memory_space<vmem>>, vector<16xi32>,
      %gather3A_503 = tpu.vector_load_idx %arg6[%get3A_502] : memref<100000xf32, #tpu.memory_space<vmem>>[vector<16xi32>], vector<16xf32>,
      %add3A_504 = arith.constant 0 : i32
      %add3A_505 = arith.addi %add3A_504, %mul3A_434 : i32
      %add3A_506 = arith.constant 80 : i32
      %add3A_507 = arith.addi %add3A_505, %add3A_506 : i32
      %swap3A_508 = arith.index_cast %add3A_507 : i32 to index
      %swap3A_509 = tpu.vector_load %arg7[%swap3A_508] {strides = array<i32>} : memref<8192xf32, #tpu.memory_space<vmem>>, vector<16xf32>,
      tpu.vector_store %arg7[%swap3A_508], %gather3A_503 {strides = array<i32>} : memref<8192xf32, #tpu.memory_space<vmem>>, vector<16xf32>,
      %add3A_510 = arith.constant 8192 : i32
      %add3A_511 = arith.addi %add3A_510, %mul3A_434 : i32
      %add3A_512 = arith.constant 96 : i32
      %add3A_513 = arith.addi %add3A_511, %add3A_512 : i32
      %get3A_514 = arith.index_cast %add3A_513 : i32 to index
      %get3A_515 = tpu.vector_load %arg5[%get3A_514] {strides = array<i32>} : memref<16384xi32, #tpu.memory_space<vmem>>, vector<16xi32>,
      %gather3A_516 = tpu.vector_load_idx %arg6[%get3A_515] : memref<100000xf32, #tpu.memory_space<vmem>>[vector<16xi32>], vector<16xf32>,
      %add3A_517 = arith.constant 0 : i32
      %add3A_518 = arith.addi %add3A_517, %mul3A_434 : i32
      %add3A_519 = arith.constant 96 : i32
      %add3A_520 = arith.addi %add3A_518, %add3A_519 : i32
      %swap3A_521 = arith.index_cast %add3A_520 : i32 to index
      %swap3A_522 = tpu.vector_load %arg7[%swap3A_521] {strides = array<i32>} : memref<8192xf32, #tpu.memory_space<vmem>>, vector<16xf32>,
      tpu.vector_store %arg7[%swap3A_521], %gather3A_516 {strides = array<i32>} : memref<8192xf32, #tpu.memory_space<vmem>>, vector<16xf32>,
      %add3A_523 = arith.constant 8192 : i32
      %add3A_524 = arith.addi %add3A_523, %mul3A_434 : i32
      %add3A_525 = arith.constant 112 : i32
      %add3A_526 = arith.addi %add3A_524, %add3A_525 : i32
      %get3A_527 = arith.index_cast %add3A_526 : i32 to index
      %get3A_528 = tpu.vector_load %arg5[%get3A_527] {strides = array<i32>} : memref<16384xi32, #tpu.memory_space<vmem>>, vector<16xi32>,
      %gather3A_529 = tpu.vector_load_idx %arg6[%get3A_528] : memref<100000xf32, #tpu.memory_space<vmem>>[vector<16xi32>], vector<16xf32>,
      %add3A_530 = arith.constant 0 : i32
      %add3A_531 = arith.addi %add3A_530, %mul3A_434 : i32
      %add3A_532 = arith.constant 112 : i32
      %add3A_533 = arith.addi %add3A_531, %add3A_532 : i32
      %swap3A_534 = arith.index_cast %add3A_533 : i32 to index
      %swap3A_535 = tpu.vector_load %arg7[%swap3A_534] {strides = array<i32>} : memref<8192xf32, #tpu.memory_space<vmem>>, vector<16xf32>,
      tpu.vector_store %arg7[%swap3A_534], %gather3A_529 {strides = array<i32>} : memref<8192xf32, #tpu.memory_space<vmem>>, vector<16xf32>,
    }
    %scan3A_157 = arith.constant 32 : i32
    %dma_start3A_158 = arith.constant 0 : i32
    %dma_start3A_159 = tpu.memref_slice %arg7[%dma_start3A_158] : memref<8192xf32, #tpu.memory_space<vmem>> -> memref<4096xf32, #tpu.memory_space<vmem>>
    %dma_start3A_160 = arith.constant 8192 : i32
    %dma_start3A_161 = tpu.memref_slice %arg4[%add3A_89, %dma_start3A_160] : memref<128x16384xf32, #tpu.memory_space<hbm>> -> memref<1x4096xf32, #tpu.memory_space<hbm>>
    %dma_start3A_162 = tpu.memref_squeeze %dma_start3A_161 : memref<1x4096xf32, #tpu.memory_space<hbm>> -> memref<4096xf32, #tpu.memory_space<hbm>>
    %dma_start3A_163 = arith.constant 8192 : i32
    %dma_start3A_164 = tpu.memref_slice %arg4[%add3A_89, %dma_start3A_163] : memref<128x16384xf32, #tpu.memory_space<hbm>> -> memref<1x4096xf32, #tpu.memory_space<hbm>>
    %dma_start3A_165 = tpu.memref_squeeze %dma_start3A_164 : memref<1x4096xf32, #tpu.memory_space<hbm>> -> memref<4096xf32, #tpu.memory_space<hbm>>
    %dma_start3A_166 = arith.constant 0 : i32
    %dma_start3A_167 = tpu.memref_slice %arg7[%dma_start3A_166] : memref<8192xf32, #tpu.memory_space<vmem>> -> memref<4096xf32, #tpu.memory_space<vmem>>
    tpu.enqueue_dma source(%dma_start3A_167 : memref<4096xf32, #tpu.memory_space<vmem>>) target(%dma_start3A_165 : memref<4096xf32, #tpu.memory_space<hbm>>) target_semaphore(%arg8 : memref<!tpu.dma_semaphore, #tpu.memory_space<semaphore_mem>>)
    %dma_wait3A_168 = arith.constant 4096 : i32
    %dma_wait3A_169 = tpu.memref_slice %arg7[%dma_wait3A_168] : memref<8192xf32, #tpu.memory_space<vmem>> -> memref<4096xf32, #tpu.memory_space<vmem>>
    %dma_wait3A_170 = arith.constant 4096 : i32
    %dma_wait3A_171 = tpu.memref_slice %arg4[%add3A_89, %dma_wait3A_170] : memref<128x16384xf32, #tpu.memory_space<hbm>> -> memref<1x4096xf32, #tpu.memory_space<hbm>>
    %dma_wait3A_172 = tpu.memref_squeeze %dma_wait3A_171 : memref<1x4096xf32, #tpu.memory_space<hbm>> -> memref<4096xf32, #tpu.memory_space<hbm>>
    %dma_wait3A_173 = arith.constant 4096 : i32
    %dma_wait3A_174 = tpu.memref_slice %arg4[%add3A_89, %dma_wait3A_173] : memref<128x16384xf32, #tpu.memory_space<hbm>> -> memref<1x4096xf32, #tpu.memory_space<hbm>>
    %dma_wait3A_175 = tpu.memref_squeeze %dma_wait3A_174 : memref<1x4096xf32, #tpu.memory_space<hbm>> -> memref<4096xf32, #tpu.memory_space<hbm>>
    %dma_wait3A_176 = arith.constant 4096 : i32
    %dma_wait3A_177 = tpu.memref_slice %arg7[%dma_wait3A_176] : memref<8192xf32, #tpu.memory_space<vmem>> -> memref<4096xf32, #tpu.memory_space<vmem>>
    tpu.wait_dma2 semaphore(%arg8 : memref<!tpu.dma_semaphore, #tpu.memory_space<semaphore_mem>>) src(%dma_wait3A_177 : memref<4096xf32, #tpu.memory_space<vmem>>) dst(%dma_wait3A_175 : memref<4096xf32, #tpu.memory_space<hbm>>)
    %scan3A_178 = arith.constant 0 : i32
    %scan3A_179 = arith.constant 0 : i32
    %scan3A_180 = arith.constant 32 : i32
    %scan3A_181 = arith.addi %scan3A_179, %scan3A_180 : i32
    %scan3A_182 = arith.constant 1 : i32
    scf.for %scan3A_430 = %scan3A_179 to %scan3A_181 step %scan3A_182  : i32 {
      %mul3A_431 = arith.constant 16 : i32
      %mul3A_432 = arith.muli %scan3A_430, %mul3A_431 : i32
      %mul3A_433 = arith.constant 8 : i32
      %mul3A_434 = arith.muli %mul3A_432, %mul3A_433 : i32
      %add3A_435 = arith.constant 12288 : i32
      %add3A_436 = arith.addi %add3A_435, %mul3A_434 : i32
      %add3A_437 = arith.constant 0 : i32
      %add3A_438 = arith.addi %add3A_436, %add3A_437 : i32
      %get3A = arith.index_cast %add3A_438 : i32 to index
      %get3A_439 = tpu.vector_load %arg5[%get3A] {strides = array<i32>} : memref<16384xi32, #tpu.memory_space<vmem>>, vector<16xi32>,
      %gather3A = tpu.vector_load_idx %arg6[%get3A_439] : memref<100000xf32, #tpu.memory_space<vmem>>[vector<16xi32>], vector<16xf32>,
      %add3A_440 = arith.constant 4096 : i32
      %add3A_441 = arith.addi %add3A_440, %mul3A_434 : i32
      %add3A_442 = arith.constant 0 : i32
      %add3A_443 = arith.addi %add3A_441, %add3A_442 : i32
      %swap3A = arith.index_cast %add3A_443 : i32 to index
      %swap3A_444 = tpu.vector_load %arg7[%swap3A] {strides = array<i32>} : memref<8192xf32, #tpu.memory_space<vmem>>, vector<16xf32>,
      tpu.vector_store %arg7[%swap3A], %gather3A {strides = array<i32>} : memref<8192xf32, #tpu.memory_space<vmem>>, vector<16xf32>,
      %add3A_445 = arith.constant 12288 : i32
      %add3A_446 = arith.addi %add3A_445, %mul3A_434 : i32
      %add3A_447 = arith.constant 16 : i32
      %add3A_448 = arith.addi %add3A_446, %add3A_447 : i32
      %get3A_449 = arith.index_cast %add3A_448 : i32 to index
      %get3A_450 = tpu.vector_load %arg5[%get3A_449] {strides = array<i32>} : memref<16384xi32, #tpu.memory_space<vmem>>, vector<16xi32>,
      %gather3A_451 = tpu.vector_load_idx %arg6[%get3A_450] : memref<100000xf32, #tpu.memory_space<vmem>>[vector<16xi32>], vector<16xf32>,
      %add3A_452 = arith.constant 4096 : i32
      %add3A_453 = arith.addi %add3A_452, %mul3A_434 : i32
      %add3A_454 = arith.constant 16 : i32
      %add3A_455 = arith.addi %add3A_453, %add3A_454 : i32
      %swap3A_456 = arith.index_cast %add3A_455 : i32 to index
      %swap3A_457 = tpu.vector_load %arg7[%swap3A_456] {strides = array<i32>} : memref<8192xf32, #tpu.memory_space<vmem>>, vector<16xf32>,
      tpu.vector_store %arg7[%swap3A_456], %gather3A_451 {strides = array<i32>} : memref<8192xf32, #tpu.memory_space<vmem>>, vector<16xf32>,
      %add3A_458 = arith.constant 12288 : i32
      %add3A_459 = arith.addi %add3A_458, %mul3A_434 : i32
      %add3A_460 = arith.constant 32 : i32
      %add3A_461 = arith.addi %add3A_459, %add3A_460 : i32
      %get3A_462 = arith.index_cast %add3A_461 : i32 to index
      %get3A_463 = tpu.vector_load %arg5[%get3A_462] {strides = array<i32>} : memref<16384xi32, #tpu.memory_space<vmem>>, vector<16xi32>,
      %gather3A_464 = tpu.vector_load_idx %arg6[%get3A_463] : memref<100000xf32, #tpu.memory_space<vmem>>[vector<16xi32>], vector<16xf32>,
      %add3A_465 = arith.constant 4096 : i32
      %add3A_466 = arith.addi %add3A_465, %mul3A_434 : i32
      %add3A_467 = arith.constant 32 : i32
      %add3A_468 = arith.addi %add3A_466, %add3A_467 : i32
      %swap3A_469 = arith.index_cast %add3A_468 : i32 to index
      %swap3A_470 = tpu.vector_load %arg7[%swap3A_469] {strides = array<i32>} : memref<8192xf32, #tpu.memory_space<vmem>>, vector<16xf32>,
      tpu.vector_store %arg7[%swap3A_469], %gather3A_464 {strides = array<i32>} : memref<8192xf32, #tpu.memory_space<vmem>>, vector<16xf32>,
      %add3A_471 = arith.constant 12288 : i32
      %add3A_472 = arith.addi %add3A_471, %mul3A_434 : i32
      %add3A_473 = arith.constant 48 : i32
      %add3A_474 = arith.addi %add3A_472, %add3A_473 : i32
      %get3A_475 = arith.index_cast %add3A_474 : i32 to index
      %get3A_476 = tpu.vector_load %arg5[%get3A_475] {strides = array<i32>} : memref<16384xi32, #tpu.memory_space<vmem>>, vector<16xi32>,
      %gather3A_477 = tpu.vector_load_idx %arg6[%get3A_476] : memref<100000xf32, #tpu.memory_space<vmem>>[vector<16xi32>], vector<16xf32>,
      %add3A_478 = arith.constant 4096 : i32
      %add3A_479 = arith.addi %add3A_478, %mul3A_434 : i32
      %add3A_480 = arith.constant 48 : i32
      %add3A_481 = arith.addi %add3A_479, %add3A_480 : i32
      %swap3A_482 = arith.index_cast %add3A_481 : i32 to index
      %swap3A_483 = tpu.vector_load %arg7[%swap3A_482] {strides = array<i32>} : memref<8192xf32, #tpu.memory_space<vmem>>, vector<16xf32>,
      tpu.vector_store %arg7[%swap3A_482], %gather3A_477 {strides = array<i32>} : memref<8192xf32, #tpu.memory_space<vmem>>, vector<16xf32>,
      %add3A_484 = arith.constant 12288 : i32
      %add3A_485 = arith.addi %add3A_484, %mul3A_434 : i32
      %add3A_486 = arith.constant 64 : i32
      %add3A_487 = arith.addi %add3A_485, %add3A_486 : i32
      %get3A_488 = arith.index_cast %add3A_487 : i32 to index
      %get3A_489 = tpu.vector_load %arg5[%get3A_488] {strides = array<i32>} : memref<16384xi32, #tpu.memory_space<vmem>>, vector<16xi32>,
      %gather3A_490 = tpu.vector_load_idx %arg6[%get3A_489] : memref<100000xf32, #tpu.memory_space<vmem>>[vector<16xi32>], vector<16xf32>,
      %add3A_491 = arith.constant 4096 : i32
      %add3A_492 = arith.addi %add3A_491, %mul3A_434 : i32
      %add3A_493 = arith.constant 64 : i32
      %add3A_494 = arith.addi %add3A_492, %add3A_493 : i32
      %swap3A_495 = arith.index_cast %add3A_494 : i32 to index
      %swap3A_496 = tpu.vector_load %arg7[%swap3A_495] {strides = array<i32>} : memref<8192xf32, #tpu.memory_space<vmem>>, vector<16xf32>,
      tpu.vector_store %arg7[%swap3A_495], %gather3A_490 {strides = array<i32>} : memref<8192xf32, #tpu.memory_space<vmem>>, vector<16xf32>,
      %add3A_497 = arith.constant 12288 : i32
      %add3A_498 = arith.addi %add3A_497, %mul3A_434 : i32
      %add3A_499 = arith.constant 80 : i32
      %add3A_500 = arith.addi %add3A_498, %add3A_499 : i32
      %get3A_501 = arith.index_cast %add3A_500 : i32 to index
      %get3A_502 = tpu.vector_load %arg5[%get3A_501] {strides = array<i32>} : memref<16384xi32, #tpu.memory_space<vmem>>, vector<16xi32>,
      %gather3A_503 = tpu.vector_load_idx %arg6[%get3A_502] : memref<100000xf32, #tpu.memory_space<vmem>>[vector<16xi32>], vector<16xf32>,
      %add3A_504 = arith.constant 4096 : i32
      %add3A_505 = arith.addi %add3A_504, %mul3A_434 : i32
      %add3A_506 = arith.constant 80 : i32
      %add3A_507 = arith.addi %add3A_505, %add3A_506 : i32
      %swap3A_508 = arith.index_cast %add3A_507 : i32 to index
      %swap3A_509 = tpu.vector_load %arg7[%swap3A_508] {strides = array<i32>} : memref<8192xf32, #tpu.memory_space<vmem>>, vector<16xf32>,
      tpu.vector_store %arg7[%swap3A_508], %gather3A_503 {strides = array<i32>} : memref<8192xf32, #tpu.memory_space<vmem>>, vector<16xf32>,
      %add3A_510 = arith.constant 12288 : i32
      %add3A_511 = arith.addi %add3A_510, %mul3A_434 : i32
      %add3A_512 = arith.constant 96 : i32
      %add3A_513 = arith.addi %add3A_511, %add3A_512 : i32
      %get3A_514 = arith.index_cast %add3A_513 : i32 to index
      %get3A_515 = tpu.vector_load %arg5[%get3A_514] {strides = array<i32>} : memref<16384xi32, #tpu.memory_space<vmem>>, vector<16xi32>,
      %gather3A_516 = tpu.vector_load_idx %arg6[%get3A_515] : memref<100000xf32, #tpu.memory_space<vmem>>[vector<16xi32>], vector<16xf32>,
      %add3A_517 = arith.constant 4096 : i32
      %add3A_518 = arith.addi %add3A_517, %mul3A_434 : i32
      %add3A_519 = arith.constant 96 : i32
      %add3A_520 = arith.addi %add3A_518, %add3A_519 : i32
      %swap3A_521 = arith.index_cast %add3A_520 : i32 to index
      %swap3A_522 = tpu.vector_load %arg7[%swap3A_521] {strides = array<i32>} : memref<8192xf32, #tpu.memory_space<vmem>>, vector<16xf32>,
      tpu.vector_store %arg7[%swap3A_521], %gather3A_516 {strides = array<i32>} : memref<8192xf32, #tpu.memory_space<vmem>>, vector<16xf32>,
      %add3A_523 = arith.constant 12288 : i32
      %add3A_524 = arith.addi %add3A_523, %mul3A_434 : i32
      %add3A_525 = arith.constant 112 : i32
      %add3A_526 = arith.addi %add3A_524, %add3A_525 : i32
      %get3A_527 = arith.index_cast %add3A_526 : i32 to index
      %get3A_528 = tpu.vector_load %arg5[%get3A_527] {strides = array<i32>} : memref<16384xi32, #tpu.memory_space<vmem>>, vector<16xi32>,
      %gather3A_529 = tpu.vector_load_idx %arg6[%get3A_528] : memref<100000xf32, #tpu.memory_space<vmem>>[vector<16xi32>], vector<16xf32>,
      %add3A_530 = arith.constant 4096 : i32
      %add3A_531 = arith.addi %add3A_530, %mul3A_434 : i32
      %add3A_532 = arith.constant 112 : i32
      %add3A_533 = arith.addi %add3A_531, %add3A_532 : i32
      %swap3A_534 = arith.index_cast %add3A_533 : i32 to index
      %swap3A_535 = tpu.vector_load %arg7[%swap3A_534] {strides = array<i32>} : memref<8192xf32, #tpu.memory_space<vmem>>, vector<16xf32>,
      tpu.vector_store %arg7[%swap3A_534], %gather3A_529 {strides = array<i32>} : memref<8192xf32, #tpu.memory_space<vmem>>, vector<16xf32>,
    }
    %scan3A_183 = arith.constant 32 : i32
    %dma_start3A_184 = arith.constant 4096 : i32
    %dma_start3A_185 = tpu.memref_slice %arg7[%dma_start3A_184] : memref<8192xf32, #tpu.memory_space<vmem>> -> memref<4096xf32, #tpu.memory_space<vmem>>
    %dma_start3A_186 = arith.constant 12288 : i32
    %dma_start3A_187 = tpu.memref_slice %arg4[%add3A_89, %dma_start3A_186] : memref<128x16384xf32, #tpu.memory_space<hbm>> -> memref<1x4096xf32, #tpu.memory_space<hbm>>
    %dma_start3A_188 = tpu.memref_squeeze %dma_start3A_187 : memref<1x4096xf32, #tpu.memory_space<hbm>> -> memref<4096xf32, #tpu.memory_space<hbm>>
    %dma_start3A_189 = arith.constant 12288 : i32
    %dma_start3A_190 = tpu.memref_slice %arg4[%add3A_89, %dma_start3A_189] : memref<128x16384xf32, #tpu.memory_space<hbm>> -> memref<1x4096xf32, #tpu.memory_space<hbm>>
    %dma_start3A_191 = tpu.memref_squeeze %dma_start3A_190 : memref<1x4096xf32, #tpu.memory_space<hbm>> -> memref<4096xf32, #tpu.memory_space<hbm>>
    %dma_start3A_192 = arith.constant 4096 : i32
    %dma_start3A_193 = tpu.memref_slice %arg7[%dma_start3A_192] : memref<8192xf32, #tpu.memory_space<vmem>> -> memref<4096xf32, #tpu.memory_space<vmem>>
    tpu.enqueue_dma source(%dma_start3A_193 : memref<4096xf32, #tpu.memory_space<vmem>>) target(%dma_start3A_191 : memref<4096xf32, #tpu.memory_space<hbm>>) target_semaphore(%arg8 : memref<!tpu.dma_semaphore, #tpu.memory_space<semaphore_mem>>)
    %mul3A_194 = arith.constant 4 : i32
    %mul3A_195 = arith.muli %add3A, %mul3A_194 : i32
    %add3A_196 = arith.constant 2 : i32
    %add3A_197 = arith.addi %mul3A_195, %add3A_196 : i32
    "tpu.region"() ({
      %run_scoped3A = tpu.sem_alloc : memref<!tpu.dma_semaphore, #tpu.memory_space<semaphore_mem>>
      %dma_start3A_430 = arith.constant 0 : i32
      %dma_start3A_431 = tpu.memref_slice %arg2[%add3A_197, %dma_start3A_430] : memref<128x100000xf32, #tpu.memory_space<hbm>> -> memref<1x100000xf32, #tpu.memory_space<hbm>>
      %dma_start3A_432 = tpu.memref_squeeze %dma_start3A_431 : memref<1x100000xf32, #tpu.memory_space<hbm>> -> memref<100000xf32, #tpu.memory_space<hbm>>
      %dma_start3A_433 = arith.constant 0 : i32
      %dma_start3A_434 = tpu.memref_slice %arg2[%add3A_197, %dma_start3A_433] : memref<128x100000xf32, #tpu.memory_space<hbm>> -> memref<1x100000xf32, #tpu.memory_space<hbm>>
      %dma_start3A_435 = tpu.memref_squeeze %dma_start3A_434 : memref<1x100000xf32, #tpu.memory_space<hbm>> -> memref<100000xf32, #tpu.memory_space<hbm>>
      tpu.enqueue_dma source(%dma_start3A_435 : memref<100000xf32, #tpu.memory_space<hbm>>) target(%arg6 : memref<100000xf32, #tpu.memory_space<vmem>>) target_semaphore(%run_scoped3A : memref<!tpu.dma_semaphore, #tpu.memory_space<semaphore_mem>>)
      %dma_wait3A_436 = arith.constant 0 : i32
      %dma_wait3A_437 = tpu.memref_slice %arg2[%add3A_197, %dma_wait3A_436] : memref<128x100000xf32, #tpu.memory_space<hbm>> -> memref<1x100000xf32, #tpu.memory_space<hbm>>
      %dma_wait3A_438 = tpu.memref_squeeze %dma_wait3A_437 : memref<1x100000xf32, #tpu.memory_space<hbm>> -> memref<100000xf32, #tpu.memory_space<hbm>>
      %dma_wait3A_439 = arith.constant 0 : i32
      %dma_wait3A_440 = tpu.memref_slice %arg2[%add3A_197, %dma_wait3A_439] : memref<128x100000xf32, #tpu.memory_space<hbm>> -> memref<1x100000xf32, #tpu.memory_space<hbm>>
      %dma_wait3A_441 = tpu.memref_squeeze %dma_wait3A_440 : memref<1x100000xf32, #tpu.memory_space<hbm>> -> memref<100000xf32, #tpu.memory_space<hbm>>
      tpu.wait_dma2 semaphore(%run_scoped3A : memref<!tpu.dma_semaphore, #tpu.memory_space<semaphore_mem>>) src(%dma_wait3A_441 : memref<100000xf32, #tpu.memory_space<hbm>>) dst(%arg6 : memref<100000xf32, #tpu.memory_space<vmem>>)
      tpu.yield
    }) : () -> ()
    %dma_wait3A_198 = arith.constant 0 : i32
    %dma_wait3A_199 = tpu.memref_slice %arg7[%dma_wait3A_198] : memref<8192xf32, #tpu.memory_space<vmem>> -> memref<4096xf32, #tpu.memory_space<vmem>>
    %dma_wait3A_200 = arith.constant 8192 : i32
    %dma_wait3A_201 = tpu.memref_slice %arg4[%add3A_89, %dma_wait3A_200] : memref<128x16384xf32, #tpu.memory_space<hbm>> -> memref<1x4096xf32, #tpu.memory_space<hbm>>
    %dma_wait3A_202 = tpu.memref_squeeze %dma_wait3A_201 : memref<1x4096xf32, #tpu.memory_space<hbm>> -> memref<4096xf32, #tpu.memory_space<hbm>>
    %dma_wait3A_203 = arith.constant 8192 : i32
    %dma_wait3A_204 = tpu.memref_slice %arg4[%add3A_89, %dma_wait3A_203] : memref<128x16384xf32, #tpu.memory_space<hbm>> -> memref<1x4096xf32, #tpu.memory_space<hbm>>
    %dma_wait3A_205 = tpu.memref_squeeze %dma_wait3A_204 : memref<1x4096xf32, #tpu.memory_space<hbm>> -> memref<4096xf32, #tpu.memory_space<hbm>>
    %dma_wait3A_206 = arith.constant 0 : i32
    %dma_wait3A_207 = tpu.memref_slice %arg7[%dma_wait3A_206] : memref<8192xf32, #tpu.memory_space<vmem>> -> memref<4096xf32, #tpu.memory_space<vmem>>
    tpu.wait_dma2 semaphore(%arg8 : memref<!tpu.dma_semaphore, #tpu.memory_space<semaphore_mem>>) src(%dma_wait3A_207 : memref<4096xf32, #tpu.memory_space<vmem>>) dst(%dma_wait3A_205 : memref<4096xf32, #tpu.memory_space<hbm>>)
    %scan3A_208 = arith.constant 0 : i32
    %scan3A_209 = arith.constant 0 : i32
    %scan3A_210 = arith.constant 32 : i32
    %scan3A_211 = arith.addi %scan3A_209, %scan3A_210 : i32
    %scan3A_212 = arith.constant 1 : i32
    scf.for %scan3A_430 = %scan3A_209 to %scan3A_211 step %scan3A_212  : i32 {
      %mul3A_431 = arith.constant 16 : i32
      %mul3A_432 = arith.muli %scan3A_430, %mul3A_431 : i32
      %mul3A_433 = arith.constant 8 : i32
      %mul3A_434 = arith.muli %mul3A_432, %mul3A_433 : i32
      %add3A_435 = arith.constant 0 : i32
      %add3A_436 = arith.addi %add3A_435, %mul3A_434 : i32
      %add3A_437 = arith.constant 0 : i32
      %add3A_438 = arith.addi %add3A_436, %add3A_437 : i32
      %get3A = arith.index_cast %add3A_438 : i32 to index
      %get3A_439 = tpu.vector_load %arg5[%get3A] {strides = array<i32>} : memref<16384xi32, #tpu.memory_space<vmem>>, vector<16xi32>,
      %gather3A = tpu.vector_load_idx %arg6[%get3A_439] : memref<100000xf32, #tpu.memory_space<vmem>>[vector<16xi32>], vector<16xf32>,
      %add3A_440 = arith.constant 0 : i32
      %add3A_441 = arith.addi %add3A_440, %mul3A_434 : i32
      %add3A_442 = arith.constant 0 : i32
      %add3A_443 = arith.addi %add3A_441, %add3A_442 : i32
      %swap3A = arith.index_cast %add3A_443 : i32 to index
      %swap3A_444 = tpu.vector_load %arg7[%swap3A] {strides = array<i32>} : memref<8192xf32, #tpu.memory_space<vmem>>, vector<16xf32>,
      tpu.vector_store %arg7[%swap3A], %gather3A {strides = array<i32>} : memref<8192xf32, #tpu.memory_space<vmem>>, vector<16xf32>,
      %add3A_445 = arith.constant 0 : i32
      %add3A_446 = arith.addi %add3A_445, %mul3A_434 : i32
      %add3A_447 = arith.constant 16 : i32
      %add3A_448 = arith.addi %add3A_446, %add3A_447 : i32
      %get3A_449 = arith.index_cast %add3A_448 : i32 to index
      %get3A_450 = tpu.vector_load %arg5[%get3A_449] {strides = array<i32>} : memref<16384xi32, #tpu.memory_space<vmem>>, vector<16xi32>,
      %gather3A_451 = tpu.vector_load_idx %arg6[%get3A_450] : memref<100000xf32, #tpu.memory_space<vmem>>[vector<16xi32>], vector<16xf32>,
      %add3A_452 = arith.constant 0 : i32
      %add3A_453 = arith.addi %add3A_452, %mul3A_434 : i32
      %add3A_454 = arith.constant 16 : i32
      %add3A_455 = arith.addi %add3A_453, %add3A_454 : i32
      %swap3A_456 = arith.index_cast %add3A_455 : i32 to index
      %swap3A_457 = tpu.vector_load %arg7[%swap3A_456] {strides = array<i32>} : memref<8192xf32, #tpu.memory_space<vmem>>, vector<16xf32>,
      tpu.vector_store %arg7[%swap3A_456], %gather3A_451 {strides = array<i32>} : memref<8192xf32, #tpu.memory_space<vmem>>, vector<16xf32>,
      %add3A_458 = arith.constant 0 : i32
      %add3A_459 = arith.addi %add3A_458, %mul3A_434 : i32
      %add3A_460 = arith.constant 32 : i32
      %add3A_461 = arith.addi %add3A_459, %add3A_460 : i32
      %get3A_462 = arith.index_cast %add3A_461 : i32 to index
      %get3A_463 = tpu.vector_load %arg5[%get3A_462] {strides = array<i32>} : memref<16384xi32, #tpu.memory_space<vmem>>, vector<16xi32>,
      %gather3A_464 = tpu.vector_load_idx %arg6[%get3A_463] : memref<100000xf32, #tpu.memory_space<vmem>>[vector<16xi32>], vector<16xf32>,
      %add3A_465 = arith.constant 0 : i32
      %add3A_466 = arith.addi %add3A_465, %mul3A_434 : i32
      %add3A_467 = arith.constant 32 : i32
      %add3A_468 = arith.addi %add3A_466, %add3A_467 : i32
      %swap3A_469 = arith.index_cast %add3A_468 : i32 to index
      %swap3A_470 = tpu.vector_load %arg7[%swap3A_469] {strides = array<i32>} : memref<8192xf32, #tpu.memory_space<vmem>>, vector<16xf32>,
      tpu.vector_store %arg7[%swap3A_469], %gather3A_464 {strides = array<i32>} : memref<8192xf32, #tpu.memory_space<vmem>>, vector<16xf32>,
      %add3A_471 = arith.constant 0 : i32
      %add3A_472 = arith.addi %add3A_471, %mul3A_434 : i32
      %add3A_473 = arith.constant 48 : i32
      %add3A_474 = arith.addi %add3A_472, %add3A_473 : i32
      %get3A_475 = arith.index_cast %add3A_474 : i32 to index
      %get3A_476 = tpu.vector_load %arg5[%get3A_475] {strides = array<i32>} : memref<16384xi32, #tpu.memory_space<vmem>>, vector<16xi32>,
      %gather3A_477 = tpu.vector_load_idx %arg6[%get3A_476] : memref<100000xf32, #tpu.memory_space<vmem>>[vector<16xi32>], vector<16xf32>,
      %add3A_478 = arith.constant 0 : i32
      %add3A_479 = arith.addi %add3A_478, %mul3A_434 : i32
      %add3A_480 = arith.constant 48 : i32
      %add3A_481 = arith.addi %add3A_479, %add3A_480 : i32
      %swap3A_482 = arith.index_cast %add3A_481 : i32 to index
      %swap3A_483 = tpu.vector_load %arg7[%swap3A_482] {strides = array<i32>} : memref<8192xf32, #tpu.memory_space<vmem>>, vector<16xf32>,
      tpu.vector_store %arg7[%swap3A_482], %gather3A_477 {strides = array<i32>} : memref<8192xf32, #tpu.memory_space<vmem>>, vector<16xf32>,
      %add3A_484 = arith.constant 0 : i32
      %add3A_485 = arith.addi %add3A_484, %mul3A_434 : i32
      %add3A_486 = arith.constant 64 : i32
      %add3A_487 = arith.addi %add3A_485, %add3A_486 : i32
      %get3A_488 = arith.index_cast %add3A_487 : i32 to index
      %get3A_489 = tpu.vector_load %arg5[%get3A_488] {strides = array<i32>} : memref<16384xi32, #tpu.memory_space<vmem>>, vector<16xi32>,
      %gather3A_490 = tpu.vector_load_idx %arg6[%get3A_489] : memref<100000xf32, #tpu.memory_space<vmem>>[vector<16xi32>], vector<16xf32>,
      %add3A_491 = arith.constant 0 : i32
      %add3A_492 = arith.addi %add3A_491, %mul3A_434 : i32
      %add3A_493 = arith.constant 64 : i32
      %add3A_494 = arith.addi %add3A_492, %add3A_493 : i32
      %swap3A_495 = arith.index_cast %add3A_494 : i32 to index
      %swap3A_496 = tpu.vector_load %arg7[%swap3A_495] {strides = array<i32>} : memref<8192xf32, #tpu.memory_space<vmem>>, vector<16xf32>,
      tpu.vector_store %arg7[%swap3A_495], %gather3A_490 {strides = array<i32>} : memref<8192xf32, #tpu.memory_space<vmem>>, vector<16xf32>,
      %add3A_497 = arith.constant 0 : i32
      %add3A_498 = arith.addi %add3A_497, %mul3A_434 : i32
      %add3A_499 = arith.constant 80 : i32
      %add3A_500 = arith.addi %add3A_498, %add3A_499 : i32
      %get3A_501 = arith.index_cast %add3A_500 : i32 to index
      %get3A_502 = tpu.vector_load %arg5[%get3A_501] {strides = array<i32>} : memref<16384xi32, #tpu.memory_space<vmem>>, vector<16xi32>,
      %gather3A_503 = tpu.vector_load_idx %arg6[%get3A_502] : memref<100000xf32, #tpu.memory_space<vmem>>[vector<16xi32>], vector<16xf32>,
      %add3A_504 = arith.constant 0 : i32
      %add3A_505 = arith.addi %add3A_504, %mul3A_434 : i32
      %add3A_506 = arith.constant 80 : i32
      %add3A_507 = arith.addi %add3A_505, %add3A_506 : i32
      %swap3A_508 = arith.index_cast %add3A_507 : i32 to index
      %swap3A_509 = tpu.vector_load %arg7[%swap3A_508] {strides = array<i32>} : memref<8192xf32, #tpu.memory_space<vmem>>, vector<16xf32>,
      tpu.vector_store %arg7[%swap3A_508], %gather3A_503 {strides = array<i32>} : memref<8192xf32, #tpu.memory_space<vmem>>, vector<16xf32>,
      %add3A_510 = arith.constant 0 : i32
      %add3A_511 = arith.addi %add3A_510, %mul3A_434 : i32
      %add3A_512 = arith.constant 96 : i32
      %add3A_513 = arith.addi %add3A_511, %add3A_512 : i32
      %get3A_514 = arith.index_cast %add3A_513 : i32 to index
      %get3A_515 = tpu.vector_load %arg5[%get3A_514] {strides = array<i32>} : memref<16384xi32, #tpu.memory_space<vmem>>, vector<16xi32>,
      %gather3A_516 = tpu.vector_load_idx %arg6[%get3A_515] : memref<100000xf32, #tpu.memory_space<vmem>>[vector<16xi32>], vector<16xf32>,
      %add3A_517 = arith.constant 0 : i32
      %add3A_518 = arith.addi %add3A_517, %mul3A_434 : i32
      %add3A_519 = arith.constant 96 : i32
      %add3A_520 = arith.addi %add3A_518, %add3A_519 : i32
      %swap3A_521 = arith.index_cast %add3A_520 : i32 to index
      %swap3A_522 = tpu.vector_load %arg7[%swap3A_521] {strides = array<i32>} : memref<8192xf32, #tpu.memory_space<vmem>>, vector<16xf32>,
      tpu.vector_store %arg7[%swap3A_521], %gather3A_516 {strides = array<i32>} : memref<8192xf32, #tpu.memory_space<vmem>>, vector<16xf32>,
      %add3A_523 = arith.constant 0 : i32
      %add3A_524 = arith.addi %add3A_523, %mul3A_434 : i32
      %add3A_525 = arith.constant 112 : i32
      %add3A_526 = arith.addi %add3A_524, %add3A_525 : i32
      %get3A_527 = arith.index_cast %add3A_526 : i32 to index
      %get3A_528 = tpu.vector_load %arg5[%get3A_527] {strides = array<i32>} : memref<16384xi32, #tpu.memory_space<vmem>>, vector<16xi32>,
      %gather3A_529 = tpu.vector_load_idx %arg6[%get3A_528] : memref<100000xf32, #tpu.memory_space<vmem>>[vector<16xi32>], vector<16xf32>,
      %add3A_530 = arith.constant 0 : i32
      %add3A_531 = arith.addi %add3A_530, %mul3A_434 : i32
      %add3A_532 = arith.constant 112 : i32
      %add3A_533 = arith.addi %add3A_531, %add3A_532 : i32
      %swap3A_534 = arith.index_cast %add3A_533 : i32 to index
      %swap3A_535 = tpu.vector_load %arg7[%swap3A_534] {strides = array<i32>} : memref<8192xf32, #tpu.memory_space<vmem>>, vector<16xf32>,
      tpu.vector_store %arg7[%swap3A_534], %gather3A_529 {strides = array<i32>} : memref<8192xf32, #tpu.memory_space<vmem>>, vector<16xf32>,
    }
    %scan3A_213 = arith.constant 32 : i32
    %dma_start3A_214 = arith.constant 0 : i32
    %dma_start3A_215 = tpu.memref_slice %arg7[%dma_start3A_214] : memref<8192xf32, #tpu.memory_space<vmem>> -> memref<4096xf32, #tpu.memory_space<vmem>>
    %dma_start3A_216 = arith.constant 0 : i32
    %dma_start3A_217 = tpu.memref_slice %arg4[%add3A_197, %dma_start3A_216] : memref<128x16384xf32, #tpu.memory_space<hbm>> -> memref<1x4096xf32, #tpu.memory_space<hbm>>
    %dma_start3A_218 = tpu.memref_squeeze %dma_start3A_217 : memref<1x4096xf32, #tpu.memory_space<hbm>> -> memref<4096xf32, #tpu.memory_space<hbm>>
    %dma_start3A_219 = arith.constant 0 : i32
    %dma_start3A_220 = tpu.memref_slice %arg4[%add3A_197, %dma_start3A_219] : memref<128x16384xf32, #tpu.memory_space<hbm>> -> memref<1x4096xf32, #tpu.memory_space<hbm>>
    %dma_start3A_221 = tpu.memref_squeeze %dma_start3A_220 : memref<1x4096xf32, #tpu.memory_space<hbm>> -> memref<4096xf32, #tpu.memory_space<hbm>>
    %dma_start3A_222 = arith.constant 0 : i32
    %dma_start3A_223 = tpu.memref_slice %arg7[%dma_start3A_222] : memref<8192xf32, #tpu.memory_space<vmem>> -> memref<4096xf32, #tpu.memory_space<vmem>>
    tpu.enqueue_dma source(%dma_start3A_223 : memref<4096xf32, #tpu.memory_space<vmem>>) target(%dma_start3A_221 : memref<4096xf32, #tpu.memory_space<hbm>>) target_semaphore(%arg8 : memref<!tpu.dma_semaphore, #tpu.memory_space<semaphore_mem>>)
    %dma_wait3A_224 = arith.constant 4096 : i32
    %dma_wait3A_225 = tpu.memref_slice %arg7[%dma_wait3A_224] : memref<8192xf32, #tpu.memory_space<vmem>> -> memref<4096xf32, #tpu.memory_space<vmem>>
    %dma_wait3A_226 = arith.constant 12288 : i32
    %dma_wait3A_227 = tpu.memref_slice %arg4[%add3A_89, %dma_wait3A_226] : memref<128x16384xf32, #tpu.memory_space<hbm>> -> memref<1x4096xf32, #tpu.memory_space<hbm>>
    %dma_wait3A_228 = tpu.memref_squeeze %dma_wait3A_227 : memref<1x4096xf32, #tpu.memory_space<hbm>> -> memref<4096xf32, #tpu.memory_space<hbm>>
    %dma_wait3A_229 = arith.constant 12288 : i32
    %dma_wait3A_230 = tpu.memref_slice %arg4[%add3A_89, %dma_wait3A_229] : memref<128x16384xf32, #tpu.memory_space<hbm>> -> memref<1x4096xf32, #tpu.memory_space<hbm>>
    %dma_wait3A_231 = tpu.memref_squeeze %dma_wait3A_230 : memref<1x4096xf32, #tpu.memory_space<hbm>> -> memref<4096xf32, #tpu.memory_space<hbm>>
    %dma_wait3A_232 = arith.constant 4096 : i32
    %dma_wait3A_233 = tpu.memref_slice %arg7[%dma_wait3A_232] : memref<8192xf32, #tpu.memory_space<vmem>> -> memref<4096xf32, #tpu.memory_space<vmem>>
    tpu.wait_dma2 semaphore(%arg8 : memref<!tpu.dma_semaphore, #tpu.memory_space<semaphore_mem>>) src(%dma_wait3A_233 : memref<4096xf32, #tpu.memory_space<vmem>>) dst(%dma_wait3A_231 : memref<4096xf32, #tpu.memory_space<hbm>>)
    %scan3A_234 = arith.constant 0 : i32
    %scan3A_235 = arith.constant 0 : i32
    %scan3A_236 = arith.constant 32 : i32
    %scan3A_237 = arith.addi %scan3A_235, %scan3A_236 : i32
    %scan3A_238 = arith.constant 1 : i32
    scf.for %scan3A_430 = %scan3A_235 to %scan3A_237 step %scan3A_238  : i32 {
      %mul3A_431 = arith.constant 16 : i32
      %mul3A_432 = arith.muli %scan3A_430, %mul3A_431 : i32
      %mul3A_433 = arith.constant 8 : i32
      %mul3A_434 = arith.muli %mul3A_432, %mul3A_433 : i32
      %add3A_435 = arith.constant 4096 : i32
      %add3A_436 = arith.addi %add3A_435, %mul3A_434 : i32
      %add3A_437 = arith.constant 0 : i32
      %add3A_438 = arith.addi %add3A_436, %add3A_437 : i32
      %get3A = arith.index_cast %add3A_438 : i32 to index
      %get3A_439 = tpu.vector_load %arg5[%get3A] {strides = array<i32>} : memref<16384xi32, #tpu.memory_space<vmem>>, vector<16xi32>,
      %gather3A = tpu.vector_load_idx %arg6[%get3A_439] : memref<100000xf32, #tpu.memory_space<vmem>>[vector<16xi32>], vector<16xf32>,
      %add3A_440 = arith.constant 4096 : i32
      %add3A_441 = arith.addi %add3A_440, %mul3A_434 : i32
      %add3A_442 = arith.constant 0 : i32
      %add3A_443 = arith.addi %add3A_441, %add3A_442 : i32
      %swap3A = arith.index_cast %add3A_443 : i32 to index
      %swap3A_444 = tpu.vector_load %arg7[%swap3A] {strides = array<i32>} : memref<8192xf32, #tpu.memory_space<vmem>>, vector<16xf32>,
      tpu.vector_store %arg7[%swap3A], %gather3A {strides = array<i32>} : memref<8192xf32, #tpu.memory_space<vmem>>, vector<16xf32>,
      %add3A_445 = arith.constant 4096 : i32
      %add3A_446 = arith.addi %add3A_445, %mul3A_434 : i32
      %add3A_447 = arith.constant 16 : i32
      %add3A_448 = arith.addi %add3A_446, %add3A_447 : i32
      %get3A_449 = arith.index_cast %add3A_448 : i32 to index
      %get3A_450 = tpu.vector_load %arg5[%get3A_449] {strides = array<i32>} : memref<16384xi32, #tpu.memory_space<vmem>>, vector<16xi32>,
      %gather3A_451 = tpu.vector_load_idx %arg6[%get3A_450] : memref<100000xf32, #tpu.memory_space<vmem>>[vector<16xi32>], vector<16xf32>,
      %add3A_452 = arith.constant 4096 : i32
      %add3A_453 = arith.addi %add3A_452, %mul3A_434 : i32
      %add3A_454 = arith.constant 16 : i32
      %add3A_455 = arith.addi %add3A_453, %add3A_454 : i32
      %swap3A_456 = arith.index_cast %add3A_455 : i32 to index
      %swap3A_457 = tpu.vector_load %arg7[%swap3A_456] {strides = array<i32>} : memref<8192xf32, #tpu.memory_space<vmem>>, vector<16xf32>,
      tpu.vector_store %arg7[%swap3A_456], %gather3A_451 {strides = array<i32>} : memref<8192xf32, #tpu.memory_space<vmem>>, vector<16xf32>,
      %add3A_458 = arith.constant 4096 : i32
      %add3A_459 = arith.addi %add3A_458, %mul3A_434 : i32
      %add3A_460 = arith.constant 32 : i32
      %add3A_461 = arith.addi %add3A_459, %add3A_460 : i32
      %get3A_462 = arith.index_cast %add3A_461 : i32 to index
      %get3A_463 = tpu.vector_load %arg5[%get3A_462] {strides = array<i32>} : memref<16384xi32, #tpu.memory_space<vmem>>, vector<16xi32>,
      %gather3A_464 = tpu.vector_load_idx %arg6[%get3A_463] : memref<100000xf32, #tpu.memory_space<vmem>>[vector<16xi32>], vector<16xf32>,
      %add3A_465 = arith.constant 4096 : i32
      %add3A_466 = arith.addi %add3A_465, %mul3A_434 : i32
      %add3A_467 = arith.constant 32 : i32
      %add3A_468 = arith.addi %add3A_466, %add3A_467 : i32
      %swap3A_469 = arith.index_cast %add3A_468 : i32 to index
      %swap3A_470 = tpu.vector_load %arg7[%swap3A_469] {strides = array<i32>} : memref<8192xf32, #tpu.memory_space<vmem>>, vector<16xf32>,
      tpu.vector_store %arg7[%swap3A_469], %gather3A_464 {strides = array<i32>} : memref<8192xf32, #tpu.memory_space<vmem>>, vector<16xf32>,
      %add3A_471 = arith.constant 4096 : i32
      %add3A_472 = arith.addi %add3A_471, %mul3A_434 : i32
      %add3A_473 = arith.constant 48 : i32
      %add3A_474 = arith.addi %add3A_472, %add3A_473 : i32
      %get3A_475 = arith.index_cast %add3A_474 : i32 to index
      %get3A_476 = tpu.vector_load %arg5[%get3A_475] {strides = array<i32>} : memref<16384xi32, #tpu.memory_space<vmem>>, vector<16xi32>,
      %gather3A_477 = tpu.vector_load_idx %arg6[%get3A_476] : memref<100000xf32, #tpu.memory_space<vmem>>[vector<16xi32>], vector<16xf32>,
      %add3A_478 = arith.constant 4096 : i32
      %add3A_479 = arith.addi %add3A_478, %mul3A_434 : i32
      %add3A_480 = arith.constant 48 : i32
      %add3A_481 = arith.addi %add3A_479, %add3A_480 : i32
      %swap3A_482 = arith.index_cast %add3A_481 : i32 to index
      %swap3A_483 = tpu.vector_load %arg7[%swap3A_482] {strides = array<i32>} : memref<8192xf32, #tpu.memory_space<vmem>>, vector<16xf32>,
      tpu.vector_store %arg7[%swap3A_482], %gather3A_477 {strides = array<i32>} : memref<8192xf32, #tpu.memory_space<vmem>>, vector<16xf32>,
      %add3A_484 = arith.constant 4096 : i32
      %add3A_485 = arith.addi %add3A_484, %mul3A_434 : i32
      %add3A_486 = arith.constant 64 : i32
      %add3A_487 = arith.addi %add3A_485, %add3A_486 : i32
      %get3A_488 = arith.index_cast %add3A_487 : i32 to index
      %get3A_489 = tpu.vector_load %arg5[%get3A_488] {strides = array<i32>} : memref<16384xi32, #tpu.memory_space<vmem>>, vector<16xi32>,
      %gather3A_490 = tpu.vector_load_idx %arg6[%get3A_489] : memref<100000xf32, #tpu.memory_space<vmem>>[vector<16xi32>], vector<16xf32>,
      %add3A_491 = arith.constant 4096 : i32
      %add3A_492 = arith.addi %add3A_491, %mul3A_434 : i32
      %add3A_493 = arith.constant 64 : i32
      %add3A_494 = arith.addi %add3A_492, %add3A_493 : i32
      %swap3A_495 = arith.index_cast %add3A_494 : i32 to index
      %swap3A_496 = tpu.vector_load %arg7[%swap3A_495] {strides = array<i32>} : memref<8192xf32, #tpu.memory_space<vmem>>, vector<16xf32>,
      tpu.vector_store %arg7[%swap3A_495], %gather3A_490 {strides = array<i32>} : memref<8192xf32, #tpu.memory_space<vmem>>, vector<16xf32>,
      %add3A_497 = arith.constant 4096 : i32
      %add3A_498 = arith.addi %add3A_497, %mul3A_434 : i32
      %add3A_499 = arith.constant 80 : i32
      %add3A_500 = arith.addi %add3A_498, %add3A_499 : i32
      %get3A_501 = arith.index_cast %add3A_500 : i32 to index
      %get3A_502 = tpu.vector_load %arg5[%get3A_501] {strides = array<i32>} : memref<16384xi32, #tpu.memory_space<vmem>>, vector<16xi32>,
      %gather3A_503 = tpu.vector_load_idx %arg6[%get3A_502] : memref<100000xf32, #tpu.memory_space<vmem>>[vector<16xi32>], vector<16xf32>,
      %add3A_504 = arith.constant 4096 : i32
      %add3A_505 = arith.addi %add3A_504, %mul3A_434 : i32
      %add3A_506 = arith.constant 80 : i32
      %add3A_507 = arith.addi %add3A_505, %add3A_506 : i32
      %swap3A_508 = arith.index_cast %add3A_507 : i32 to index
      %swap3A_509 = tpu.vector_load %arg7[%swap3A_508] {strides = array<i32>} : memref<8192xf32, #tpu.memory_space<vmem>>, vector<16xf32>,
      tpu.vector_store %arg7[%swap3A_508], %gather3A_503 {strides = array<i32>} : memref<8192xf32, #tpu.memory_space<vmem>>, vector<16xf32>,
      %add3A_510 = arith.constant 4096 : i32
      %add3A_511 = arith.addi %add3A_510, %mul3A_434 : i32
      %add3A_512 = arith.constant 96 : i32
      %add3A_513 = arith.addi %add3A_511, %add3A_512 : i32
      %get3A_514 = arith.index_cast %add3A_513 : i32 to index
      %get3A_515 = tpu.vector_load %arg5[%get3A_514] {strides = array<i32>} : memref<16384xi32, #tpu.memory_space<vmem>>, vector<16xi32>,
      %gather3A_516 = tpu.vector_load_idx %arg6[%get3A_515] : memref<100000xf32, #tpu.memory_space<vmem>>[vector<16xi32>], vector<16xf32>,
      %add3A_517 = arith.constant 4096 : i32
      %add3A_518 = arith.addi %add3A_517, %mul3A_434 : i32
      %add3A_519 = arith.constant 96 : i32
      %add3A_520 = arith.addi %add3A_518, %add3A_519 : i32
      %swap3A_521 = arith.index_cast %add3A_520 : i32 to index
      %swap3A_522 = tpu.vector_load %arg7[%swap3A_521] {strides = array<i32>} : memref<8192xf32, #tpu.memory_space<vmem>>, vector<16xf32>,
      tpu.vector_store %arg7[%swap3A_521], %gather3A_516 {strides = array<i32>} : memref<8192xf32, #tpu.memory_space<vmem>>, vector<16xf32>,
      %add3A_523 = arith.constant 4096 : i32
      %add3A_524 = arith.addi %add3A_523, %mul3A_434 : i32
      %add3A_525 = arith.constant 112 : i32
      %add3A_526 = arith.addi %add3A_524, %add3A_525 : i32
      %get3A_527 = arith.index_cast %add3A_526 : i32 to index
      %get3A_528 = tpu.vector_load %arg5[%get3A_527] {strides = array<i32>} : memref<16384xi32, #tpu.memory_space<vmem>>, vector<16xi32>,
      %gather3A_529 = tpu.vector_load_idx %arg6[%get3A_528] : memref<100000xf32, #tpu.memory_space<vmem>>[vector<16xi32>], vector<16xf32>,
      %add3A_530 = arith.constant 4096 : i32
      %add3A_531 = arith.addi %add3A_530, %mul3A_434 : i32
      %add3A_532 = arith.constant 112 : i32
      %add3A_533 = arith.addi %add3A_531, %add3A_532 : i32
      %swap3A_534 = arith.index_cast %add3A_533 : i32 to index
      %swap3A_535 = tpu.vector_load %arg7[%swap3A_534] {strides = array<i32>} : memref<8192xf32, #tpu.memory_space<vmem>>, vector<16xf32>,
      tpu.vector_store %arg7[%swap3A_534], %gather3A_529 {strides = array<i32>} : memref<8192xf32, #tpu.memory_space<vmem>>, vector<16xf32>,
    }
    %scan3A_239 = arith.constant 32 : i32
    %dma_start3A_240 = arith.constant 4096 : i32
    %dma_start3A_241 = tpu.memref_slice %arg7[%dma_start3A_240] : memref<8192xf32, #tpu.memory_space<vmem>> -> memref<4096xf32, #tpu.memory_space<vmem>>
    %dma_start3A_242 = arith.constant 4096 : i32
    %dma_start3A_243 = tpu.memref_slice %arg4[%add3A_197, %dma_start3A_242] : memref<128x16384xf32, #tpu.memory_space<hbm>> -> memref<1x4096xf32, #tpu.memory_space<hbm>>
    %dma_start3A_244 = tpu.memref_squeeze %dma_start3A_243 : memref<1x4096xf32, #tpu.memory_space<hbm>> -> memref<4096xf32, #tpu.memory_space<hbm>>
    %dma_start3A_245 = arith.constant 4096 : i32
    %dma_start3A_246 = tpu.memref_slice %arg4[%add3A_197, %dma_start3A_245] : memref<128x16384xf32, #tpu.memory_space<hbm>> -> memref<1x4096xf32, #tpu.memory_space<hbm>>
    %dma_start3A_247 = tpu.memref_squeeze %dma_start3A_246 : memref<1x4096xf32, #tpu.memory_space<hbm>> -> memref<4096xf32, #tpu.memory_space<hbm>>
    %dma_start3A_248 = arith.constant 4096 : i32
    %dma_start3A_249 = tpu.memref_slice %arg7[%dma_start3A_248] : memref<8192xf32, #tpu.memory_space<vmem>> -> memref<4096xf32, #tpu.memory_space<vmem>>
    tpu.enqueue_dma source(%dma_start3A_249 : memref<4096xf32, #tpu.memory_space<vmem>>) target(%dma_start3A_247 : memref<4096xf32, #tpu.memory_space<hbm>>) target_semaphore(%arg8 : memref<!tpu.dma_semaphore, #tpu.memory_space<semaphore_mem>>)
    %dma_wait3A_250 = arith.constant 0 : i32
    %dma_wait3A_251 = tpu.memref_slice %arg7[%dma_wait3A_250] : memref<8192xf32, #tpu.memory_space<vmem>> -> memref<4096xf32, #tpu.memory_space<vmem>>
    %dma_wait3A_252 = arith.constant 0 : i32
    %dma_wait3A_253 = tpu.memref_slice %arg4[%add3A_197, %dma_wait3A_252] : memref<128x16384xf32, #tpu.memory_space<hbm>> -> memref<1x4096xf32, #tpu.memory_space<hbm>>
    %dma_wait3A_254 = tpu.memref_squeeze %dma_wait3A_253 : memref<1x4096xf32, #tpu.memory_space<hbm>> -> memref<4096xf32, #tpu.memory_space<hbm>>
    %dma_wait3A_255 = arith.constant 0 : i32
    %dma_wait3A_256 = tpu.memref_slice %arg4[%add3A_197, %dma_wait3A_255] : memref<128x16384xf32, #tpu.memory_space<hbm>> -> memref<1x4096xf32, #tpu.memory_space<hbm>>
    %dma_wait3A_257 = tpu.memref_squeeze %dma_wait3A_256 : memref<1x4096xf32, #tpu.memory_space<hbm>> -> memref<4096xf32, #tpu.memory_space<hbm>>
    %dma_wait3A_258 = arith.constant 0 : i32
    %dma_wait3A_259 = tpu.memref_slice %arg7[%dma_wait3A_258] : memref<8192xf32, #tpu.memory_space<vmem>> -> memref<4096xf32, #tpu.memory_space<vmem>>
    tpu.wait_dma2 semaphore(%arg8 : memref<!tpu.dma_semaphore, #tpu.memory_space<semaphore_mem>>) src(%dma_wait3A_259 : memref<4096xf32, #tpu.memory_space<vmem>>) dst(%dma_wait3A_257 : memref<4096xf32, #tpu.memory_space<hbm>>)
    %scan3A_260 = arith.constant 0 : i32
    %scan3A_261 = arith.constant 0 : i32
    %scan3A_262 = arith.constant 32 : i32
    %scan3A_263 = arith.addi %scan3A_261, %scan3A_262 : i32
    %scan3A_264 = arith.constant 1 : i32
    scf.for %scan3A_430 = %scan3A_261 to %scan3A_263 step %scan3A_264  : i32 {
      %mul3A_431 = arith.constant 16 : i32
      %mul3A_432 = arith.muli %scan3A_430, %mul3A_431 : i32
      %mul3A_433 = arith.constant 8 : i32
      %mul3A_434 = arith.muli %mul3A_432, %mul3A_433 : i32
      %add3A_435 = arith.constant 8192 : i32
      %add3A_436 = arith.addi %add3A_435, %mul3A_434 : i32
      %add3A_437 = arith.constant 0 : i32
      %add3A_438 = arith.addi %add3A_436, %add3A_437 : i32
      %get3A = arith.index_cast %add3A_438 : i32 to index
      %get3A_439 = tpu.vector_load %arg5[%get3A] {strides = array<i32>} : memref<16384xi32, #tpu.memory_space<vmem>>, vector<16xi32>,
      %gather3A = tpu.vector_load_idx %arg6[%get3A_439] : memref<100000xf32, #tpu.memory_space<vmem>>[vector<16xi32>], vector<16xf32>,
      %add3A_440 = arith.constant 0 : i32
      %add3A_441 = arith.addi %add3A_440, %mul3A_434 : i32
      %add3A_442 = arith.constant 0 : i32
      %add3A_443 = arith.addi %add3A_441, %add3A_442 : i32
      %swap3A = arith.index_cast %add3A_443 : i32 to index
      %swap3A_444 = tpu.vector_load %arg7[%swap3A] {strides = array<i32>} : memref<8192xf32, #tpu.memory_space<vmem>>, vector<16xf32>,
      tpu.vector_store %arg7[%swap3A], %gather3A {strides = array<i32>} : memref<8192xf32, #tpu.memory_space<vmem>>, vector<16xf32>,
      %add3A_445 = arith.constant 8192 : i32
      %add3A_446 = arith.addi %add3A_445, %mul3A_434 : i32
      %add3A_447 = arith.constant 16 : i32
      %add3A_448 = arith.addi %add3A_446, %add3A_447 : i32
      %get3A_449 = arith.index_cast %add3A_448 : i32 to index
      %get3A_450 = tpu.vector_load %arg5[%get3A_449] {strides = array<i32>} : memref<16384xi32, #tpu.memory_space<vmem>>, vector<16xi32>,
      %gather3A_451 = tpu.vector_load_idx %arg6[%get3A_450] : memref<100000xf32, #tpu.memory_space<vmem>>[vector<16xi32>], vector<16xf32>,
      %add3A_452 = arith.constant 0 : i32
      %add3A_453 = arith.addi %add3A_452, %mul3A_434 : i32
      %add3A_454 = arith.constant 16 : i32
      %add3A_455 = arith.addi %add3A_453, %add3A_454 : i32
      %swap3A_456 = arith.index_cast %add3A_455 : i32 to index
      %swap3A_457 = tpu.vector_load %arg7[%swap3A_456] {strides = array<i32>} : memref<8192xf32, #tpu.memory_space<vmem>>, vector<16xf32>,
      tpu.vector_store %arg7[%swap3A_456], %gather3A_451 {strides = array<i32>} : memref<8192xf32, #tpu.memory_space<vmem>>, vector<16xf32>,
      %add3A_458 = arith.constant 8192 : i32
      %add3A_459 = arith.addi %add3A_458, %mul3A_434 : i32
      %add3A_460 = arith.constant 32 : i32
      %add3A_461 = arith.addi %add3A_459, %add3A_460 : i32
      %get3A_462 = arith.index_cast %add3A_461 : i32 to index
      %get3A_463 = tpu.vector_load %arg5[%get3A_462] {strides = array<i32>} : memref<16384xi32, #tpu.memory_space<vmem>>, vector<16xi32>,
      %gather3A_464 = tpu.vector_load_idx %arg6[%get3A_463] : memref<100000xf32, #tpu.memory_space<vmem>>[vector<16xi32>], vector<16xf32>,
      %add3A_465 = arith.constant 0 : i32
      %add3A_466 = arith.addi %add3A_465, %mul3A_434 : i32
      %add3A_467 = arith.constant 32 : i32
      %add3A_468 = arith.addi %add3A_466, %add3A_467 : i32
      %swap3A_469 = arith.index_cast %add3A_468 : i32 to index
      %swap3A_470 = tpu.vector_load %arg7[%swap3A_469] {strides = array<i32>} : memref<8192xf32, #tpu.memory_space<vmem>>, vector<16xf32>,
      tpu.vector_store %arg7[%swap3A_469], %gather3A_464 {strides = array<i32>} : memref<8192xf32, #tpu.memory_space<vmem>>, vector<16xf32>,
      %add3A_471 = arith.constant 8192 : i32
      %add3A_472 = arith.addi %add3A_471, %mul3A_434 : i32
      %add3A_473 = arith.constant 48 : i32
      %add3A_474 = arith.addi %add3A_472, %add3A_473 : i32
      %get3A_475 = arith.index_cast %add3A_474 : i32 to index
      %get3A_476 = tpu.vector_load %arg5[%get3A_475] {strides = array<i32>} : memref<16384xi32, #tpu.memory_space<vmem>>, vector<16xi32>,
      %gather3A_477 = tpu.vector_load_idx %arg6[%get3A_476] : memref<100000xf32, #tpu.memory_space<vmem>>[vector<16xi32>], vector<16xf32>,
      %add3A_478 = arith.constant 0 : i32
      %add3A_479 = arith.addi %add3A_478, %mul3A_434 : i32
      %add3A_480 = arith.constant 48 : i32
      %add3A_481 = arith.addi %add3A_479, %add3A_480 : i32
      %swap3A_482 = arith.index_cast %add3A_481 : i32 to index
      %swap3A_483 = tpu.vector_load %arg7[%swap3A_482] {strides = array<i32>} : memref<8192xf32, #tpu.memory_space<vmem>>, vector<16xf32>,
      tpu.vector_store %arg7[%swap3A_482], %gather3A_477 {strides = array<i32>} : memref<8192xf32, #tpu.memory_space<vmem>>, vector<16xf32>,
      %add3A_484 = arith.constant 8192 : i32
      %add3A_485 = arith.addi %add3A_484, %mul3A_434 : i32
      %add3A_486 = arith.constant 64 : i32
      %add3A_487 = arith.addi %add3A_485, %add3A_486 : i32
      %get3A_488 = arith.index_cast %add3A_487 : i32 to index
      %get3A_489 = tpu.vector_load %arg5[%get3A_488] {strides = array<i32>} : memref<16384xi32, #tpu.memory_space<vmem>>, vector<16xi32>,
      %gather3A_490 = tpu.vector_load_idx %arg6[%get3A_489] : memref<100000xf32, #tpu.memory_space<vmem>>[vector<16xi32>], vector<16xf32>,
      %add3A_491 = arith.constant 0 : i32
      %add3A_492 = arith.addi %add3A_491, %mul3A_434 : i32
      %add3A_493 = arith.constant 64 : i32
      %add3A_494 = arith.addi %add3A_492, %add3A_493 : i32
      %swap3A_495 = arith.index_cast %add3A_494 : i32 to index
      %swap3A_496 = tpu.vector_load %arg7[%swap3A_495] {strides = array<i32>} : memref<8192xf32, #tpu.memory_space<vmem>>, vector<16xf32>,
      tpu.vector_store %arg7[%swap3A_495], %gather3A_490 {strides = array<i32>} : memref<8192xf32, #tpu.memory_space<vmem>>, vector<16xf32>,
      %add3A_497 = arith.constant 8192 : i32
      %add3A_498 = arith.addi %add3A_497, %mul3A_434 : i32
      %add3A_499 = arith.constant 80 : i32
      %add3A_500 = arith.addi %add3A_498, %add3A_499 : i32
      %get3A_501 = arith.index_cast %add3A_500 : i32 to index
      %get3A_502 = tpu.vector_load %arg5[%get3A_501] {strides = array<i32>} : memref<16384xi32, #tpu.memory_space<vmem>>, vector<16xi32>,
      %gather3A_503 = tpu.vector_load_idx %arg6[%get3A_502] : memref<100000xf32, #tpu.memory_space<vmem>>[vector<16xi32>], vector<16xf32>,
      %add3A_504 = arith.constant 0 : i32
      %add3A_505 = arith.addi %add3A_504, %mul3A_434 : i32
      %add3A_506 = arith.constant 80 : i32
      %add3A_507 = arith.addi %add3A_505, %add3A_506 : i32
      %swap3A_508 = arith.index_cast %add3A_507 : i32 to index
      %swap3A_509 = tpu.vector_load %arg7[%swap3A_508] {strides = array<i32>} : memref<8192xf32, #tpu.memory_space<vmem>>, vector<16xf32>,
      tpu.vector_store %arg7[%swap3A_508], %gather3A_503 {strides = array<i32>} : memref<8192xf32, #tpu.memory_space<vmem>>, vector<16xf32>,
      %add3A_510 = arith.constant 8192 : i32
      %add3A_511 = arith.addi %add3A_510, %mul3A_434 : i32
      %add3A_512 = arith.constant 96 : i32
      %add3A_513 = arith.addi %add3A_511, %add3A_512 : i32
      %get3A_514 = arith.index_cast %add3A_513 : i32 to index
      %get3A_515 = tpu.vector_load %arg5[%get3A_514] {strides = array<i32>} : memref<16384xi32, #tpu.memory_space<vmem>>, vector<16xi32>,
      %gather3A_516 = tpu.vector_load_idx %arg6[%get3A_515] : memref<100000xf32, #tpu.memory_space<vmem>>[vector<16xi32>], vector<16xf32>,
      %add3A_517 = arith.constant 0 : i32
      %add3A_518 = arith.addi %add3A_517, %mul3A_434 : i32
      %add3A_519 = arith.constant 96 : i32
      %add3A_520 = arith.addi %add3A_518, %add3A_519 : i32
      %swap3A_521 = arith.index_cast %add3A_520 : i32 to index
      %swap3A_522 = tpu.vector_load %arg7[%swap3A_521] {strides = array<i32>} : memref<8192xf32, #tpu.memory_space<vmem>>, vector<16xf32>,
      tpu.vector_store %arg7[%swap3A_521], %gather3A_516 {strides = array<i32>} : memref<8192xf32, #tpu.memory_space<vmem>>, vector<16xf32>,
      %add3A_523 = arith.constant 8192 : i32
      %add3A_524 = arith.addi %add3A_523, %mul3A_434 : i32
      %add3A_525 = arith.constant 112 : i32
      %add3A_526 = arith.addi %add3A_524, %add3A_525 : i32
      %get3A_527 = arith.index_cast %add3A_526 : i32 to index
      %get3A_528 = tpu.vector_load %arg5[%get3A_527] {strides = array<i32>} : memref<16384xi32, #tpu.memory_space<vmem>>, vector<16xi32>,
      %gather3A_529 = tpu.vector_load_idx %arg6[%get3A_528] : memref<100000xf32, #tpu.memory_space<vmem>>[vector<16xi32>], vector<16xf32>,
      %add3A_530 = arith.constant 0 : i32
      %add3A_531 = arith.addi %add3A_530, %mul3A_434 : i32
      %add3A_532 = arith.constant 112 : i32
      %add3A_533 = arith.addi %add3A_531, %add3A_532 : i32
      %swap3A_534 = arith.index_cast %add3A_533 : i32 to index
      %swap3A_535 = tpu.vector_load %arg7[%swap3A_534] {strides = array<i32>} : memref<8192xf32, #tpu.memory_space<vmem>>, vector<16xf32>,
      tpu.vector_store %arg7[%swap3A_534], %gather3A_529 {strides = array<i32>} : memref<8192xf32, #tpu.memory_space<vmem>>, vector<16xf32>,
    }
    %scan3A_265 = arith.constant 32 : i32
    %dma_start3A_266 = arith.constant 0 : i32
    %dma_start3A_267 = tpu.memref_slice %arg7[%dma_start3A_266] : memref<8192xf32, #tpu.memory_space<vmem>> -> memref<4096xf32, #tpu.memory_space<vmem>>
    %dma_start3A_268 = arith.constant 8192 : i32
    %dma_start3A_269 = tpu.memref_slice %arg4[%add3A_197, %dma_start3A_268] : memref<128x16384xf32, #tpu.memory_space<hbm>> -> memref<1x4096xf32, #tpu.memory_space<hbm>>
    %dma_start3A_270 = tpu.memref_squeeze %dma_start3A_269 : memref<1x4096xf32, #tpu.memory_space<hbm>> -> memref<4096xf32, #tpu.memory_space<hbm>>
    %dma_start3A_271 = arith.constant 8192 : i32
    %dma_start3A_272 = tpu.memref_slice %arg4[%add3A_197, %dma_start3A_271] : memref<128x16384xf32, #tpu.memory_space<hbm>> -> memref<1x4096xf32, #tpu.memory_space<hbm>>
    %dma_start3A_273 = tpu.memref_squeeze %dma_start3A_272 : memref<1x4096xf32, #tpu.memory_space<hbm>> -> memref<4096xf32, #tpu.memory_space<hbm>>
    %dma_start3A_274 = arith.constant 0 : i32
    %dma_start3A_275 = tpu.memref_slice %arg7[%dma_start3A_274] : memref<8192xf32, #tpu.memory_space<vmem>> -> memref<4096xf32, #tpu.memory_space<vmem>>
    tpu.enqueue_dma source(%dma_start3A_275 : memref<4096xf32, #tpu.memory_space<vmem>>) target(%dma_start3A_273 : memref<4096xf32, #tpu.memory_space<hbm>>) target_semaphore(%arg8 : memref<!tpu.dma_semaphore, #tpu.memory_space<semaphore_mem>>)
    %dma_wait3A_276 = arith.constant 4096 : i32
    %dma_wait3A_277 = tpu.memref_slice %arg7[%dma_wait3A_276] : memref<8192xf32, #tpu.memory_space<vmem>> -> memref<4096xf32, #tpu.memory_space<vmem>>
    %dma_wait3A_278 = arith.constant 4096 : i32
    %dma_wait3A_279 = tpu.memref_slice %arg4[%add3A_197, %dma_wait3A_278] : memref<128x16384xf32, #tpu.memory_space<hbm>> -> memref<1x4096xf32, #tpu.memory_space<hbm>>
    %dma_wait3A_280 = tpu.memref_squeeze %dma_wait3A_279 : memref<1x4096xf32, #tpu.memory_space<hbm>> -> memref<4096xf32, #tpu.memory_space<hbm>>
    %dma_wait3A_281 = arith.constant 4096 : i32
    %dma_wait3A_282 = tpu.memref_slice %arg4[%add3A_197, %dma_wait3A_281] : memref<128x16384xf32, #tpu.memory_space<hbm>> -> memref<1x4096xf32, #tpu.memory_space<hbm>>
    %dma_wait3A_283 = tpu.memref_squeeze %dma_wait3A_282 : memref<1x4096xf32, #tpu.memory_space<hbm>> -> memref<4096xf32, #tpu.memory_space<hbm>>
    %dma_wait3A_284 = arith.constant 4096 : i32
    %dma_wait3A_285 = tpu.memref_slice %arg7[%dma_wait3A_284] : memref<8192xf32, #tpu.memory_space<vmem>> -> memref<4096xf32, #tpu.memory_space<vmem>>
    tpu.wait_dma2 semaphore(%arg8 : memref<!tpu.dma_semaphore, #tpu.memory_space<semaphore_mem>>) src(%dma_wait3A_285 : memref<4096xf32, #tpu.memory_space<vmem>>) dst(%dma_wait3A_283 : memref<4096xf32, #tpu.memory_space<hbm>>)
    %scan3A_286 = arith.constant 0 : i32
    %scan3A_287 = arith.constant 0 : i32
    %scan3A_288 = arith.constant 32 : i32
    %scan3A_289 = arith.addi %scan3A_287, %scan3A_288 : i32
    %scan3A_290 = arith.constant 1 : i32
    scf.for %scan3A_430 = %scan3A_287 to %scan3A_289 step %scan3A_290  : i32 {
      %mul3A_431 = arith.constant 16 : i32
      %mul3A_432 = arith.muli %scan3A_430, %mul3A_431 : i32
      %mul3A_433 = arith.constant 8 : i32
      %mul3A_434 = arith.muli %mul3A_432, %mul3A_433 : i32
      %add3A_435 = arith.constant 12288 : i32
      %add3A_436 = arith.addi %add3A_435, %mul3A_434 : i32
      %add3A_437 = arith.constant 0 : i32
      %add3A_438 = arith.addi %add3A_436, %add3A_437 : i32
      %get3A = arith.index_cast %add3A_438 : i32 to index
      %get3A_439 = tpu.vector_load %arg5[%get3A] {strides = array<i32>} : memref<16384xi32, #tpu.memory_space<vmem>>, vector<16xi32>,
      %gather3A = tpu.vector_load_idx %arg6[%get3A_439] : memref<100000xf32, #tpu.memory_space<vmem>>[vector<16xi32>], vector<16xf32>,
      %add3A_440 = arith.constant 4096 : i32
      %add3A_441 = arith.addi %add3A_440, %mul3A_434 : i32
      %add3A_442 = arith.constant 0 : i32
      %add3A_443 = arith.addi %add3A_441, %add3A_442 : i32
      %swap3A = arith.index_cast %add3A_443 : i32 to index
      %swap3A_444 = tpu.vector_load %arg7[%swap3A] {strides = array<i32>} : memref<8192xf32, #tpu.memory_space<vmem>>, vector<16xf32>,
      tpu.vector_store %arg7[%swap3A], %gather3A {strides = array<i32>} : memref<8192xf32, #tpu.memory_space<vmem>>, vector<16xf32>,
      %add3A_445 = arith.constant 12288 : i32
      %add3A_446 = arith.addi %add3A_445, %mul3A_434 : i32
      %add3A_447 = arith.constant 16 : i32
      %add3A_448 = arith.addi %add3A_446, %add3A_447 : i32
      %get3A_449 = arith.index_cast %add3A_448 : i32 to index
      %get3A_450 = tpu.vector_load %arg5[%get3A_449] {strides = array<i32>} : memref<16384xi32, #tpu.memory_space<vmem>>, vector<16xi32>,
      %gather3A_451 = tpu.vector_load_idx %arg6[%get3A_450] : memref<100000xf32, #tpu.memory_space<vmem>>[vector<16xi32>], vector<16xf32>,
      %add3A_452 = arith.constant 4096 : i32
      %add3A_453 = arith.addi %add3A_452, %mul3A_434 : i32
      %add3A_454 = arith.constant 16 : i32
      %add3A_455 = arith.addi %add3A_453, %add3A_454 : i32
      %swap3A_456 = arith.index_cast %add3A_455 : i32 to index
      %swap3A_457 = tpu.vector_load %arg7[%swap3A_456] {strides = array<i32>} : memref<8192xf32, #tpu.memory_space<vmem>>, vector<16xf32>,
      tpu.vector_store %arg7[%swap3A_456], %gather3A_451 {strides = array<i32>} : memref<8192xf32, #tpu.memory_space<vmem>>, vector<16xf32>,
      %add3A_458 = arith.constant 12288 : i32
      %add3A_459 = arith.addi %add3A_458, %mul3A_434 : i32
      %add3A_460 = arith.constant 32 : i32
      %add3A_461 = arith.addi %add3A_459, %add3A_460 : i32
      %get3A_462 = arith.index_cast %add3A_461 : i32 to index
      %get3A_463 = tpu.vector_load %arg5[%get3A_462] {strides = array<i32>} : memref<16384xi32, #tpu.memory_space<vmem>>, vector<16xi32>,
      %gather3A_464 = tpu.vector_load_idx %arg6[%get3A_463] : memref<100000xf32, #tpu.memory_space<vmem>>[vector<16xi32>], vector<16xf32>,
      %add3A_465 = arith.constant 4096 : i32
      %add3A_466 = arith.addi %add3A_465, %mul3A_434 : i32
      %add3A_467 = arith.constant 32 : i32
      %add3A_468 = arith.addi %add3A_466, %add3A_467 : i32
      %swap3A_469 = arith.index_cast %add3A_468 : i32 to index
      %swap3A_470 = tpu.vector_load %arg7[%swap3A_469] {strides = array<i32>} : memref<8192xf32, #tpu.memory_space<vmem>>, vector<16xf32>,
      tpu.vector_store %arg7[%swap3A_469], %gather3A_464 {strides = array<i32>} : memref<8192xf32, #tpu.memory_space<vmem>>, vector<16xf32>,
      %add3A_471 = arith.constant 12288 : i32
      %add3A_472 = arith.addi %add3A_471, %mul3A_434 : i32
      %add3A_473 = arith.constant 48 : i32
      %add3A_474 = arith.addi %add3A_472, %add3A_473 : i32
      %get3A_475 = arith.index_cast %add3A_474 : i32 to index
      %get3A_476 = tpu.vector_load %arg5[%get3A_475] {strides = array<i32>} : memref<16384xi32, #tpu.memory_space<vmem>>, vector<16xi32>,
      %gather3A_477 = tpu.vector_load_idx %arg6[%get3A_476] : memref<100000xf32, #tpu.memory_space<vmem>>[vector<16xi32>], vector<16xf32>,
      %add3A_478 = arith.constant 4096 : i32
      %add3A_479 = arith.addi %add3A_478, %mul3A_434 : i32
      %add3A_480 = arith.constant 48 : i32
      %add3A_481 = arith.addi %add3A_479, %add3A_480 : i32
      %swap3A_482 = arith.index_cast %add3A_481 : i32 to index
      %swap3A_483 = tpu.vector_load %arg7[%swap3A_482] {strides = array<i32>} : memref<8192xf32, #tpu.memory_space<vmem>>, vector<16xf32>,
      tpu.vector_store %arg7[%swap3A_482], %gather3A_477 {strides = array<i32>} : memref<8192xf32, #tpu.memory_space<vmem>>, vector<16xf32>,
      %add3A_484 = arith.constant 12288 : i32
      %add3A_485 = arith.addi %add3A_484, %mul3A_434 : i32
      %add3A_486 = arith.constant 64 : i32
      %add3A_487 = arith.addi %add3A_485, %add3A_486 : i32
      %get3A_488 = arith.index_cast %add3A_487 : i32 to index
      %get3A_489 = tpu.vector_load %arg5[%get3A_488] {strides = array<i32>} : memref<16384xi32, #tpu.memory_space<vmem>>, vector<16xi32>,
      %gather3A_490 = tpu.vector_load_idx %arg6[%get3A_489] : memref<100000xf32, #tpu.memory_space<vmem>>[vector<16xi32>], vector<16xf32>,
      %add3A_491 = arith.constant 4096 : i32
      %add3A_492 = arith.addi %add3A_491, %mul3A_434 : i32
      %add3A_493 = arith.constant 64 : i32
      %add3A_494 = arith.addi %add3A_492, %add3A_493 : i32
      %swap3A_495 = arith.index_cast %add3A_494 : i32 to index
      %swap3A_496 = tpu.vector_load %arg7[%swap3A_495] {strides = array<i32>} : memref<8192xf32, #tpu.memory_space<vmem>>, vector<16xf32>,
      tpu.vector_store %arg7[%swap3A_495], %gather3A_490 {strides = array<i32>} : memref<8192xf32, #tpu.memory_space<vmem>>, vector<16xf32>,
      %add3A_497 = arith.constant 12288 : i32
      %add3A_498 = arith.addi %add3A_497, %mul3A_434 : i32
      %add3A_499 = arith.constant 80 : i32
      %add3A_500 = arith.addi %add3A_498, %add3A_499 : i32
      %get3A_501 = arith.index_cast %add3A_500 : i32 to index
      %get3A_502 = tpu.vector_load %arg5[%get3A_501] {strides = array<i32>} : memref<16384xi32, #tpu.memory_space<vmem>>, vector<16xi32>,
      %gather3A_503 = tpu.vector_load_idx %arg6[%get3A_502] : memref<100000xf32, #tpu.memory_space<vmem>>[vector<16xi32>], vector<16xf32>,
      %add3A_504 = arith.constant 4096 : i32
      %add3A_505 = arith.addi %add3A_504, %mul3A_434 : i32
      %add3A_506 = arith.constant 80 : i32
      %add3A_507 = arith.addi %add3A_505, %add3A_506 : i32
      %swap3A_508 = arith.index_cast %add3A_507 : i32 to index
      %swap3A_509 = tpu.vector_load %arg7[%swap3A_508] {strides = array<i32>} : memref<8192xf32, #tpu.memory_space<vmem>>, vector<16xf32>,
      tpu.vector_store %arg7[%swap3A_508], %gather3A_503 {strides = array<i32>} : memref<8192xf32, #tpu.memory_space<vmem>>, vector<16xf32>,
      %add3A_510 = arith.constant 12288 : i32
      %add3A_511 = arith.addi %add3A_510, %mul3A_434 : i32
      %add3A_512 = arith.constant 96 : i32
      %add3A_513 = arith.addi %add3A_511, %add3A_512 : i32
      %get3A_514 = arith.index_cast %add3A_513 : i32 to index
      %get3A_515 = tpu.vector_load %arg5[%get3A_514] {strides = array<i32>} : memref<16384xi32, #tpu.memory_space<vmem>>, vector<16xi32>,
      %gather3A_516 = tpu.vector_load_idx %arg6[%get3A_515] : memref<100000xf32, #tpu.memory_space<vmem>>[vector<16xi32>], vector<16xf32>,
      %add3A_517 = arith.constant 4096 : i32
      %add3A_518 = arith.addi %add3A_517, %mul3A_434 : i32
      %add3A_519 = arith.constant 96 : i32
      %add3A_520 = arith.addi %add3A_518, %add3A_519 : i32
      %swap3A_521 = arith.index_cast %add3A_520 : i32 to index
      %swap3A_522 = tpu.vector_load %arg7[%swap3A_521] {strides = array<i32>} : memref<8192xf32, #tpu.memory_space<vmem>>, vector<16xf32>,
      tpu.vector_store %arg7[%swap3A_521], %gather3A_516 {strides = array<i32>} : memref<8192xf32, #tpu.memory_space<vmem>>, vector<16xf32>,
      %add3A_523 = arith.constant 12288 : i32
      %add3A_524 = arith.addi %add3A_523, %mul3A_434 : i32
      %add3A_525 = arith.constant 112 : i32
      %add3A_526 = arith.addi %add3A_524, %add3A_525 : i32
      %get3A_527 = arith.index_cast %add3A_526 : i32 to index
      %get3A_528 = tpu.vector_load %arg5[%get3A_527] {strides = array<i32>} : memref<16384xi32, #tpu.memory_space<vmem>>, vector<16xi32>,
      %gather3A_529 = tpu.vector_load_idx %arg6[%get3A_528] : memref<100000xf32, #tpu.memory_space<vmem>>[vector<16xi32>], vector<16xf32>,
      %add3A_530 = arith.constant 4096 : i32
      %add3A_531 = arith.addi %add3A_530, %mul3A_434 : i32
      %add3A_532 = arith.constant 112 : i32
      %add3A_533 = arith.addi %add3A_531, %add3A_532 : i32
      %swap3A_534 = arith.index_cast %add3A_533 : i32 to index
      %swap3A_535 = tpu.vector_load %arg7[%swap3A_534] {strides = array<i32>} : memref<8192xf32, #tpu.memory_space<vmem>>, vector<16xf32>,
      tpu.vector_store %arg7[%swap3A_534], %gather3A_529 {strides = array<i32>} : memref<8192xf32, #tpu.memory_space<vmem>>, vector<16xf32>,
    }
    %scan3A_291 = arith.constant 32 : i32
    %dma_start3A_292 = arith.constant 4096 : i32
    %dma_start3A_293 = tpu.memref_slice %arg7[%dma_start3A_292] : memref<8192xf32, #tpu.memory_space<vmem>> -> memref<4096xf32, #tpu.memory_space<vmem>>
    %dma_start3A_294 = arith.constant 12288 : i32
    %dma_start3A_295 = tpu.memref_slice %arg4[%add3A_197, %dma_start3A_294] : memref<128x16384xf32, #tpu.memory_space<hbm>> -> memref<1x4096xf32, #tpu.memory_space<hbm>>
    %dma_start3A_296 = tpu.memref_squeeze %dma_start3A_295 : memref<1x4096xf32, #tpu.memory_space<hbm>> -> memref<4096xf32, #tpu.memory_space<hbm>>
    %dma_start3A_297 = arith.constant 12288 : i32
    %dma_start3A_298 = tpu.memref_slice %arg4[%add3A_197, %dma_start3A_297] : memref<128x16384xf32, #tpu.memory_space<hbm>> -> memref<1x4096xf32, #tpu.memory_space<hbm>>
    %dma_start3A_299 = tpu.memref_squeeze %dma_start3A_298 : memref<1x4096xf32, #tpu.memory_space<hbm>> -> memref<4096xf32, #tpu.memory_space<hbm>>
    %dma_start3A_300 = arith.constant 4096 : i32
    %dma_start3A_301 = tpu.memref_slice %arg7[%dma_start3A_300] : memref<8192xf32, #tpu.memory_space<vmem>> -> memref<4096xf32, #tpu.memory_space<vmem>>
    tpu.enqueue_dma source(%dma_start3A_301 : memref<4096xf32, #tpu.memory_space<vmem>>) target(%dma_start3A_299 : memref<4096xf32, #tpu.memory_space<hbm>>) target_semaphore(%arg8 : memref<!tpu.dma_semaphore, #tpu.memory_space<semaphore_mem>>)
    %mul3A_302 = arith.constant 4 : i32
    %mul3A_303 = arith.muli %add3A, %mul3A_302 : i32
    %add3A_304 = arith.constant 3 : i32
    %add3A_305 = arith.addi %mul3A_303, %add3A_304 : i32
    "tpu.region"() ({
      %run_scoped3A = tpu.sem_alloc : memref<!tpu.dma_semaphore, #tpu.memory_space<semaphore_mem>>
      %dma_start3A_430 = arith.constant 0 : i32
      %dma_start3A_431 = tpu.memref_slice %arg2[%add3A_305, %dma_start3A_430] : memref<128x100000xf32, #tpu.memory_space<hbm>> -> memref<1x100000xf32, #tpu.memory_space<hbm>>
      %dma_start3A_432 = tpu.memref_squeeze %dma_start3A_431 : memref<1x100000xf32, #tpu.memory_space<hbm>> -> memref<100000xf32, #tpu.memory_space<hbm>>
      %dma_start3A_433 = arith.constant 0 : i32
      %dma_start3A_434 = tpu.memref_slice %arg2[%add3A_305, %dma_start3A_433] : memref<128x100000xf32, #tpu.memory_space<hbm>> -> memref<1x100000xf32, #tpu.memory_space<hbm>>
      %dma_start3A_435 = tpu.memref_squeeze %dma_start3A_434 : memref<1x100000xf32, #tpu.memory_space<hbm>> -> memref<100000xf32, #tpu.memory_space<hbm>>
      tpu.enqueue_dma source(%dma_start3A_435 : memref<100000xf32, #tpu.memory_space<hbm>>) target(%arg6 : memref<100000xf32, #tpu.memory_space<vmem>>) target_semaphore(%run_scoped3A : memref<!tpu.dma_semaphore, #tpu.memory_space<semaphore_mem>>)
      %dma_wait3A_436 = arith.constant 0 : i32
      %dma_wait3A_437 = tpu.memref_slice %arg2[%add3A_305, %dma_wait3A_436] : memref<128x100000xf32, #tpu.memory_space<hbm>> -> memref<1x100000xf32, #tpu.memory_space<hbm>>
      %dma_wait3A_438 = tpu.memref_squeeze %dma_wait3A_437 : memref<1x100000xf32, #tpu.memory_space<hbm>> -> memref<100000xf32, #tpu.memory_space<hbm>>
      %dma_wait3A_439 = arith.constant 0 : i32
      %dma_wait3A_440 = tpu.memref_slice %arg2[%add3A_305, %dma_wait3A_439] : memref<128x100000xf32, #tpu.memory_space<hbm>> -> memref<1x100000xf32, #tpu.memory_space<hbm>>
      %dma_wait3A_441 = tpu.memref_squeeze %dma_wait3A_440 : memref<1x100000xf32, #tpu.memory_space<hbm>> -> memref<100000xf32, #tpu.memory_space<hbm>>
      tpu.wait_dma2 semaphore(%run_scoped3A : memref<!tpu.dma_semaphore, #tpu.memory_space<semaphore_mem>>) src(%dma_wait3A_441 : memref<100000xf32, #tpu.memory_space<hbm>>) dst(%arg6 : memref<100000xf32, #tpu.memory_space<vmem>>)
      tpu.yield
    }) : () -> ()
    %dma_wait3A_306 = arith.constant 0 : i32
    %dma_wait3A_307 = tpu.memref_slice %arg7[%dma_wait3A_306] : memref<8192xf32, #tpu.memory_space<vmem>> -> memref<4096xf32, #tpu.memory_space<vmem>>
    %dma_wait3A_308 = arith.constant 8192 : i32
    %dma_wait3A_309 = tpu.memref_slice %arg4[%add3A_197, %dma_wait3A_308] : memref<128x16384xf32, #tpu.memory_space<hbm>> -> memref<1x4096xf32, #tpu.memory_space<hbm>>
    %dma_wait3A_310 = tpu.memref_squeeze %dma_wait3A_309 : memref<1x4096xf32, #tpu.memory_space<hbm>> -> memref<4096xf32, #tpu.memory_space<hbm>>
    %dma_wait3A_311 = arith.constant 8192 : i32
    %dma_wait3A_312 = tpu.memref_slice %arg4[%add3A_197, %dma_wait3A_311] : memref<128x16384xf32, #tpu.memory_space<hbm>> -> memref<1x4096xf32, #tpu.memory_space<hbm>>
    %dma_wait3A_313 = tpu.memref_squeeze %dma_wait3A_312 : memref<1x4096xf32, #tpu.memory_space<hbm>> -> memref<4096xf32, #tpu.memory_space<hbm>>
    %dma_wait3A_314 = arith.constant 0 : i32
    %dma_wait3A_315 = tpu.memref_slice %arg7[%dma_wait3A_314] : memref<8192xf32, #tpu.memory_space<vmem>> -> memref<4096xf32, #tpu.memory_space<vmem>>
    tpu.wait_dma2 semaphore(%arg8 : memref<!tpu.dma_semaphore, #tpu.memory_space<semaphore_mem>>) src(%dma_wait3A_315 : memref<4096xf32, #tpu.memory_space<vmem>>) dst(%dma_wait3A_313 : memref<4096xf32, #tpu.memory_space<hbm>>)
    %scan3A_316 = arith.constant 0 : i32
    %scan3A_317 = arith.constant 0 : i32
    %scan3A_318 = arith.constant 32 : i32
    %scan3A_319 = arith.addi %scan3A_317, %scan3A_318 : i32
    %scan3A_320 = arith.constant 1 : i32
    scf.for %scan3A_430 = %scan3A_317 to %scan3A_319 step %scan3A_320  : i32 {
      %mul3A_431 = arith.constant 16 : i32
      %mul3A_432 = arith.muli %scan3A_430, %mul3A_431 : i32
      %mul3A_433 = arith.constant 8 : i32
      %mul3A_434 = arith.muli %mul3A_432, %mul3A_433 : i32
      %add3A_435 = arith.constant 0 : i32
      %add3A_436 = arith.addi %add3A_435, %mul3A_434 : i32
      %add3A_437 = arith.constant 0 : i32
      %add3A_438 = arith.addi %add3A_436, %add3A_437 : i32
      %get3A = arith.index_cast %add3A_438 : i32 to index
      %get3A_439 = tpu.vector_load %arg5[%get3A] {strides = array<i32>} : memref<16384xi32, #tpu.memory_space<vmem>>, vector<16xi32>,
      %gather3A = tpu.vector_load_idx %arg6[%get3A_439] : memref<100000xf32, #tpu.memory_space<vmem>>[vector<16xi32>], vector<16xf32>,
      %add3A_440 = arith.constant 0 : i32
      %add3A_441 = arith.addi %add3A_440, %mul3A_434 : i32
      %add3A_442 = arith.constant 0 : i32
      %add3A_443 = arith.addi %add3A_441, %add3A_442 : i32
      %swap3A = arith.index_cast %add3A_443 : i32 to index
      %swap3A_444 = tpu.vector_load %arg7[%swap3A] {strides = array<i32>} : memref<8192xf32, #tpu.memory_space<vmem>>, vector<16xf32>,
      tpu.vector_store %arg7[%swap3A], %gather3A {strides = array<i32>} : memref<8192xf32, #tpu.memory_space<vmem>>, vector<16xf32>,
      %add3A_445 = arith.constant 0 : i32
      %add3A_446 = arith.addi %add3A_445, %mul3A_434 : i32
      %add3A_447 = arith.constant 16 : i32
      %add3A_448 = arith.addi %add3A_446, %add3A_447 : i32
      %get3A_449 = arith.index_cast %add3A_448 : i32 to index
      %get3A_450 = tpu.vector_load %arg5[%get3A_449] {strides = array<i32>} : memref<16384xi32, #tpu.memory_space<vmem>>, vector<16xi32>,
      %gather3A_451 = tpu.vector_load_idx %arg6[%get3A_450] : memref<100000xf32, #tpu.memory_space<vmem>>[vector<16xi32>], vector<16xf32>,
      %add3A_452 = arith.constant 0 : i32
      %add3A_453 = arith.addi %add3A_452, %mul3A_434 : i32
      %add3A_454 = arith.constant 16 : i32
      %add3A_455 = arith.addi %add3A_453, %add3A_454 : i32
      %swap3A_456 = arith.index_cast %add3A_455 : i32 to index
      %swap3A_457 = tpu.vector_load %arg7[%swap3A_456] {strides = array<i32>} : memref<8192xf32, #tpu.memory_space<vmem>>, vector<16xf32>,
      tpu.vector_store %arg7[%swap3A_456], %gather3A_451 {strides = array<i32>} : memref<8192xf32, #tpu.memory_space<vmem>>, vector<16xf32>,
      %add3A_458 = arith.constant 0 : i32
      %add3A_459 = arith.addi %add3A_458, %mul3A_434 : i32
      %add3A_460 = arith.constant 32 : i32
      %add3A_461 = arith.addi %add3A_459, %add3A_460 : i32
      %get3A_462 = arith.index_cast %add3A_461 : i32 to index
      %get3A_463 = tpu.vector_load %arg5[%get3A_462] {strides = array<i32>} : memref<16384xi32, #tpu.memory_space<vmem>>, vector<16xi32>,
      %gather3A_464 = tpu.vector_load_idx %arg6[%get3A_463] : memref<100000xf32, #tpu.memory_space<vmem>>[vector<16xi32>], vector<16xf32>,
      %add3A_465 = arith.constant 0 : i32
      %add3A_466 = arith.addi %add3A_465, %mul3A_434 : i32
      %add3A_467 = arith.constant 32 : i32
      %add3A_468 = arith.addi %add3A_466, %add3A_467 : i32
      %swap3A_469 = arith.index_cast %add3A_468 : i32 to index
      %swap3A_470 = tpu.vector_load %arg7[%swap3A_469] {strides = array<i32>} : memref<8192xf32, #tpu.memory_space<vmem>>, vector<16xf32>,
      tpu.vector_store %arg7[%swap3A_469], %gather3A_464 {strides = array<i32>} : memref<8192xf32, #tpu.memory_space<vmem>>, vector<16xf32>,
      %add3A_471 = arith.constant 0 : i32
      %add3A_472 = arith.addi %add3A_471, %mul3A_434 : i32
      %add3A_473 = arith.constant 48 : i32
      %add3A_474 = arith.addi %add3A_472, %add3A_473 : i32
      %get3A_475 = arith.index_cast %add3A_474 : i32 to index
      %get3A_476 = tpu.vector_load %arg5[%get3A_475] {strides = array<i32>} : memref<16384xi32, #tpu.memory_space<vmem>>, vector<16xi32>,
      %gather3A_477 = tpu.vector_load_idx %arg6[%get3A_476] : memref<100000xf32, #tpu.memory_space<vmem>>[vector<16xi32>], vector<16xf32>,
      %add3A_478 = arith.constant 0 : i32
      %add3A_479 = arith.addi %add3A_478, %mul3A_434 : i32
      %add3A_480 = arith.constant 48 : i32
      %add3A_481 = arith.addi %add3A_479, %add3A_480 : i32
      %swap3A_482 = arith.index_cast %add3A_481 : i32 to index
      %swap3A_483 = tpu.vector_load %arg7[%swap3A_482] {strides = array<i32>} : memref<8192xf32, #tpu.memory_space<vmem>>, vector<16xf32>,
      tpu.vector_store %arg7[%swap3A_482], %gather3A_477 {strides = array<i32>} : memref<8192xf32, #tpu.memory_space<vmem>>, vector<16xf32>,
      %add3A_484 = arith.constant 0 : i32
      %add3A_485 = arith.addi %add3A_484, %mul3A_434 : i32
      %add3A_486 = arith.constant 64 : i32
      %add3A_487 = arith.addi %add3A_485, %add3A_486 : i32
      %get3A_488 = arith.index_cast %add3A_487 : i32 to index
      %get3A_489 = tpu.vector_load %arg5[%get3A_488] {strides = array<i32>} : memref<16384xi32, #tpu.memory_space<vmem>>, vector<16xi32>,
      %gather3A_490 = tpu.vector_load_idx %arg6[%get3A_489] : memref<100000xf32, #tpu.memory_space<vmem>>[vector<16xi32>], vector<16xf32>,
      %add3A_491 = arith.constant 0 : i32
      %add3A_492 = arith.addi %add3A_491, %mul3A_434 : i32
      %add3A_493 = arith.constant 64 : i32
      %add3A_494 = arith.addi %add3A_492, %add3A_493 : i32
      %swap3A_495 = arith.index_cast %add3A_494 : i32 to index
      %swap3A_496 = tpu.vector_load %arg7[%swap3A_495] {strides = array<i32>} : memref<8192xf32, #tpu.memory_space<vmem>>, vector<16xf32>,
      tpu.vector_store %arg7[%swap3A_495], %gather3A_490 {strides = array<i32>} : memref<8192xf32, #tpu.memory_space<vmem>>, vector<16xf32>,
      %add3A_497 = arith.constant 0 : i32
      %add3A_498 = arith.addi %add3A_497, %mul3A_434 : i32
      %add3A_499 = arith.constant 80 : i32
      %add3A_500 = arith.addi %add3A_498, %add3A_499 : i32
      %get3A_501 = arith.index_cast %add3A_500 : i32 to index
      %get3A_502 = tpu.vector_load %arg5[%get3A_501] {strides = array<i32>} : memref<16384xi32, #tpu.memory_space<vmem>>, vector<16xi32>,
      %gather3A_503 = tpu.vector_load_idx %arg6[%get3A_502] : memref<100000xf32, #tpu.memory_space<vmem>>[vector<16xi32>], vector<16xf32>,
      %add3A_504 = arith.constant 0 : i32
      %add3A_505 = arith.addi %add3A_504, %mul3A_434 : i32
      %add3A_506 = arith.constant 80 : i32
      %add3A_507 = arith.addi %add3A_505, %add3A_506 : i32
      %swap3A_508 = arith.index_cast %add3A_507 : i32 to index
      %swap3A_509 = tpu.vector_load %arg7[%swap3A_508] {strides = array<i32>} : memref<8192xf32, #tpu.memory_space<vmem>>, vector<16xf32>,
      tpu.vector_store %arg7[%swap3A_508], %gather3A_503 {strides = array<i32>} : memref<8192xf32, #tpu.memory_space<vmem>>, vector<16xf32>,
      %add3A_510 = arith.constant 0 : i32
      %add3A_511 = arith.addi %add3A_510, %mul3A_434 : i32
      %add3A_512 = arith.constant 96 : i32
      %add3A_513 = arith.addi %add3A_511, %add3A_512 : i32
      %get3A_514 = arith.index_cast %add3A_513 : i32 to index
      %get3A_515 = tpu.vector_load %arg5[%get3A_514] {strides = array<i32>} : memref<16384xi32, #tpu.memory_space<vmem>>, vector<16xi32>,
      %gather3A_516 = tpu.vector_load_idx %arg6[%get3A_515] : memref<100000xf32, #tpu.memory_space<vmem>>[vector<16xi32>], vector<16xf32>,
      %add3A_517 = arith.constant 0 : i32
      %add3A_518 = arith.addi %add3A_517, %mul3A_434 : i32
      %add3A_519 = arith.constant 96 : i32
      %add3A_520 = arith.addi %add3A_518, %add3A_519 : i32
      %swap3A_521 = arith.index_cast %add3A_520 : i32 to index
      %swap3A_522 = tpu.vector_load %arg7[%swap3A_521] {strides = array<i32>} : memref<8192xf32, #tpu.memory_space<vmem>>, vector<16xf32>,
      tpu.vector_store %arg7[%swap3A_521], %gather3A_516 {strides = array<i32>} : memref<8192xf32, #tpu.memory_space<vmem>>, vector<16xf32>,
      %add3A_523 = arith.constant 0 : i32
      %add3A_524 = arith.addi %add3A_523, %mul3A_434 : i32
      %add3A_525 = arith.constant 112 : i32
      %add3A_526 = arith.addi %add3A_524, %add3A_525 : i32
      %get3A_527 = arith.index_cast %add3A_526 : i32 to index
      %get3A_528 = tpu.vector_load %arg5[%get3A_527] {strides = array<i32>} : memref<16384xi32, #tpu.memory_space<vmem>>, vector<16xi32>,
      %gather3A_529 = tpu.vector_load_idx %arg6[%get3A_528] : memref<100000xf32, #tpu.memory_space<vmem>>[vector<16xi32>], vector<16xf32>,
      %add3A_530 = arith.constant 0 : i32
      %add3A_531 = arith.addi %add3A_530, %mul3A_434 : i32
      %add3A_532 = arith.constant 112 : i32
      %add3A_533 = arith.addi %add3A_531, %add3A_532 : i32
      %swap3A_534 = arith.index_cast %add3A_533 : i32 to index
      %swap3A_535 = tpu.vector_load %arg7[%swap3A_534] {strides = array<i32>} : memref<8192xf32, #tpu.memory_space<vmem>>, vector<16xf32>,
      tpu.vector_store %arg7[%swap3A_534], %gather3A_529 {strides = array<i32>} : memref<8192xf32, #tpu.memory_space<vmem>>, vector<16xf32>,
    }
    %scan3A_321 = arith.constant 32 : i32
    %dma_start3A_322 = arith.constant 0 : i32
    %dma_start3A_323 = tpu.memref_slice %arg7[%dma_start3A_322] : memref<8192xf32, #tpu.memory_space<vmem>> -> memref<4096xf32, #tpu.memory_space<vmem>>
    %dma_start3A_324 = arith.constant 0 : i32
    %dma_start3A_325 = tpu.memref_slice %arg4[%add3A_305, %dma_start3A_324] : memref<128x16384xf32, #tpu.memory_space<hbm>> -> memref<1x4096xf32, #tpu.memory_space<hbm>>
    %dma_start3A_326 = tpu.memref_squeeze %dma_start3A_325 : memref<1x4096xf32, #tpu.memory_space<hbm>> -> memref<4096xf32, #tpu.memory_space<hbm>>
    %dma_start3A_327 = arith.constant 0 : i32
    %dma_start3A_328 = tpu.memref_slice %arg4[%add3A_305, %dma_start3A_327] : memref<128x16384xf32, #tpu.memory_space<hbm>> -> memref<1x4096xf32, #tpu.memory_space<hbm>>
    %dma_start3A_329 = tpu.memref_squeeze %dma_start3A_328 : memref<1x4096xf32, #tpu.memory_space<hbm>> -> memref<4096xf32, #tpu.memory_space<hbm>>
    %dma_start3A_330 = arith.constant 0 : i32
    %dma_start3A_331 = tpu.memref_slice %arg7[%dma_start3A_330] : memref<8192xf32, #tpu.memory_space<vmem>> -> memref<4096xf32, #tpu.memory_space<vmem>>
    tpu.enqueue_dma source(%dma_start3A_331 : memref<4096xf32, #tpu.memory_space<vmem>>) target(%dma_start3A_329 : memref<4096xf32, #tpu.memory_space<hbm>>) target_semaphore(%arg8 : memref<!tpu.dma_semaphore, #tpu.memory_space<semaphore_mem>>)
    %dma_wait3A_332 = arith.constant 4096 : i32
    %dma_wait3A_333 = tpu.memref_slice %arg7[%dma_wait3A_332] : memref<8192xf32, #tpu.memory_space<vmem>> -> memref<4096xf32, #tpu.memory_space<vmem>>
    %dma_wait3A_334 = arith.constant 12288 : i32
    %dma_wait3A_335 = tpu.memref_slice %arg4[%add3A_197, %dma_wait3A_334] : memref<128x16384xf32, #tpu.memory_space<hbm>> -> memref<1x4096xf32, #tpu.memory_space<hbm>>
    %dma_wait3A_336 = tpu.memref_squeeze %dma_wait3A_335 : memref<1x4096xf32, #tpu.memory_space<hbm>> -> memref<4096xf32, #tpu.memory_space<hbm>>
    %dma_wait3A_337 = arith.constant 12288 : i32
    %dma_wait3A_338 = tpu.memref_slice %arg4[%add3A_197, %dma_wait3A_337] : memref<128x16384xf32, #tpu.memory_space<hbm>> -> memref<1x4096xf32, #tpu.memory_space<hbm>>
    %dma_wait3A_339 = tpu.memref_squeeze %dma_wait3A_338 : memref<1x4096xf32, #tpu.memory_space<hbm>> -> memref<4096xf32, #tpu.memory_space<hbm>>
    %dma_wait3A_340 = arith.constant 4096 : i32
    %dma_wait3A_341 = tpu.memref_slice %arg7[%dma_wait3A_340] : memref<8192xf32, #tpu.memory_space<vmem>> -> memref<4096xf32, #tpu.memory_space<vmem>>
    tpu.wait_dma2 semaphore(%arg8 : memref<!tpu.dma_semaphore, #tpu.memory_space<semaphore_mem>>) src(%dma_wait3A_341 : memref<4096xf32, #tpu.memory_space<vmem>>) dst(%dma_wait3A_339 : memref<4096xf32, #tpu.memory_space<hbm>>)
    %scan3A_342 = arith.constant 0 : i32
    %scan3A_343 = arith.constant 0 : i32
    %scan3A_344 = arith.constant 32 : i32
    %scan3A_345 = arith.addi %scan3A_343, %scan3A_344 : i32
    %scan3A_346 = arith.constant 1 : i32
    scf.for %scan3A_430 = %scan3A_343 to %scan3A_345 step %scan3A_346  : i32 {
      %mul3A_431 = arith.constant 16 : i32
      %mul3A_432 = arith.muli %scan3A_430, %mul3A_431 : i32
      %mul3A_433 = arith.constant 8 : i32
      %mul3A_434 = arith.muli %mul3A_432, %mul3A_433 : i32
      %add3A_435 = arith.constant 4096 : i32
      %add3A_436 = arith.addi %add3A_435, %mul3A_434 : i32
      %add3A_437 = arith.constant 0 : i32
      %add3A_438 = arith.addi %add3A_436, %add3A_437 : i32
      %get3A = arith.index_cast %add3A_438 : i32 to index
      %get3A_439 = tpu.vector_load %arg5[%get3A] {strides = array<i32>} : memref<16384xi32, #tpu.memory_space<vmem>>, vector<16xi32>,
      %gather3A = tpu.vector_load_idx %arg6[%get3A_439] : memref<100000xf32, #tpu.memory_space<vmem>>[vector<16xi32>], vector<16xf32>,
      %add3A_440 = arith.constant 4096 : i32
      %add3A_441 = arith.addi %add3A_440, %mul3A_434 : i32
      %add3A_442 = arith.constant 0 : i32
      %add3A_443 = arith.addi %add3A_441, %add3A_442 : i32
      %swap3A = arith.index_cast %add3A_443 : i32 to index
      %swap3A_444 = tpu.vector_load %arg7[%swap3A] {strides = array<i32>} : memref<8192xf32, #tpu.memory_space<vmem>>, vector<16xf32>,
      tpu.vector_store %arg7[%swap3A], %gather3A {strides = array<i32>} : memref<8192xf32, #tpu.memory_space<vmem>>, vector<16xf32>,
      %add3A_445 = arith.constant 4096 : i32
      %add3A_446 = arith.addi %add3A_445, %mul3A_434 : i32
      %add3A_447 = arith.constant 16 : i32
      %add3A_448 = arith.addi %add3A_446, %add3A_447 : i32
      %get3A_449 = arith.index_cast %add3A_448 : i32 to index
      %get3A_450 = tpu.vector_load %arg5[%get3A_449] {strides = array<i32>} : memref<16384xi32, #tpu.memory_space<vmem>>, vector<16xi32>,
      %gather3A_451 = tpu.vector_load_idx %arg6[%get3A_450] : memref<100000xf32, #tpu.memory_space<vmem>>[vector<16xi32>], vector<16xf32>,
      %add3A_452 = arith.constant 4096 : i32
      %add3A_453 = arith.addi %add3A_452, %mul3A_434 : i32
      %add3A_454 = arith.constant 16 : i32
      %add3A_455 = arith.addi %add3A_453, %add3A_454 : i32
      %swap3A_456 = arith.index_cast %add3A_455 : i32 to index
      %swap3A_457 = tpu.vector_load %arg7[%swap3A_456] {strides = array<i32>} : memref<8192xf32, #tpu.memory_space<vmem>>, vector<16xf32>,
      tpu.vector_store %arg7[%swap3A_456], %gather3A_451 {strides = array<i32>} : memref<8192xf32, #tpu.memory_space<vmem>>, vector<16xf32>,
      %add3A_458 = arith.constant 4096 : i32
      %add3A_459 = arith.addi %add3A_458, %mul3A_434 : i32
      %add3A_460 = arith.constant 32 : i32
      %add3A_461 = arith.addi %add3A_459, %add3A_460 : i32
      %get3A_462 = arith.index_cast %add3A_461 : i32 to index
      %get3A_463 = tpu.vector_load %arg5[%get3A_462] {strides = array<i32>} : memref<16384xi32, #tpu.memory_space<vmem>>, vector<16xi32>,
      %gather3A_464 = tpu.vector_load_idx %arg6[%get3A_463] : memref<100000xf32, #tpu.memory_space<vmem>>[vector<16xi32>], vector<16xf32>,
      %add3A_465 = arith.constant 4096 : i32
      %add3A_466 = arith.addi %add3A_465, %mul3A_434 : i32
      %add3A_467 = arith.constant 32 : i32
      %add3A_468 = arith.addi %add3A_466, %add3A_467 : i32
      %swap3A_469 = arith.index_cast %add3A_468 : i32 to index
      %swap3A_470 = tpu.vector_load %arg7[%swap3A_469] {strides = array<i32>} : memref<8192xf32, #tpu.memory_space<vmem>>, vector<16xf32>,
      tpu.vector_store %arg7[%swap3A_469], %gather3A_464 {strides = array<i32>} : memref<8192xf32, #tpu.memory_space<vmem>>, vector<16xf32>,
      %add3A_471 = arith.constant 4096 : i32
      %add3A_472 = arith.addi %add3A_471, %mul3A_434 : i32
      %add3A_473 = arith.constant 48 : i32
      %add3A_474 = arith.addi %add3A_472, %add3A_473 : i32
      %get3A_475 = arith.index_cast %add3A_474 : i32 to index
      %get3A_476 = tpu.vector_load %arg5[%get3A_475] {strides = array<i32>} : memref<16384xi32, #tpu.memory_space<vmem>>, vector<16xi32>,
      %gather3A_477 = tpu.vector_load_idx %arg6[%get3A_476] : memref<100000xf32, #tpu.memory_space<vmem>>[vector<16xi32>], vector<16xf32>,
      %add3A_478 = arith.constant 4096 : i32
      %add3A_479 = arith.addi %add3A_478, %mul3A_434 : i32
      %add3A_480 = arith.constant 48 : i32
      %add3A_481 = arith.addi %add3A_479, %add3A_480 : i32
      %swap3A_482 = arith.index_cast %add3A_481 : i32 to index
      %swap3A_483 = tpu.vector_load %arg7[%swap3A_482] {strides = array<i32>} : memref<8192xf32, #tpu.memory_space<vmem>>, vector<16xf32>,
      tpu.vector_store %arg7[%swap3A_482], %gather3A_477 {strides = array<i32>} : memref<8192xf32, #tpu.memory_space<vmem>>, vector<16xf32>,
      %add3A_484 = arith.constant 4096 : i32
      %add3A_485 = arith.addi %add3A_484, %mul3A_434 : i32
      %add3A_486 = arith.constant 64 : i32
      %add3A_487 = arith.addi %add3A_485, %add3A_486 : i32
      %get3A_488 = arith.index_cast %add3A_487 : i32 to index
      %get3A_489 = tpu.vector_load %arg5[%get3A_488] {strides = array<i32>} : memref<16384xi32, #tpu.memory_space<vmem>>, vector<16xi32>,
      %gather3A_490 = tpu.vector_load_idx %arg6[%get3A_489] : memref<100000xf32, #tpu.memory_space<vmem>>[vector<16xi32>], vector<16xf32>,
      %add3A_491 = arith.constant 4096 : i32
      %add3A_492 = arith.addi %add3A_491, %mul3A_434 : i32
      %add3A_493 = arith.constant 64 : i32
      %add3A_494 = arith.addi %add3A_492, %add3A_493 : i32
      %swap3A_495 = arith.index_cast %add3A_494 : i32 to index
      %swap3A_496 = tpu.vector_load %arg7[%swap3A_495] {strides = array<i32>} : memref<8192xf32, #tpu.memory_space<vmem>>, vector<16xf32>,
      tpu.vector_store %arg7[%swap3A_495], %gather3A_490 {strides = array<i32>} : memref<8192xf32, #tpu.memory_space<vmem>>, vector<16xf32>,
      %add3A_497 = arith.constant 4096 : i32
      %add3A_498 = arith.addi %add3A_497, %mul3A_434 : i32
      %add3A_499 = arith.constant 80 : i32
      %add3A_500 = arith.addi %add3A_498, %add3A_499 : i32
      %get3A_501 = arith.index_cast %add3A_500 : i32 to index
      %get3A_502 = tpu.vector_load %arg5[%get3A_501] {strides = array<i32>} : memref<16384xi32, #tpu.memory_space<vmem>>, vector<16xi32>,
      %gather3A_503 = tpu.vector_load_idx %arg6[%get3A_502] : memref<100000xf32, #tpu.memory_space<vmem>>[vector<16xi32>], vector<16xf32>,
      %add3A_504 = arith.constant 4096 : i32
      %add3A_505 = arith.addi %add3A_504, %mul3A_434 : i32
      %add3A_506 = arith.constant 80 : i32
      %add3A_507 = arith.addi %add3A_505, %add3A_506 : i32
      %swap3A_508 = arith.index_cast %add3A_507 : i32 to index
      %swap3A_509 = tpu.vector_load %arg7[%swap3A_508] {strides = array<i32>} : memref<8192xf32, #tpu.memory_space<vmem>>, vector<16xf32>,
      tpu.vector_store %arg7[%swap3A_508], %gather3A_503 {strides = array<i32>} : memref<8192xf32, #tpu.memory_space<vmem>>, vector<16xf32>,
      %add3A_510 = arith.constant 4096 : i32
      %add3A_511 = arith.addi %add3A_510, %mul3A_434 : i32
      %add3A_512 = arith.constant 96 : i32
      %add3A_513 = arith.addi %add3A_511, %add3A_512 : i32
      %get3A_514 = arith.index_cast %add3A_513 : i32 to index
      %get3A_515 = tpu.vector_load %arg5[%get3A_514] {strides = array<i32>} : memref<16384xi32, #tpu.memory_space<vmem>>, vector<16xi32>,
      %gather3A_516 = tpu.vector_load_idx %arg6[%get3A_515] : memref<100000xf32, #tpu.memory_space<vmem>>[vector<16xi32>], vector<16xf32>,
      %add3A_517 = arith.constant 4096 : i32
      %add3A_518 = arith.addi %add3A_517, %mul3A_434 : i32
      %add3A_519 = arith.constant 96 : i32
      %add3A_520 = arith.addi %add3A_518, %add3A_519 : i32
      %swap3A_521 = arith.index_cast %add3A_520 : i32 to index
      %swap3A_522 = tpu.vector_load %arg7[%swap3A_521] {strides = array<i32>} : memref<8192xf32, #tpu.memory_space<vmem>>, vector<16xf32>,
      tpu.vector_store %arg7[%swap3A_521], %gather3A_516 {strides = array<i32>} : memref<8192xf32, #tpu.memory_space<vmem>>, vector<16xf32>,
      %add3A_523 = arith.constant 4096 : i32
      %add3A_524 = arith.addi %add3A_523, %mul3A_434 : i32
      %add3A_525 = arith.constant 112 : i32
      %add3A_526 = arith.addi %add3A_524, %add3A_525 : i32
      %get3A_527 = arith.index_cast %add3A_526 : i32 to index
      %get3A_528 = tpu.vector_load %arg5[%get3A_527] {strides = array<i32>} : memref<16384xi32, #tpu.memory_space<vmem>>, vector<16xi32>,
      %gather3A_529 = tpu.vector_load_idx %arg6[%get3A_528] : memref<100000xf32, #tpu.memory_space<vmem>>[vector<16xi32>], vector<16xf32>,
      %add3A_530 = arith.constant 4096 : i32
      %add3A_531 = arith.addi %add3A_530, %mul3A_434 : i32
      %add3A_532 = arith.constant 112 : i32
      %add3A_533 = arith.addi %add3A_531, %add3A_532 : i32
      %swap3A_534 = arith.index_cast %add3A_533 : i32 to index
      %swap3A_535 = tpu.vector_load %arg7[%swap3A_534] {strides = array<i32>} : memref<8192xf32, #tpu.memory_space<vmem>>, vector<16xf32>,
      tpu.vector_store %arg7[%swap3A_534], %gather3A_529 {strides = array<i32>} : memref<8192xf32, #tpu.memory_space<vmem>>, vector<16xf32>,
    }
    %scan3A_347 = arith.constant 32 : i32
    %dma_start3A_348 = arith.constant 4096 : i32
    %dma_start3A_349 = tpu.memref_slice %arg7[%dma_start3A_348] : memref<8192xf32, #tpu.memory_space<vmem>> -> memref<4096xf32, #tpu.memory_space<vmem>>
    %dma_start3A_350 = arith.constant 4096 : i32
    %dma_start3A_351 = tpu.memref_slice %arg4[%add3A_305, %dma_start3A_350] : memref<128x16384xf32, #tpu.memory_space<hbm>> -> memref<1x4096xf32, #tpu.memory_space<hbm>>
    %dma_start3A_352 = tpu.memref_squeeze %dma_start3A_351 : memref<1x4096xf32, #tpu.memory_space<hbm>> -> memref<4096xf32, #tpu.memory_space<hbm>>
    %dma_start3A_353 = arith.constant 4096 : i32
    %dma_start3A_354 = tpu.memref_slice %arg4[%add3A_305, %dma_start3A_353] : memref<128x16384xf32, #tpu.memory_space<hbm>> -> memref<1x4096xf32, #tpu.memory_space<hbm>>
    %dma_start3A_355 = tpu.memref_squeeze %dma_start3A_354 : memref<1x4096xf32, #tpu.memory_space<hbm>> -> memref<4096xf32, #tpu.memory_space<hbm>>
    %dma_start3A_356 = arith.constant 4096 : i32
    %dma_start3A_357 = tpu.memref_slice %arg7[%dma_start3A_356] : memref<8192xf32, #tpu.memory_space<vmem>> -> memref<4096xf32, #tpu.memory_space<vmem>>
    tpu.enqueue_dma source(%dma_start3A_357 : memref<4096xf32, #tpu.memory_space<vmem>>) target(%dma_start3A_355 : memref<4096xf32, #tpu.memory_space<hbm>>) target_semaphore(%arg8 : memref<!tpu.dma_semaphore, #tpu.memory_space<semaphore_mem>>)
    %dma_wait3A_358 = arith.constant 0 : i32
    %dma_wait3A_359 = tpu.memref_slice %arg7[%dma_wait3A_358] : memref<8192xf32, #tpu.memory_space<vmem>> -> memref<4096xf32, #tpu.memory_space<vmem>>
    %dma_wait3A_360 = arith.constant 0 : i32
    %dma_wait3A_361 = tpu.memref_slice %arg4[%add3A_305, %dma_wait3A_360] : memref<128x16384xf32, #tpu.memory_space<hbm>> -> memref<1x4096xf32, #tpu.memory_space<hbm>>
    %dma_wait3A_362 = tpu.memref_squeeze %dma_wait3A_361 : memref<1x4096xf32, #tpu.memory_space<hbm>> -> memref<4096xf32, #tpu.memory_space<hbm>>
    %dma_wait3A_363 = arith.constant 0 : i32
    %dma_wait3A_364 = tpu.memref_slice %arg4[%add3A_305, %dma_wait3A_363] : memref<128x16384xf32, #tpu.memory_space<hbm>> -> memref<1x4096xf32, #tpu.memory_space<hbm>>
    %dma_wait3A_365 = tpu.memref_squeeze %dma_wait3A_364 : memref<1x4096xf32, #tpu.memory_space<hbm>> -> memref<4096xf32, #tpu.memory_space<hbm>>
    %dma_wait3A_366 = arith.constant 0 : i32
    %dma_wait3A_367 = tpu.memref_slice %arg7[%dma_wait3A_366] : memref<8192xf32, #tpu.memory_space<vmem>> -> memref<4096xf32, #tpu.memory_space<vmem>>
    tpu.wait_dma2 semaphore(%arg8 : memref<!tpu.dma_semaphore, #tpu.memory_space<semaphore_mem>>) src(%dma_wait3A_367 : memref<4096xf32, #tpu.memory_space<vmem>>) dst(%dma_wait3A_365 : memref<4096xf32, #tpu.memory_space<hbm>>)
    %scan3A_368 = arith.constant 0 : i32
    %scan3A_369 = arith.constant 0 : i32
    %scan3A_370 = arith.constant 32 : i32
    %scan3A_371 = arith.addi %scan3A_369, %scan3A_370 : i32
    %scan3A_372 = arith.constant 1 : i32
    scf.for %scan3A_430 = %scan3A_369 to %scan3A_371 step %scan3A_372  : i32 {
      %mul3A_431 = arith.constant 16 : i32
      %mul3A_432 = arith.muli %scan3A_430, %mul3A_431 : i32
      %mul3A_433 = arith.constant 8 : i32
      %mul3A_434 = arith.muli %mul3A_432, %mul3A_433 : i32
      %add3A_435 = arith.constant 8192 : i32
      %add3A_436 = arith.addi %add3A_435, %mul3A_434 : i32
      %add3A_437 = arith.constant 0 : i32
      %add3A_438 = arith.addi %add3A_436, %add3A_437 : i32
      %get3A = arith.index_cast %add3A_438 : i32 to index
      %get3A_439 = tpu.vector_load %arg5[%get3A] {strides = array<i32>} : memref<16384xi32, #tpu.memory_space<vmem>>, vector<16xi32>,
      %gather3A = tpu.vector_load_idx %arg6[%get3A_439] : memref<100000xf32, #tpu.memory_space<vmem>>[vector<16xi32>], vector<16xf32>,
      %add3A_440 = arith.constant 0 : i32
      %add3A_441 = arith.addi %add3A_440, %mul3A_434 : i32
      %add3A_442 = arith.constant 0 : i32
      %add3A_443 = arith.addi %add3A_441, %add3A_442 : i32
      %swap3A = arith.index_cast %add3A_443 : i32 to index
      %swap3A_444 = tpu.vector_load %arg7[%swap3A] {strides = array<i32>} : memref<8192xf32, #tpu.memory_space<vmem>>, vector<16xf32>,
      tpu.vector_store %arg7[%swap3A], %gather3A {strides = array<i32>} : memref<8192xf32, #tpu.memory_space<vmem>>, vector<16xf32>,
      %add3A_445 = arith.constant 8192 : i32
      %add3A_446 = arith.addi %add3A_445, %mul3A_434 : i32
      %add3A_447 = arith.constant 16 : i32
      %add3A_448 = arith.addi %add3A_446, %add3A_447 : i32
      %get3A_449 = arith.index_cast %add3A_448 : i32 to index
      %get3A_450 = tpu.vector_load %arg5[%get3A_449] {strides = array<i32>} : memref<16384xi32, #tpu.memory_space<vmem>>, vector<16xi32>,
      %gather3A_451 = tpu.vector_load_idx %arg6[%get3A_450] : memref<100000xf32, #tpu.memory_space<vmem>>[vector<16xi32>], vector<16xf32>,
      %add3A_452 = arith.constant 0 : i32
      %add3A_453 = arith.addi %add3A_452, %mul3A_434 : i32
      %add3A_454 = arith.constant 16 : i32
      %add3A_455 = arith.addi %add3A_453, %add3A_454 : i32
      %swap3A_456 = arith.index_cast %add3A_455 : i32 to index
      %swap3A_457 = tpu.vector_load %arg7[%swap3A_456] {strides = array<i32>} : memref<8192xf32, #tpu.memory_space<vmem>>, vector<16xf32>,
      tpu.vector_store %arg7[%swap3A_456], %gather3A_451 {strides = array<i32>} : memref<8192xf32, #tpu.memory_space<vmem>>, vector<16xf32>,
      %add3A_458 = arith.constant 8192 : i32
      %add3A_459 = arith.addi %add3A_458, %mul3A_434 : i32
      %add3A_460 = arith.constant 32 : i32
      %add3A_461 = arith.addi %add3A_459, %add3A_460 : i32
      %get3A_462 = arith.index_cast %add3A_461 : i32 to index
      %get3A_463 = tpu.vector_load %arg5[%get3A_462] {strides = array<i32>} : memref<16384xi32, #tpu.memory_space<vmem>>, vector<16xi32>,
      %gather3A_464 = tpu.vector_load_idx %arg6[%get3A_463] : memref<100000xf32, #tpu.memory_space<vmem>>[vector<16xi32>], vector<16xf32>,
      %add3A_465 = arith.constant 0 : i32
      %add3A_466 = arith.addi %add3A_465, %mul3A_434 : i32
      %add3A_467 = arith.constant 32 : i32
      %add3A_468 = arith.addi %add3A_466, %add3A_467 : i32
      %swap3A_469 = arith.index_cast %add3A_468 : i32 to index
      %swap3A_470 = tpu.vector_load %arg7[%swap3A_469] {strides = array<i32>} : memref<8192xf32, #tpu.memory_space<vmem>>, vector<16xf32>,
      tpu.vector_store %arg7[%swap3A_469], %gather3A_464 {strides = array<i32>} : memref<8192xf32, #tpu.memory_space<vmem>>, vector<16xf32>,
      %add3A_471 = arith.constant 8192 : i32
      %add3A_472 = arith.addi %add3A_471, %mul3A_434 : i32
      %add3A_473 = arith.constant 48 : i32
      %add3A_474 = arith.addi %add3A_472, %add3A_473 : i32
      %get3A_475 = arith.index_cast %add3A_474 : i32 to index
      %get3A_476 = tpu.vector_load %arg5[%get3A_475] {strides = array<i32>} : memref<16384xi32, #tpu.memory_space<vmem>>, vector<16xi32>,
      %gather3A_477 = tpu.vector_load_idx %arg6[%get3A_476] : memref<100000xf32, #tpu.memory_space<vmem>>[vector<16xi32>], vector<16xf32>,
      %add3A_478 = arith.constant 0 : i32
      %add3A_479 = arith.addi %add3A_478, %mul3A_434 : i32
      %add3A_480 = arith.constant 48 : i32
      %add3A_481 = arith.addi %add3A_479, %add3A_480 : i32
      %swap3A_482 = arith.index_cast %add3A_481 : i32 to index
      %swap3A_483 = tpu.vector_load %arg7[%swap3A_482] {strides = array<i32>} : memref<8192xf32, #tpu.memory_space<vmem>>, vector<16xf32>,
      tpu.vector_store %arg7[%swap3A_482], %gather3A_477 {strides = array<i32>} : memref<8192xf32, #tpu.memory_space<vmem>>, vector<16xf32>,
      %add3A_484 = arith.constant 8192 : i32
      %add3A_485 = arith.addi %add3A_484, %mul3A_434 : i32
      %add3A_486 = arith.constant 64 : i32
      %add3A_487 = arith.addi %add3A_485, %add3A_486 : i32
      %get3A_488 = arith.index_cast %add3A_487 : i32 to index
      %get3A_489 = tpu.vector_load %arg5[%get3A_488] {strides = array<i32>} : memref<16384xi32, #tpu.memory_space<vmem>>, vector<16xi32>,
      %gather3A_490 = tpu.vector_load_idx %arg6[%get3A_489] : memref<100000xf32, #tpu.memory_space<vmem>>[vector<16xi32>], vector<16xf32>,
      %add3A_491 = arith.constant 0 : i32
      %add3A_492 = arith.addi %add3A_491, %mul3A_434 : i32
      %add3A_493 = arith.constant 64 : i32
      %add3A_494 = arith.addi %add3A_492, %add3A_493 : i32
      %swap3A_495 = arith.index_cast %add3A_494 : i32 to index
      %swap3A_496 = tpu.vector_load %arg7[%swap3A_495] {strides = array<i32>} : memref<8192xf32, #tpu.memory_space<vmem>>, vector<16xf32>,
      tpu.vector_store %arg7[%swap3A_495], %gather3A_490 {strides = array<i32>} : memref<8192xf32, #tpu.memory_space<vmem>>, vector<16xf32>,
      %add3A_497 = arith.constant 8192 : i32
      %add3A_498 = arith.addi %add3A_497, %mul3A_434 : i32
      %add3A_499 = arith.constant 80 : i32
      %add3A_500 = arith.addi %add3A_498, %add3A_499 : i32
      %get3A_501 = arith.index_cast %add3A_500 : i32 to index
      %get3A_502 = tpu.vector_load %arg5[%get3A_501] {strides = array<i32>} : memref<16384xi32, #tpu.memory_space<vmem>>, vector<16xi32>,
      %gather3A_503 = tpu.vector_load_idx %arg6[%get3A_502] : memref<100000xf32, #tpu.memory_space<vmem>>[vector<16xi32>], vector<16xf32>,
      %add3A_504 = arith.constant 0 : i32
      %add3A_505 = arith.addi %add3A_504, %mul3A_434 : i32
      %add3A_506 = arith.constant 80 : i32
      %add3A_507 = arith.addi %add3A_505, %add3A_506 : i32
      %swap3A_508 = arith.index_cast %add3A_507 : i32 to index
      %swap3A_509 = tpu.vector_load %arg7[%swap3A_508] {strides = array<i32>} : memref<8192xf32, #tpu.memory_space<vmem>>, vector<16xf32>,
      tpu.vector_store %arg7[%swap3A_508], %gather3A_503 {strides = array<i32>} : memref<8192xf32, #tpu.memory_space<vmem>>, vector<16xf32>,
      %add3A_510 = arith.constant 8192 : i32
      %add3A_511 = arith.addi %add3A_510, %mul3A_434 : i32
      %add3A_512 = arith.constant 96 : i32
      %add3A_513 = arith.addi %add3A_511, %add3A_512 : i32
      %get3A_514 = arith.index_cast %add3A_513 : i32 to index
      %get3A_515 = tpu.vector_load %arg5[%get3A_514] {strides = array<i32>} : memref<16384xi32, #tpu.memory_space<vmem>>, vector<16xi32>,
      %gather3A_516 = tpu.vector_load_idx %arg6[%get3A_515] : memref<100000xf32, #tpu.memory_space<vmem>>[vector<16xi32>], vector<16xf32>,
      %add3A_517 = arith.constant 0 : i32
      %add3A_518 = arith.addi %add3A_517, %mul3A_434 : i32
      %add3A_519 = arith.constant 96 : i32
      %add3A_520 = arith.addi %add3A_518, %add3A_519 : i32
      %swap3A_521 = arith.index_cast %add3A_520 : i32 to index
      %swap3A_522 = tpu.vector_load %arg7[%swap3A_521] {strides = array<i32>} : memref<8192xf32, #tpu.memory_space<vmem>>, vector<16xf32>,
      tpu.vector_store %arg7[%swap3A_521], %gather3A_516 {strides = array<i32>} : memref<8192xf32, #tpu.memory_space<vmem>>, vector<16xf32>,
      %add3A_523 = arith.constant 8192 : i32
      %add3A_524 = arith.addi %add3A_523, %mul3A_434 : i32
      %add3A_525 = arith.constant 112 : i32
      %add3A_526 = arith.addi %add3A_524, %add3A_525 : i32
      %get3A_527 = arith.index_cast %add3A_526 : i32 to index
      %get3A_528 = tpu.vector_load %arg5[%get3A_527] {strides = array<i32>} : memref<16384xi32, #tpu.memory_space<vmem>>, vector<16xi32>,
      %gather3A_529 = tpu.vector_load_idx %arg6[%get3A_528] : memref<100000xf32, #tpu.memory_space<vmem>>[vector<16xi32>], vector<16xf32>,
      %add3A_530 = arith.constant 0 : i32
      %add3A_531 = arith.addi %add3A_530, %mul3A_434 : i32
      %add3A_532 = arith.constant 112 : i32
      %add3A_533 = arith.addi %add3A_531, %add3A_532 : i32
      %swap3A_534 = arith.index_cast %add3A_533 : i32 to index
      %swap3A_535 = tpu.vector_load %arg7[%swap3A_534] {strides = array<i32>} : memref<8192xf32, #tpu.memory_space<vmem>>, vector<16xf32>,
      tpu.vector_store %arg7[%swap3A_534], %gather3A_529 {strides = array<i32>} : memref<8192xf32, #tpu.memory_space<vmem>>, vector<16xf32>,
    }
    %scan3A_373 = arith.constant 32 : i32
    %dma_start3A_374 = arith.constant 0 : i32
    %dma_start3A_375 = tpu.memref_slice %arg7[%dma_start3A_374] : memref<8192xf32, #tpu.memory_space<vmem>> -> memref<4096xf32, #tpu.memory_space<vmem>>
    %dma_start3A_376 = arith.constant 8192 : i32
    %dma_start3A_377 = tpu.memref_slice %arg4[%add3A_305, %dma_start3A_376] : memref<128x16384xf32, #tpu.memory_space<hbm>> -> memref<1x4096xf32, #tpu.memory_space<hbm>>
    %dma_start3A_378 = tpu.memref_squeeze %dma_start3A_377 : memref<1x4096xf32, #tpu.memory_space<hbm>> -> memref<4096xf32, #tpu.memory_space<hbm>>
    %dma_start3A_379 = arith.constant 8192 : i32
    %dma_start3A_380 = tpu.memref_slice %arg4[%add3A_305, %dma_start3A_379] : memref<128x16384xf32, #tpu.memory_space<hbm>> -> memref<1x4096xf32, #tpu.memory_space<hbm>>
    %dma_start3A_381 = tpu.memref_squeeze %dma_start3A_380 : memref<1x4096xf32, #tpu.memory_space<hbm>> -> memref<4096xf32, #tpu.memory_space<hbm>>
    %dma_start3A_382 = arith.constant 0 : i32
    %dma_start3A_383 = tpu.memref_slice %arg7[%dma_start3A_382] : memref<8192xf32, #tpu.memory_space<vmem>> -> memref<4096xf32, #tpu.memory_space<vmem>>
    tpu.enqueue_dma source(%dma_start3A_383 : memref<4096xf32, #tpu.memory_space<vmem>>) target(%dma_start3A_381 : memref<4096xf32, #tpu.memory_space<hbm>>) target_semaphore(%arg8 : memref<!tpu.dma_semaphore, #tpu.memory_space<semaphore_mem>>)
    %dma_wait3A_384 = arith.constant 4096 : i32
    %dma_wait3A_385 = tpu.memref_slice %arg7[%dma_wait3A_384] : memref<8192xf32, #tpu.memory_space<vmem>> -> memref<4096xf32, #tpu.memory_space<vmem>>
    %dma_wait3A_386 = arith.constant 4096 : i32
    %dma_wait3A_387 = tpu.memref_slice %arg4[%add3A_305, %dma_wait3A_386] : memref<128x16384xf32, #tpu.memory_space<hbm>> -> memref<1x4096xf32, #tpu.memory_space<hbm>>
    %dma_wait3A_388 = tpu.memref_squeeze %dma_wait3A_387 : memref<1x4096xf32, #tpu.memory_space<hbm>> -> memref<4096xf32, #tpu.memory_space<hbm>>
    %dma_wait3A_389 = arith.constant 4096 : i32
    %dma_wait3A_390 = tpu.memref_slice %arg4[%add3A_305, %dma_wait3A_389] : memref<128x16384xf32, #tpu.memory_space<hbm>> -> memref<1x4096xf32, #tpu.memory_space<hbm>>
    %dma_wait3A_391 = tpu.memref_squeeze %dma_wait3A_390 : memref<1x4096xf32, #tpu.memory_space<hbm>> -> memref<4096xf32, #tpu.memory_space<hbm>>
    %dma_wait3A_392 = arith.constant 4096 : i32
    %dma_wait3A_393 = tpu.memref_slice %arg7[%dma_wait3A_392] : memref<8192xf32, #tpu.memory_space<vmem>> -> memref<4096xf32, #tpu.memory_space<vmem>>
    tpu.wait_dma2 semaphore(%arg8 : memref<!tpu.dma_semaphore, #tpu.memory_space<semaphore_mem>>) src(%dma_wait3A_393 : memref<4096xf32, #tpu.memory_space<vmem>>) dst(%dma_wait3A_391 : memref<4096xf32, #tpu.memory_space<hbm>>)
    %scan3A_394 = arith.constant 0 : i32
    %scan3A_395 = arith.constant 0 : i32
    %scan3A_396 = arith.constant 32 : i32
    %scan3A_397 = arith.addi %scan3A_395, %scan3A_396 : i32
    %scan3A_398 = arith.constant 1 : i32
    scf.for %scan3A_430 = %scan3A_395 to %scan3A_397 step %scan3A_398  : i32 {
      %mul3A_431 = arith.constant 16 : i32
      %mul3A_432 = arith.muli %scan3A_430, %mul3A_431 : i32
      %mul3A_433 = arith.constant 8 : i32
      %mul3A_434 = arith.muli %mul3A_432, %mul3A_433 : i32
      %add3A_435 = arith.constant 12288 : i32
      %add3A_436 = arith.addi %add3A_435, %mul3A_434 : i32
      %add3A_437 = arith.constant 0 : i32
      %add3A_438 = arith.addi %add3A_436, %add3A_437 : i32
      %get3A = arith.index_cast %add3A_438 : i32 to index
      %get3A_439 = tpu.vector_load %arg5[%get3A] {strides = array<i32>} : memref<16384xi32, #tpu.memory_space<vmem>>, vector<16xi32>,
      %gather3A = tpu.vector_load_idx %arg6[%get3A_439] : memref<100000xf32, #tpu.memory_space<vmem>>[vector<16xi32>], vector<16xf32>,
      %add3A_440 = arith.constant 4096 : i32
      %add3A_441 = arith.addi %add3A_440, %mul3A_434 : i32
      %add3A_442 = arith.constant 0 : i32
      %add3A_443 = arith.addi %add3A_441, %add3A_442 : i32
      %swap3A = arith.index_cast %add3A_443 : i32 to index
      %swap3A_444 = tpu.vector_load %arg7[%swap3A] {strides = array<i32>} : memref<8192xf32, #tpu.memory_space<vmem>>, vector<16xf32>,
      tpu.vector_store %arg7[%swap3A], %gather3A {strides = array<i32>} : memref<8192xf32, #tpu.memory_space<vmem>>, vector<16xf32>,
      %add3A_445 = arith.constant 12288 : i32
      %add3A_446 = arith.addi %add3A_445, %mul3A_434 : i32
      %add3A_447 = arith.constant 16 : i32
      %add3A_448 = arith.addi %add3A_446, %add3A_447 : i32
      %get3A_449 = arith.index_cast %add3A_448 : i32 to index
      %get3A_450 = tpu.vector_load %arg5[%get3A_449] {strides = array<i32>} : memref<16384xi32, #tpu.memory_space<vmem>>, vector<16xi32>,
      %gather3A_451 = tpu.vector_load_idx %arg6[%get3A_450] : memref<100000xf32, #tpu.memory_space<vmem>>[vector<16xi32>], vector<16xf32>,
      %add3A_452 = arith.constant 4096 : i32
      %add3A_453 = arith.addi %add3A_452, %mul3A_434 : i32
      %add3A_454 = arith.constant 16 : i32
      %add3A_455 = arith.addi %add3A_453, %add3A_454 : i32
      %swap3A_456 = arith.index_cast %add3A_455 : i32 to index
      %swap3A_457 = tpu.vector_load %arg7[%swap3A_456] {strides = array<i32>} : memref<8192xf32, #tpu.memory_space<vmem>>, vector<16xf32>,
      tpu.vector_store %arg7[%swap3A_456], %gather3A_451 {strides = array<i32>} : memref<8192xf32, #tpu.memory_space<vmem>>, vector<16xf32>,
      %add3A_458 = arith.constant 12288 : i32
      %add3A_459 = arith.addi %add3A_458, %mul3A_434 : i32
      %add3A_460 = arith.constant 32 : i32
      %add3A_461 = arith.addi %add3A_459, %add3A_460 : i32
      %get3A_462 = arith.index_cast %add3A_461 : i32 to index
      %get3A_463 = tpu.vector_load %arg5[%get3A_462] {strides = array<i32>} : memref<16384xi32, #tpu.memory_space<vmem>>, vector<16xi32>,
      %gather3A_464 = tpu.vector_load_idx %arg6[%get3A_463] : memref<100000xf32, #tpu.memory_space<vmem>>[vector<16xi32>], vector<16xf32>,
      %add3A_465 = arith.constant 4096 : i32
      %add3A_466 = arith.addi %add3A_465, %mul3A_434 : i32
      %add3A_467 = arith.constant 32 : i32
      %add3A_468 = arith.addi %add3A_466, %add3A_467 : i32
      %swap3A_469 = arith.index_cast %add3A_468 : i32 to index
      %swap3A_470 = tpu.vector_load %arg7[%swap3A_469] {strides = array<i32>} : memref<8192xf32, #tpu.memory_space<vmem>>, vector<16xf32>,
      tpu.vector_store %arg7[%swap3A_469], %gather3A_464 {strides = array<i32>} : memref<8192xf32, #tpu.memory_space<vmem>>, vector<16xf32>,
      %add3A_471 = arith.constant 12288 : i32
      %add3A_472 = arith.addi %add3A_471, %mul3A_434 : i32
      %add3A_473 = arith.constant 48 : i32
      %add3A_474 = arith.addi %add3A_472, %add3A_473 : i32
      %get3A_475 = arith.index_cast %add3A_474 : i32 to index
      %get3A_476 = tpu.vector_load %arg5[%get3A_475] {strides = array<i32>} : memref<16384xi32, #tpu.memory_space<vmem>>, vector<16xi32>,
      %gather3A_477 = tpu.vector_load_idx %arg6[%get3A_476] : memref<100000xf32, #tpu.memory_space<vmem>>[vector<16xi32>], vector<16xf32>,
      %add3A_478 = arith.constant 4096 : i32
      %add3A_479 = arith.addi %add3A_478, %mul3A_434 : i32
      %add3A_480 = arith.constant 48 : i32
      %add3A_481 = arith.addi %add3A_479, %add3A_480 : i32
      %swap3A_482 = arith.index_cast %add3A_481 : i32 to index
      %swap3A_483 = tpu.vector_load %arg7[%swap3A_482] {strides = array<i32>} : memref<8192xf32, #tpu.memory_space<vmem>>, vector<16xf32>,
      tpu.vector_store %arg7[%swap3A_482], %gather3A_477 {strides = array<i32>} : memref<8192xf32, #tpu.memory_space<vmem>>, vector<16xf32>,
      %add3A_484 = arith.constant 12288 : i32
      %add3A_485 = arith.addi %add3A_484, %mul3A_434 : i32
      %add3A_486 = arith.constant 64 : i32
      %add3A_487 = arith.addi %add3A_485, %add3A_486 : i32
      %get3A_488 = arith.index_cast %add3A_487 : i32 to index
      %get3A_489 = tpu.vector_load %arg5[%get3A_488] {strides = array<i32>} : memref<16384xi32, #tpu.memory_space<vmem>>, vector<16xi32>,
      %gather3A_490 = tpu.vector_load_idx %arg6[%get3A_489] : memref<100000xf32, #tpu.memory_space<vmem>>[vector<16xi32>], vector<16xf32>,
      %add3A_491 = arith.constant 4096 : i32
      %add3A_492 = arith.addi %add3A_491, %mul3A_434 : i32
      %add3A_493 = arith.constant 64 : i32
      %add3A_494 = arith.addi %add3A_492, %add3A_493 : i32
      %swap3A_495 = arith.index_cast %add3A_494 : i32 to index
      %swap3A_496 = tpu.vector_load %arg7[%swap3A_495] {strides = array<i32>} : memref<8192xf32, #tpu.memory_space<vmem>>, vector<16xf32>,
      tpu.vector_store %arg7[%swap3A_495], %gather3A_490 {strides = array<i32>} : memref<8192xf32, #tpu.memory_space<vmem>>, vector<16xf32>,
      %add3A_497 = arith.constant 12288 : i32
      %add3A_498 = arith.addi %add3A_497, %mul3A_434 : i32
      %add3A_499 = arith.constant 80 : i32
      %add3A_500 = arith.addi %add3A_498, %add3A_499 : i32
      %get3A_501 = arith.index_cast %add3A_500 : i32 to index
      %get3A_502 = tpu.vector_load %arg5[%get3A_501] {strides = array<i32>} : memref<16384xi32, #tpu.memory_space<vmem>>, vector<16xi32>,
      %gather3A_503 = tpu.vector_load_idx %arg6[%get3A_502] : memref<100000xf32, #tpu.memory_space<vmem>>[vector<16xi32>], vector<16xf32>,
      %add3A_504 = arith.constant 4096 : i32
      %add3A_505 = arith.addi %add3A_504, %mul3A_434 : i32
      %add3A_506 = arith.constant 80 : i32
      %add3A_507 = arith.addi %add3A_505, %add3A_506 : i32
      %swap3A_508 = arith.index_cast %add3A_507 : i32 to index
      %swap3A_509 = tpu.vector_load %arg7[%swap3A_508] {strides = array<i32>} : memref<8192xf32, #tpu.memory_space<vmem>>, vector<16xf32>,
      tpu.vector_store %arg7[%swap3A_508], %gather3A_503 {strides = array<i32>} : memref<8192xf32, #tpu.memory_space<vmem>>, vector<16xf32>,
      %add3A_510 = arith.constant 12288 : i32
      %add3A_511 = arith.addi %add3A_510, %mul3A_434 : i32
      %add3A_512 = arith.constant 96 : i32
      %add3A_513 = arith.addi %add3A_511, %add3A_512 : i32
      %get3A_514 = arith.index_cast %add3A_513 : i32 to index
      %get3A_515 = tpu.vector_load %arg5[%get3A_514] {strides = array<i32>} : memref<16384xi32, #tpu.memory_space<vmem>>, vector<16xi32>,
      %gather3A_516 = tpu.vector_load_idx %arg6[%get3A_515] : memref<100000xf32, #tpu.memory_space<vmem>>[vector<16xi32>], vector<16xf32>,
      %add3A_517 = arith.constant 4096 : i32
      %add3A_518 = arith.addi %add3A_517, %mul3A_434 : i32
      %add3A_519 = arith.constant 96 : i32
      %add3A_520 = arith.addi %add3A_518, %add3A_519 : i32
      %swap3A_521 = arith.index_cast %add3A_520 : i32 to index
      %swap3A_522 = tpu.vector_load %arg7[%swap3A_521] {strides = array<i32>} : memref<8192xf32, #tpu.memory_space<vmem>>, vector<16xf32>,
      tpu.vector_store %arg7[%swap3A_521], %gather3A_516 {strides = array<i32>} : memref<8192xf32, #tpu.memory_space<vmem>>, vector<16xf32>,
      %add3A_523 = arith.constant 12288 : i32
      %add3A_524 = arith.addi %add3A_523, %mul3A_434 : i32
      %add3A_525 = arith.constant 112 : i32
      %add3A_526 = arith.addi %add3A_524, %add3A_525 : i32
      %get3A_527 = arith.index_cast %add3A_526 : i32 to index
      %get3A_528 = tpu.vector_load %arg5[%get3A_527] {strides = array<i32>} : memref<16384xi32, #tpu.memory_space<vmem>>, vector<16xi32>,
      %gather3A_529 = tpu.vector_load_idx %arg6[%get3A_528] : memref<100000xf32, #tpu.memory_space<vmem>>[vector<16xi32>], vector<16xf32>,
      %add3A_530 = arith.constant 4096 : i32
      %add3A_531 = arith.addi %add3A_530, %mul3A_434 : i32
      %add3A_532 = arith.constant 112 : i32
      %add3A_533 = arith.addi %add3A_531, %add3A_532 : i32
      %swap3A_534 = arith.index_cast %add3A_533 : i32 to index
      %swap3A_535 = tpu.vector_load %arg7[%swap3A_534] {strides = array<i32>} : memref<8192xf32, #tpu.memory_space<vmem>>, vector<16xf32>,
      tpu.vector_store %arg7[%swap3A_534], %gather3A_529 {strides = array<i32>} : memref<8192xf32, #tpu.memory_space<vmem>>, vector<16xf32>,
    }
    %scan3A_399 = arith.constant 32 : i32
    %dma_start3A_400 = arith.constant 4096 : i32
    %dma_start3A_401 = tpu.memref_slice %arg7[%dma_start3A_400] : memref<8192xf32, #tpu.memory_space<vmem>> -> memref<4096xf32, #tpu.memory_space<vmem>>
    %dma_start3A_402 = arith.constant 12288 : i32
    %dma_start3A_403 = tpu.memref_slice %arg4[%add3A_305, %dma_start3A_402] : memref<128x16384xf32, #tpu.memory_space<hbm>> -> memref<1x4096xf32, #tpu.memory_space<hbm>>
    %dma_start3A_404 = tpu.memref_squeeze %dma_start3A_403 : memref<1x4096xf32, #tpu.memory_space<hbm>> -> memref<4096xf32, #tpu.memory_space<hbm>>
    %dma_start3A_405 = arith.constant 12288 : i32
    %dma_start3A_406 = tpu.memref_slice %arg4[%add3A_305, %dma_start3A_405] : memref<128x16384xf32, #tpu.memory_space<hbm>> -> memref<1x4096xf32, #tpu.memory_space<hbm>>
    %dma_start3A_407 = tpu.memref_squeeze %dma_start3A_406 : memref<1x4096xf32, #tpu.memory_space<hbm>> -> memref<4096xf32, #tpu.memory_space<hbm>>
    %dma_start3A_408 = arith.constant 4096 : i32
    %dma_start3A_409 = tpu.memref_slice %arg7[%dma_start3A_408] : memref<8192xf32, #tpu.memory_space<vmem>> -> memref<4096xf32, #tpu.memory_space<vmem>>
    tpu.enqueue_dma source(%dma_start3A_409 : memref<4096xf32, #tpu.memory_space<vmem>>) target(%dma_start3A_407 : memref<4096xf32, #tpu.memory_space<hbm>>) target_semaphore(%arg8 : memref<!tpu.dma_semaphore, #tpu.memory_space<semaphore_mem>>)
    %dma_wait3A_410 = arith.constant 0 : i32
    %dma_wait3A_411 = tpu.memref_slice %arg7[%dma_wait3A_410] : memref<8192xf32, #tpu.memory_space<vmem>> -> memref<4096xf32, #tpu.memory_space<vmem>>
    %dma_wait3A_412 = arith.constant 8192 : i32
    %dma_wait3A_413 = tpu.memref_slice %arg4[%add3A_305, %dma_wait3A_412] : memref<128x16384xf32, #tpu.memory_space<hbm>> -> memref<1x4096xf32, #tpu.memory_space<hbm>>
    %dma_wait3A_414 = tpu.memref_squeeze %dma_wait3A_413 : memref<1x4096xf32, #tpu.memory_space<hbm>> -> memref<4096xf32, #tpu.memory_space<hbm>>
    %dma_wait3A_415 = arith.constant 8192 : i32
    %dma_wait3A_416 = tpu.memref_slice %arg4[%add3A_305, %dma_wait3A_415] : memref<128x16384xf32, #tpu.memory_space<hbm>> -> memref<1x4096xf32, #tpu.memory_space<hbm>>
    %dma_wait3A_417 = tpu.memref_squeeze %dma_wait3A_416 : memref<1x4096xf32, #tpu.memory_space<hbm>> -> memref<4096xf32, #tpu.memory_space<hbm>>
    %dma_wait3A_418 = arith.constant 0 : i32
    %dma_wait3A_419 = tpu.memref_slice %arg7[%dma_wait3A_418] : memref<8192xf32, #tpu.memory_space<vmem>> -> memref<4096xf32, #tpu.memory_space<vmem>>
    tpu.wait_dma2 semaphore(%arg8 : memref<!tpu.dma_semaphore, #tpu.memory_space<semaphore_mem>>) src(%dma_wait3A_419 : memref<4096xf32, #tpu.memory_space<vmem>>) dst(%dma_wait3A_417 : memref<4096xf32, #tpu.memory_space<hbm>>)
    %dma_wait3A_420 = arith.constant 4096 : i32
    %dma_wait3A_421 = tpu.memref_slice %arg7[%dma_wait3A_420] : memref<8192xf32, #tpu.memory_space<vmem>> -> memref<4096xf32, #tpu.memory_space<vmem>>
    %dma_wait3A_422 = arith.constant 12288 : i32
    %dma_wait3A_423 = tpu.memref_slice %arg4[%add3A_305, %dma_wait3A_422] : memref<128x16384xf32, #tpu.memory_space<hbm>> -> memref<1x4096xf32, #tpu.memory_space<hbm>>
    %dma_wait3A_424 = tpu.memref_squeeze %dma_wait3A_423 : memref<1x4096xf32, #tpu.memory_space<hbm>> -> memref<4096xf32, #tpu.memory_space<hbm>>
    %dma_wait3A_425 = arith.constant 12288 : i32
    %dma_wait3A_426 = tpu.memref_slice %arg4[%add3A_305, %dma_wait3A_425] : memref<128x16384xf32, #tpu.memory_space<hbm>> -> memref<1x4096xf32, #tpu.memory_space<hbm>>
    %dma_wait3A_427 = tpu.memref_squeeze %dma_wait3A_426 : memref<1x4096xf32, #tpu.memory_space<hbm>> -> memref<4096xf32, #tpu.memory_space<hbm>>
    %dma_wait3A_428 = arith.constant 4096 : i32
    %dma_wait3A_429 = tpu.memref_slice %arg7[%dma_wait3A_428] : memref<8192xf32, #tpu.memory_space<vmem>> -> memref<4096xf32, #tpu.memory_space<vmem>>
    tpu.wait_dma2 semaphore(%arg8 : memref<!tpu.dma_semaphore, #tpu.memory_space<semaphore_mem>>) src(%dma_wait3A_429 : memref<4096xf32, #tpu.memory_space<vmem>>) dst(%dma_wait3A_427 : memref<4096xf32, #tpu.memory_space<hbm>>)
    return
  }
}

</mosaic_0001>

<sc_bundles>
// kernel: kernel.3.cloned.1.call-start
scs
__scs_entry_jumppad:
0x0: {  	(pc) =	sbr.rel $0x88, $3  }
0x1: {  	(tag) =	ssettag $0x0;
	lr =	simm.s32 $0x1  }
0x2: {  	[smem:$0x3F9F] =	sst lr;
	_ =	strace $0xD0000000  }
0x3: {  	_ = 	snop  }
0x4: {  	_ = 	snop  }
0x5: {  	_ = 	snop  }
0x6: {  	_ = 	snop  }
0x7: {  	_ = 	snop  }
__scs_overlays_trampoline_lowered:
0x8: {  	[smem:$0x3FAE] =	sst s0  }
0x9: {  	[smem:$0x3FAF] =	sst s1  }
0xa: {  	[smem:$0x3FB0] =	sst s2  }
0xb: {  	[smem:$0x3FB1] =	sst s3  }
0xc: {  	[smem:$0x3FB2] =	sst s4  }
0xd: {  	[smem:$0x3FB3] =	sst s5  }
0xe: {  	[smem:$0x3FB4] =	sst s6  }
0xf: {  	[smem:$0x3FB5] =	sst s7  }
0x10: {  	[smem:$0x3FB6] =	sst s8  }
0x11: {  	[smem:$0x3FB7] =	sst s9;
	s0 =	simm.s32 @!p0 $0x0  }
0x12: {  	s1 =	sld [smem:$0x3F9D];
	s0 =	simm.s32 @p0 $0x1  }
0x13: {  	[smem:$0x3FB8] =	sst s0;
	s0 =	simm.s32 @!p1 $0x0  }
0x14: {  	s2 =	sld [smem:$0x3F9C];
	s0 =	simm.s32 @p1 $0x1  }
0x15: {  	[smem:$0x3FB9] =	sst s0;
	s0 =	simm.s32 @!p2 $0x0  }
0x16: {  	s3 =	sld [smem:$0x3FDB];
	s0 =	simm.s32 @p2 $0x1  }
0x17: {  	s4 =	simm.s32 $0x1BF5;
	[smem:$0x3FBB] =	sst s0  }
0x18: {  	s0 =	sld [smem:$0x3F9E];
	_ =	swait.ge [sflag:s4], $0x0  }
0x19: {  	s7 =	sld [smem:$0x3F9F]  }
0x1a: {  	s8 =	sadd.s32 $0xFFFFE003, lr  }
0x1b: {  	s9 =	sadd.s32 $0xFFFFFEF7, lr;
	s5 =	simm.s32 $0xFFFFFFFF;
	p2 =	slt.u32 s8, $0xFFFFF086  }
0x1c: {  	p1 =	slt.u32 s9, $0xF7A;
	s5 =	simm.s32 @!p2 $0x0  }
0x1d: {  	s5 =	simm.s32 @p1 $0x1;
	p0 =	seq.s32 s7, s2  }
0x1e: {  	s7 =	smul.u32 @!p0 $0xF7A, s2;
	p2 =	seq.s32 @!p0 s5, $0x0  }
0x1f: {  	s9 =	smul.u32 $0xF7A, s1;
	s8 =	simm.s32 @!p0 $0x1BF5;
	p2 =	por !p2, p0  }
0x20: {  	[sflag:s8] =	ssyncset.s32 @!p0 $0xFFFFF086;
	s6 =	sadd.s32 @!p0 s3, s7;
	s7 =	simm.s32 @!p0 $0x108  }
0x21: {  	s3 =	sadd.s32 s3, s9;
	s6 =	sadd.s32 @!p0 $0x88, s6;
	s7 =	simm.s32 @p2 $0x1082  }
0x22: {  	[simem:s7], [sflag:s8] =	dma.local @!p0 [hbm:s6], $0xF7A  }
0x23: {  	s9 =	sor.u32 $0xD0000000, s2;
	s6 =	simm.s32 $0x108;
	_ =	swait.ge @!p0 [sflag:s8], $0x0  }
0x24: {  	s3 =	sadd.s32 $0x88, s3;
	s6 =	simm.s32 @!p1 $0x1082;
	[sflag:s4] =	ssyncset.s32 $0xFFFFF086  }
0x25: {  	[simem:s6], [sflag:s4] =	dma.local [hbm:s3], $0xF7A  }
0x26: {  	[smem:$0x3F9F] =	sst s1;
	(tag) =	ssettag s2;
	_ =	strace s9  }
0x27: {  	s1 =	sld [smem:$0x3FAF]  }
0x28: {  	s2 =	sld [smem:$0x3FB0]  }
0x29: {  	s4 =	sld [smem:$0x3FB2]  }
0x2a: {  	p0 =	seq.s32 s5, $0x0;
	s5 =	sld [smem:$0x3FB3]  }
0x2b: {  	s6 =	sld [smem:$0x3FB4]  }
0x2c: {  	s7 =	sld [smem:$0x3FB5]  }
0x2d: {  	s3 =	simm.s32 $0x108;
	s8 =	sld [smem:$0x3FB6]  }
0x2e: {  	s3 =	simm.s32 @!p0 $0x1082;
	s9 =	sld [smem:$0x3FB7]  }
0x2f: {  	lr =	sadd.s32 s0, s3;
	s0 =	sld [smem:$0x3FAE]  }
0x30: {  	s3 =	sld [smem:$0x3FB1]  }
0x31: {  	[smem:$0x3FBA] =	sst s10  }
0x32: {  	s10 =	sld [smem:$0x3FB8];
	_ =	sdelay $0x3  }
0x33: {  	p0 =	seq.s32 s10, $0x1;
	s10 =	sld [smem:$0x3FBA];
	_ =	sdelay $0x3  }
0x34: {  	[smem:$0x3FBA] =	sst s10  }
0x35: {  	s10 =	sld [smem:$0x3FB9];
	_ =	sdelay $0x3  }
0x36: {  	p1 =	seq.s32 s10, $0x1;
	s10 =	sld [smem:$0x3FBA];
	_ =	sdelay $0x3  }
0x37: {  	[smem:$0x3FBA] =	sst s10  }
0x38: {  	s10 =	sld [smem:$0x3FBB]  }
0x39: {  	_ = 	snop;
	(pc) =	sbr.ind lr, $3  }
0x3a: {  	_ = 	snop  }
0x3b: {  	_ = 	snop  }
0x3c: {  	p2 =	seq.s32 s10, $0x1;
	s10 =	sld [smem:$0x3FBA]  }
0x3d: {  	_ =	shalt  }
0x3e: {  	_ =	shalt  }
0x3f: {  	_ =	shalt  }
0x40: {  	_ =	shalt  }
0x41: {  	_ =	shalt  }
0x42: {  	_ =	shalt  }
0x43: {  	_ =	shalt  }
0x44: {  	_ =	shalt  }
0x45: {  	_ =	shalt  }
0x46: {  	_ =	shalt  }
0x47: {  	_ =	shalt  }
0x48: {  	_ =	shalt  }
0x49: {  	_ =	shalt  }
0x4a: {  	_ =	shalt  }
0x4b: {  	_ =	shalt  }
0x4c: {  	_ =	shalt  }
0x4d: {  	_ =	shalt  }
0x4e: {  	_ =	shalt  }
0x4f: {  	_ =	shalt  }
0x50: {  	_ =	shalt  }
0x51: {  	_ =	shalt  }
0x52: {  	_ =	shalt  }
0x53: {  	_ =	shalt  }
0x54: {  	_ =	shalt  }
0x55: {  	_ =	shalt  }
0x56: {  	_ =	shalt  }
0x57: {  	_ =	shalt  }
0x58: {  	_ =	shalt  }
0x59: {  	_ =	shalt  }
0x5a: {  	_ =	shalt  }
0x5b: {  	_ =	shalt  }
0x5c: {  	_ =	shalt  }
0x5d: {  	_ =	shalt  }
0x5e: {  	_ =	shalt  }
0x5f: {  	_ =	shalt  }
0x60: {  	_ =	shalt  }
0x61: {  	_ =	shalt  }
0x62: {  	_ =	shalt  }
0x63: {  	_ =	shalt  }
0x64: {  	_ =	shalt  }
0x65: {  	_ =	shalt  }
0x66: {  	_ =	shalt  }
0x67: {  	_ =	shalt  }
0x68: {  	_ =	shalt  }
0x69: {  	_ =	shalt  }
0x6a: {  	_ =	shalt  }
0x6b: {  	_ =	shalt  }
0x6c: {  	_ =	shalt  }
0x6d: {  	_ =	shalt  }
0x6e: {  	_ =	shalt  }
0x6f: {  	_ =	shalt  }
0x70: {  	_ =	shalt  }
0x71: {  	_ =	shalt  }
0x72: {  	_ =	shalt  }
0x73: {  	_ =	shalt  }
0x74: {  	_ =	shalt  }
0x75: {  	_ =	shalt  }
0x76: {  	_ =	shalt  }
0x77: {  	_ =	shalt  }
0x78: {  	_ =	shalt  }
0x79: {  	_ =	shalt  }
0x7a: {  	_ =	shalt  }
0x7b: {  	_ =	shalt  }
0x7c: {  	_ =	shalt  }
0x7d: {  	_ =	shalt  }
0x7e: {  	_ =	shalt  }
0x7f: {  	_ =	shalt  }
0x80: {  	_ =	shalt  }
0x81: {  	_ =	shalt  }
0x82: {  	_ =	shalt  }
0x83: {  	_ =	shalt  }
0x84: {  	_ =	shalt  }
0x85: {  	_ =	shalt  }
0x86: {  	_ =	shalt  }
0x87: {  	_ =	shalt  }
.Lfunc_end0:
.L_simem_size_0:
called_computation_lowered:
.L_overlay_start_0:
0x88: {  	s2 =	sld [smem:$0x3FD9]  }
0x89: {  	s3 =	sld [smem:$0x3FFE];
	_ =	sdelay $0x1  }
0x8a: {  	s1 =	srdreg.scid  }
0x8b: {  	s0 =	sand.u32 $0x1, s1  }
0x8c: {  	s18 =	sshll.u32 s0, $0xA;
	s2 =	sadd.s32 s3, s2  }
0x8d: {  	s2 =	sadd.s32 s2, s18  }
0x8e: {  	[smem:$0x3FC6] =	sst s2  }
0x8f: {  	_ = 	snop  }
0x90: {  	s2 =	sld [smem:$0x3FC9]  }
0x91: {  	s19 =	sld [smem:$0x3FC8]  }
0x92: {  	s4 =	sld [smem:$0x3FD0];
	(tm) =	ssettm $0x1  }
0x93: {  	s5 =	sld [smem:$0x3FFB];
	_ =	sdelay $0x3  }
0x94: {  	_ =	strace s5  }
0x95: {  	s5 =	sld [smem:$0x3FFC];
	_ =	sdelay $0x3  }
0x96: {  	_ =	strace s5  }
0x97: {  	s5 =	sld [smem:$0x3FFD];
	_ =	sdelay $0x3  }
0x98: {  	_ =	strace s5  }
0x99: {  	_ =	strace $0x8FFFFFFF  }
0x9a: {  	s20 =	sld [smem:$0x3FDB];
	_ =	sdelay $0x1  }
0x9b: {  	s6 =	simm.s32 $_scs_section_size  }
0x9c: {  	s7 =	simm.s32 $_size__tile_overlayer_lowered;
	s8 =	simm.s32 $_tile_overlayer_lowered  }
0x9d: {  	s23 =	simm.s32 $0x1BFF;
	s22 =	sshll.u32 s8, $0x1;
	s5 =	sadd.s32 s6, s20  }
0x9e: {  	s9 =	simm.s32 $0x0;
	s21 =	sshll.u32 s7, $0x1;
	s7 =	sadd.s32 s22, s5  }
0x9f: {  	[timem:s9], [sflag:s23] =	dma.local [hbm:s7], s21  }
0xa0: {  	_ =	swait.ge [sflag:s23], s21  }
0xa1: {  	s6 =	ssub.s32 $0x0, s21;
	[sflag:s23] =	ssyncset.done $0x0  }
0xa2: {  	[sflag:s23] =	ssyncadd.s32 s6;
	_ =	sdelay $0x1  }
0xa3: {  	s24 =	simm.s32 $0x1B8B  }
0xa4: {  	_ =	swait.ge [sflag:s24], $0x1  }
0xa5: {  	[sflag:s24] =	ssyncset.done $0x0  }
0xa6: {  	s25 =	simm.s32 $0x1B8E;
	[sflag:s24] =	ssyncadd.s32 $0xFFFFFFFF  }
0xa7: {  	s26 =	simm.s32 $execute0_lowered;
	[smem:$0x3FD2] =	sst s25  }
0xa8: {  	s6 =	sshll.u32 s26, $0x1;
	_ =	strace $0x80000046;
	[dreg:$0x1] =	wrdreg $0xFFFFFFFF  }
0xa9: {  	s28 =	simm.s32 $_size_execute0_lowered;
	s5 =	sadd.s32 s5, s6;
	[dreg:$0x0] =	wrdreg $0x0  }
0xaa: {  	s6 =	sshll.u32 s28, $0x1;
	[dreg:$0x2] =	wrdreg s5  }
0xab: {  	[dreg:$0x3] =	wrdreg s6  }
0xac: {  	[dreg:$0x4] =	wrdreg $0xC0  }
0xad: {  	_ =	task [dreg:s9], $0x5FFFF  }
0xae: {  	[dreg:$0x1] =	wrdreg $0xFFFFFFFF  }
0xaf: {  	[dreg:$0x0] =	wrdreg $0x60  }
0xb0: {  	[dreg:$0x2] =	wrdreg s2  }
0xb1: {  	[dreg:$0x3] =	wrdreg s19  }
0xb2: {  	[dreg:$0x4] =	wrdreg s4  }
0xb3: {  	[dreg:$0x5] =	wrdreg $0x9  }
0xb4: {  	_ =	task.clear_ibuf [dreg:s9], $0x6FFFF;
	_ =	strace $0x90000046  }
0xb5: {  	s29 =	simm.s32 $0x9;
	_ =	strace $0x80000048  }
0xb6: {  	_ =	swait.ge [sflag:s29], $0x1  }
0xb7: {  	[sflag:s29] =	ssyncadd.s32 $0xFFFFFFFF  }
0xb8: {  	_ =	strace $0x90000048  }
0xb9: {  	_ =	sfence  }
0xba: {  	s30 =	sld [smem:$0x0];
	_ =	sdelay $0x2  }
0xbb: {  	s31 =	sshll.u32 s1, $0xD;
	s1 =	sshrl.u32 s1, $0x2  }
0xbc: {  	s3 =	sand.u32 $0x4000, s31;
	s1 =	sadd.s32 s1, s30  }
0xbd: {  	s0 =	sor.u32 s3, s0;
	s1 =	sshll.u32 s1, $0x11  }
0xbe: {  	s0 =	sor.u32 s1, s0  }
0xbf: {  	s0 =	sadd.s32 $0x8F2B, s0  }
0xc0: {  	[sflag:s0] =	ssyncadd.remote.s32 $0x1  }
0xc1: {  	_ =	sfence.sel $0xFFFF  }
0xc2: {  	[dreg:$0x0] =	wrdreg $0xFFFFFFFF;
	(pc) =	sbr.abs _section_cstart, $3  }
0xc3: {  	[dreg:$0x1] =	wrdreg $0xFFFFFFFF  }
0xc4: {  	_ =	task.clear_ibuf [dreg:s9], $0x2FFFF;
	_ =	strace $0x9FFFFFFF  }
0xc5: {  	(tm) =	ssettm $0x7FFFFFFF  }
tec
execute0_lowered:
.L_overlay_start_1:
0x0: {  	(tag) =	ssettag $0x1  }
0x1: {  	s0 =	rddreg [dreg:$0x0]  }
0x2: {  	s1 =	rddreg [dreg:$0x2];
	s3 =	simm.s32 $0x0  }
0x3: {  	s2 =	srdreg.scid;
	s5 =	stileid.u32;
	s28 =	simm.s32 $0x400  }
0x4: {  	s29 =	simm.s32 $0x4000;
	s30 =	simm.s32 $0x1C700;
	s31 =	simm.s32 $0x1D700  }
0x5: {  	[smem:$0x7FF] =	sst s3;
	s2 =	sand.u32 $0x1, s2;
	s24 =	smul.u32 $0xC3800, s5  }
0x6: {  	s16 =	sshll.u32 s5, $0x11;
	s21 =	sadd.s32 $0x1000, s1;
	s22 =	sadd.s32 $0x2000, s1  }
0x7: {  	s23 =	sadd.s32 $0x3000, s1;
	_ =	strace $0x80000047;
	s4 =	sshll.u32 s2, $0x9  }
0x8: {  	s2 =	ssub.s32 $0x2, s2;
	s25 =	sor.u32 s4, s24;
	s6 =	sor.u32 s4, s16  }
0x9: {  	s7 =	sshrl.u32 s2, $0x1;
	s9 =	sor.u32 $0x80, s4;
	s14 =	sor.u32 $0x100, s4  }
0xa: {  	s4 =	sor.u32 $0x180, s4;
	s5 =	sshrl.u32 s25, $0x3;
	s8 =	sshrl.u32 s6, $0x3  }
0xb: {  	s2 =	ssub.s32 s2, s7;
	s10 =	sor.u32 s24, s9;
	s11 =	sor.u32 s16, s9  }
0xc: {  	s15 =	sor.u32 s24, s14;
	s17 =	sor.u32 s16, s14;
	s3 =	sor.u32 s24, s4  }
0xd: {  	s4 =	sor.u32 s16, s4;
	s25 =	simm.s32 $0x2;
	s5 =	sadd.s32 s0, s5  }
0xe: {  	s6 =	sadd.s32 s8, s21;
	s7 =	sadd.s32 s8, s22;
	s10 =	sshrl.u32 s10, $0x3  }
0xf: {  	s13 =	sshrl.u32 s11, $0x3;
	s15 =	sshrl.u32 s15, $0x3;
	s19 =	sshrl.u32 s17, $0x3  }
0x10: {  	s3 =	sshrl.u32 s3, $0x3;
	s26 =	sshrl.u32 s4, $0x3;
	s24 =	smax.u32 s2, $0x1  }
0x11: {  	s2 =	simm.s32 $0x0;
	[dreg:$0x4] =	wrdreg s5;
	s5 =	sadd.s32 s1, s8  }
0x12: {  	s8 =	sadd.s32 s8, s23;
	s9 =	sadd.s32 s0, s10;
	s10 =	sadd.s32 s1, s13  }
0x13: {  	s11 =	sadd.s32 s13, s21;
	s12 =	sadd.s32 s13, s22;
	s13 =	sadd.s32 s13, s23  }
0x14: {  	s14 =	sadd.s32 s0, s15;
	s15 =	sadd.s32 s1, s19;
	s16 =	sadd.s32 s19, s21  }
0x15: {  	s17 =	sadd.s32 s0, s3;
	s18 =	sadd.s32 s19, s22;
	s19 =	sadd.s32 s19, s23  }
0x16: {  	s20 =	sadd.s32 s1, s26;
	s21 =	sadd.s32 s26, s21;
	s22 =	sadd.s32 s26, s22  }
0x17: {  	s23 =	sadd.s32 s26, s23;
	s26 =	simm.s32 $0x80;
	s0 =	simm.s32 $0x1  }
.LBB2_1:
0x18: {  	s1 =	rddreg [dreg:$0x1];
	s3 =	simm.s32 $0x0  }
0x19: {  	[tilespmem:s3], [sflag:$0x2] =	stream.linear.gather [hbm4b:s1+s3], $0x4000, $0x38;
	[tilespmem:$0x1E700] =	vst v63  }
0x1a: {  	_ =	swait.ge [sflag:s25], $0x4000  }
0x1b: {  	[sflag:s25] =	ssyncset.done $0x0  }
0x1c: {  	s4 =	rddreg [dreg:$0x4];
	[sflag:s25] =	ssyncadd.s32 $0xFFFFC000  }
0x1d: {  	[tilespmem:s29], [sflag:$0x2] =	stream.strided.gather [hbm4b:s4+s26], $0x18700, s28, s26, $0x38;
	[tilespmem:$0x1E700] =	vst v63  }
0x1e: {  	_ =	swait.ge [sflag:s25], $0x18700  }
0x1f: {  	[sflag:s25] =	ssyncset.done $0x0  }
0x20: {  	s1 =	simm.s32 $0x0;
	[sflag:s25] =	ssyncadd.s32 $0xFFFE7900  }
0x21: {  	v0 =	vld [tilespmem:s1+$0x0];
	_ =	sdelay $0x5  }
0x22: {  	v1 =	vld [tilespmem:s1+$0x10];
	_ =	sdelay $0x1  }
0x23: {  	v0 =	vld.idx.msk [tilespmem:v0+s29+$0x0], $0xffff;
	_ =	sdelay $0x4  }
0x24: {  	[tilespmem:s1+$0x1C700] =	vst v0;
	v0 =	vld [tilespmem:s1+$0x20]  }
0x25: {  	v1 =	vld.idx.msk [tilespmem:v1+s29+$0x0], $0xffff;
	_ =	sdelay $0x4  }
0x26: {  	[tilespmem:s1+$0x1C710] =	vst v1;
	v1 =	vld [tilespmem:s1+$0x30];
	_ =	sdelay $0x1  }
0x27: {  	v0 =	vld.idx.msk [tilespmem:v0+s29+$0x0], $0xffff;
	_ =	sdelay $0x4  }
0x28: {  	[tilespmem:s1+$0x1C720] =	vst v0;
	v0 =	vld [tilespmem:s1+$0x40]  }
0x29: {  	v1 =	vld.idx.msk [tilespmem:v1+s29+$0x0], $0xffff;
	_ =	sdelay $0x4  }
0x2a: {  	[tilespmem:s1+$0x1C730] =	vst v1;
	v1 =	vld [tilespmem:s1+$0x50];
	_ =	sdelay $0x1  }
0x2b: {  	v0 =	vld.idx.msk [tilespmem:v0+s29+$0x0], $0xffff;
	_ =	sdelay $0x4  }
0x2c: {  	v2 =	vld [tilespmem:s1+$0x60];
	[tilespmem:s1+$0x1C740] =	vst v0  }
0x2d: {  	v0 =	vld.idx.msk [tilespmem:v1+s29+$0x0], $0xffff;
	_ =	sdelay $0x4  }
0x2e: {  	[tilespmem:s1+$0x1C750] =	vst v0;
	v0 =	vld [tilespmem:s1+$0x70];
	_ =	sdelay $0x1  }
0x2f: {  	v1 =	vld.idx.msk [tilespmem:v2+s29+$0x0], $0xffff;
	_ =	sdelay $0x3  }
0x30: {  	s3 =	simm.s32 $0x400;
	s4 =	simm.s32 $0x80  }
.LBB2_2:
0x31: {  	p0 =	sne.s32 s3, $0x3E00;
	v2 =	vld [tilespmem:s4+$0x0];
	[tilespmem:s1+$0x1C760] =	vst v1  }
0x32: {  	v0 =	vld.idx.msk [tilespmem:v0+s29+$0x0], $0xffff;
	_ =	sdelay $0x5  }
0x33: {  	v1 =	vld [tilespmem:s4+$0x10];
	[tilespmem:s1+$0x1C770] =	vst v0;
	s1 =	smov.u32 s4  }
0x34: {  	v0 =	vld.idx.msk [tilespmem:v2+s29+$0x0], $0xffff;
	_ =	sdelay $0x5  }
0x35: {  	[tilespmem:s1+$0x1C700] =	vst v0;
	v0 =	vld [tilespmem:s1+$0x20]  }
0x36: {  	v1 =	vld.idx.msk [tilespmem:v1+s29+$0x0], $0xffff;
	_ =	sdelay $0x5  }
0x37: {  	[tilespmem:s1+$0x1C710] =	vst v1;
	v1 =	vld [tilespmem:s1+$0x30]  }
0x38: {  	v0 =	vld.idx.msk [tilespmem:v0+s29+$0x0], $0xffff;
	_ =	sdelay $0x5  }
0x39: {  	[tilespmem:s1+$0x1C720] =	vst v0;
	v0 =	vld [tilespmem:s1+$0x40]  }
0x3a: {  	v1 =	vld.idx.msk [tilespmem:v1+s29+$0x0], $0xffff;
	_ =	sdelay $0x5  }
0x3b: {  	[tilespmem:s1+$0x1C730] =	vst v1;
	v1 =	vld [tilespmem:s1+$0x50]  }
0x3c: {  	v0 =	vld.idx.msk [tilespmem:v0+s29+$0x0], $0xffff;
	_ =	sdelay $0x5  }
0x3d: {  	[tilespmem:s1+$0x1C740] =	vst v0;
	v2 =	vld [tilespmem:s1+$0x60]  }
0x3e: {  	v0 =	vld.idx.msk [tilespmem:v1+s29+$0x0], $0xffff;
	_ =	sdelay $0x5  }
0x3f: {  	[tilespmem:s1+$0x1C750] =	vst v0;
	v0 =	vld [tilespmem:s1+$0x70]  }
0x40: {  	v1 =	vld.idx.msk [tilespmem:v2+s29+$0x0], $0xffff  }
.Ltmp0:
0x41: {  	(pc) =	sbr.rel @p0 .LBB2_2-.Ltmp0, $2  }
0x42: {  	_ =	sdelay $0x2  }
0x43: {  	s4 =	sshra.s32 s3, $0x2;
	s3 =	sadd.s32 $0x200, s3  }
0x44: {  	_ =	sdelay $0x1  }
0x45: {  	v2 =	vld [tilespmem:s4+$0x0]  }
0x46: {  	[tilespmem:s1+$0x1C760] =	vst v1  }
0x47: {  	v0 =	vld.idx.msk [tilespmem:v0+s29+$0x0], $0xffff;
	_ =	sdelay $0x3  }
0x48: {  	v1 =	vld [tilespmem:s4+$0x10]  }
0x49: {  	[tilespmem:s1+$0x1C770] =	vst v0  }
0x4a: {  	v0 =	vld.idx.msk [tilespmem:v2+s29+$0x0], $0xffff;
	_ =	sdelay $0x4  }
0x4b: {  	[tilespmem:s4+$0x1C700] =	vst v0;
	v0 =	vld [tilespmem:s4+$0x20]  }
0x4c: {  	v1 =	vld.idx.msk [tilespmem:v1+s29+$0x0], $0xffff;
	_ =	sdelay $0x4  }
0x4d: {  	[tilespmem:s4+$0x1C710] =	vst v1;
	v1 =	vld [tilespmem:s4+$0x30];
	_ =	sdelay $0x1  }
0x4e: {  	v0 =	vld.idx.msk [tilespmem:v0+s29+$0x0], $0xffff;
	_ =	sdelay $0x4  }
0x4f: {  	[tilespmem:s4+$0x1C720] =	vst v0;
	v0 =	vld [tilespmem:s4+$0x40]  }
0x50: {  	v1 =	vld.idx.msk [tilespmem:v1+s29+$0x0], $0xffff;
	_ =	sdelay $0x4  }
0x51: {  	[tilespmem:s4+$0x1C730] =	vst v1;
	v1 =	vld [tilespmem:s4+$0x50];
	_ =	sdelay $0x1  }
0x52: {  	v0 =	vld.idx.msk [tilespmem:v0+s29+$0x0], $0xffff;
	_ =	sdelay $0x4  }
0x53: {  	[tilespmem:s4+$0x1C740] =	vst v0;
	v0 =	vld [tilespmem:s4+$0x60]  }
0x54: {  	v1 =	vld.idx.msk [tilespmem:v1+s29+$0x0], $0xffff;
	_ =	sdelay $0x4  }
0x55: {  	[tilespmem:s4+$0x1C750] =	vst v1;
	v1 =	vld [tilespmem:s4+$0x70];
	_ =	sdelay $0x1  }
0x56: {  	v0 =	vld.idx.msk [tilespmem:v0+s29+$0x0], $0xffff;
	_ =	sdelay $0x4  }
0x57: {  	[tilespmem:s4+$0x1C760] =	vst v0  }
0x58: {  	v0 =	vld.idx.msk [tilespmem:v1+s29+$0x0], $0xffff;
	_ =	sdelay $0x4  }
0x59: {  	s1 =	simm.s32 $0x0;
	[tilespmem:s4+$0x1C770] =	vst v0  }
0x5a: {  	[hbm4b:s5+s26] =	stream.strided.scatter [tilespmem:s30], [sflag:$0x1], $0x1000, s28, s26, $0x38;
	[tilespmem:$0x1E700] =	vst v63  }
0x5b: {  	v0 =	vld [tilespmem:s1+$0x1000];
	_ =	sdelay $0x5  }
0x5c: {  	v1 =	vld [tilespmem:s1+$0x1010];
	_ =	sdelay $0x1  }
0x5d: {  	v0 =	vld.idx.msk [tilespmem:v0+s29+$0x0], $0xffff;
	_ =	sdelay $0x4  }
0x5e: {  	[tilespmem:s1+$0x1D700] =	vst v0;
	v0 =	vld [tilespmem:s1+$0x1020]  }
0x5f: {  	v1 =	vld.idx.msk [tilespmem:v1+s29+$0x0], $0xffff;
	_ =	sdelay $0x4  }
0x60: {  	[tilespmem:s1+$0x1D710] =	vst v1;
	v1 =	vld [tilespmem:s1+$0x1030];
	_ =	sdelay $0x1  }
0x61: {  	v0 =	vld.idx.msk [tilespmem:v0+s29+$0x0], $0xffff;
	_ =	sdelay $0x4  }
0x62: {  	[tilespmem:s1+$0x1D720] =	vst v0;
	v0 =	vld [tilespmem:s1+$0x1040]  }
0x63: {  	v1 =	vld.idx.msk [tilespmem:v1+s29+$0x0], $0xffff;
	_ =	sdelay $0x4  }
0x64: {  	[tilespmem:s1+$0x1D730] =	vst v1;
	v1 =	vld [tilespmem:s1+$0x1050];
	_ =	sdelay $0x1  }
0x65: {  	v0 =	vld.idx.msk [tilespmem:v0+s29+$0x0], $0xffff;
	_ =	sdelay $0x4  }
0x66: {  	v2 =	vld [tilespmem:s1+$0x1060];
	[tilespmem:s1+$0x1D740] =	vst v0  }
0x67: {  	v0 =	vld.idx.msk [tilespmem:v1+s29+$0x0], $0xffff;
	_ =	sdelay $0x4  }
0x68: {  	[tilespmem:s1+$0x1D750] =	vst v0;
	v0 =	vld [tilespmem:s1+$0x1070];
	_ =	sdelay $0x1  }
0x69: {  	v1 =	vld.idx.msk [tilespmem:v2+s29+$0x0], $0xffff;
	_ =	sdelay $0x3  }
0x6a: {  	s3 =	simm.s32 $0x400;
	s4 =	simm.s32 $0x80  }
.LBB2_4:
0x6b: {  	p0 =	sne.s32 s3, $0x3E00;
	v2 =	vld [tilespmem:s4+$0x1000];
	[tilespmem:s1+$0x1D760] =	vst v1  }
0x6c: {  	v0 =	vld.idx.msk [tilespmem:v0+s29+$0x0], $0xffff;
	_ =	sdelay $0x5  }
0x6d: {  	v1 =	vld [tilespmem:s4+$0x1010];
	[tilespmem:s1+$0x1D770] =	vst v0;
	s1 =	smov.u32 s4  }
0x6e: {  	v0 =	vld.idx.msk [tilespmem:v2+s29+$0x0], $0xffff;
	_ =	sdelay $0x5  }
0x6f: {  	[tilespmem:s1+$0x1D700] =	vst v0;
	v0 =	vld [tilespmem:s1+$0x1020]  }
0x70: {  	v1 =	vld.idx.msk [tilespmem:v1+s29+$0x0], $0xffff;
	_ =	sdelay $0x5  }
0x71: {  	[tilespmem:s1+$0x1D710] =	vst v1;
	v1 =	vld [tilespmem:s1+$0x1030]  }
0x72: {  	v0 =	vld.idx.msk [tilespmem:v0+s29+$0x0], $0xffff;
	_ =	sdelay $0x5  }
0x73: {  	[tilespmem:s1+$0x1D720] =	vst v0;
	v0 =	vld [tilespmem:s1+$0x1040]  }
0x74: {  	v1 =	vld.idx.msk [tilespmem:v1+s29+$0x0], $0xffff;
	_ =	sdelay $0x5  }
0x75: {  	[tilespmem:s1+$0x1D730] =	vst v1;
	v1 =	vld [tilespmem:s1+$0x1050]  }
0x76: {  	v0 =	vld.idx.msk [tilespmem:v0+s29+$0x0], $0xffff;
	_ =	sdelay $0x5  }
0x77: {  	[tilespmem:s1+$0x1D740] =	vst v0;
	v2 =	vld [tilespmem:s1+$0x1060]  }
0x78: {  	v0 =	vld.idx.msk [tilespmem:v1+s29+$0x0], $0xffff;
	_ =	sdelay $0x5  }
0x79: {  	[tilespmem:s1+$0x1D750] =	vst v0;
	v0 =	vld [tilespmem:s1+$0x1070]  }
0x7a: {  	v1 =	vld.idx.msk [tilespmem:v2+s29+$0x0], $0xffff  }
.Ltmp1:
0x7b: {  	(pc) =	sbr.rel @p0 .LBB2_4-.Ltmp1, $2  }
0x7c: {  	_ =	sdelay $0x2  }
0x7d: {  	s4 =	sshra.s32 s3, $0x2;
	s3 =	sadd.s32 $0x200, s3  }
0x7e: {  	_ =	sdelay $0x1  }
0x7f: {  	v2 =	vld [tilespmem:s4+$0x1000]  }
0x80: {  	[tilespmem:s1+$0x1D760] =	vst v1  }
0x81: {  	v0 =	vld.idx.msk [tilespmem:v0+s29+$0x0], $0xffff;
	_ =	sdelay $0x3  }
0x82: {  	v1 =	vld [tilespmem:s4+$0x1010]  }
0x83: {  	[tilespmem:s1+$0x1D770] =	vst v0  }
0x84: {  	v0 =	vld.idx.msk [tilespmem:v2+s29+$0x0], $0xffff;
	_ =	sdelay $0x4  }
0x85: {  	[tilespmem:s4+$0x1D700] =	vst v0;
	v0 =	vld [tilespmem:s4+$0x1020]  }
0x86: {  	v1 =	vld.idx.msk [tilespmem:v1+s29+$0x0], $0xffff;
	_ =	sdelay $0x4  }
0x87: {  	[tilespmem:s4+$0x1D710] =	vst v1;
	v1 =	vld [tilespmem:s4+$0x1030];
	_ =	sdelay $0x1  }
0x88: {  	v0 =	vld.idx.msk [tilespmem:v0+s29+$0x0], $0xffff;
	_ =	sdelay $0x4  }
0x89: {  	[tilespmem:s4+$0x1D720] =	vst v0;
	v0 =	vld [tilespmem:s4+$0x1040]  }
0x8a: {  	v1 =	vld.idx.msk [tilespmem:v1+s29+$0x0], $0xffff;
	_ =	sdelay $0x4  }
0x8b: {  	[tilespmem:s4+$0x1D730] =	vst v1;
	v1 =	vld [tilespmem:s4+$0x1050];
	_ =	sdelay $0x1  }
0x8c: {  	v0 =	vld.idx.msk [tilespmem:v0+s29+$0x0], $0xffff;
	_ =	sdelay $0x4  }
0x8d: {  	[tilespmem:s4+$0x1D740] =	vst v0;
	v0 =	vld [tilespmem:s4+$0x1060]  }
0x8e: {  	v1 =	vld.idx.msk [tilespmem:v1+s29+$0x0], $0xffff;
	_ =	sdelay $0x4  }
0x8f: {  	[tilespmem:s4+$0x1D750] =	vst v1;
	v1 =	vld [tilespmem:s4+$0x1070];
	_ =	sdelay $0x1  }
0x90: {  	v0 =	vld.idx.msk [tilespmem:v0+s29+$0x0], $0xffff;
	_ =	sdelay $0x4  }
0x91: {  	[tilespmem:s4+$0x1D760] =	vst v0  }
0x92: {  	v0 =	vld.idx.msk [tilespmem:v1+s29+$0x0], $0xffff;
	_ =	sdelay $0x4  }
0x93: {  	[tilespmem:s4+$0x1D770] =	vst v0  }
0x94: {  	[hbm4b:s6+s26] =	stream.strided.scatter [tilespmem:s31], [sflag:$0x1], $0x1000, s28, s26, $0x38;
	[tilespmem:$0x1E700] =	vst v63  }
0x95: {  	_ =	swait.ge [sflag:s0], $0x1000  }
0x96: {  	[sflag:s0] =	ssyncset.done $0x0  }
0x97: {  	s1 =	simm.s32 $0x0;
	[sflag:s0] =	ssyncadd.s32 $0xFFFFF000  }
0x98: {  	v0 =	vld [tilespmem:s1+$0x2000];
	_ =	sdelay $0x5  }
0x99: {  	v1 =	vld [tilespmem:s1+$0x2010];
	_ =	sdelay $0x1  }
0x9a: {  	v0 =	vld.idx.msk [tilespmem:v0+s29+$0x0], $0xffff;
	_ =	sdelay $0x4  }
0x9b: {  	[tilespmem:s1+$0x1C700] =	vst v0;
	v0 =	vld [tilespmem:s1+$0x2020]  }
0x9c: {  	v1 =	vld.idx.msk [tilespmem:v1+s29+$0x0], $0xffff;
	_ =	sdelay $0x4  }
0x9d: {  	[tilespmem:s1+$0x1C710] =	vst v1;
	v1 =	vld [tilespmem:s1+$0x2030];
	_ =	sdelay $0x1  }
0x9e: {  	v0 =	vld.idx.msk [tilespmem:v0+s29+$0x0], $0xffff;
	_ =	sdelay $0x4  }
0x9f: {  	[tilespmem:s1+$0x1C720] =	vst v0;
	v0 =	vld [tilespmem:s1+$0x2040]  }
0xa0: {  	v1 =	vld.idx.msk [tilespmem:v1+s29+$0x0], $0xffff;
	_ =	sdelay $0x4  }
0xa1: {  	[tilespmem:s1+$0x1C730] =	vst v1;
	v1 =	vld [tilespmem:s1+$0x2050];
	_ =	sdelay $0x1  }
0xa2: {  	v0 =	vld.idx.msk [tilespmem:v0+s29+$0x0], $0xffff;
	_ =	sdelay $0x4  }
0xa3: {  	v2 =	vld [tilespmem:s1+$0x2060];
	[tilespmem:s1+$0x1C740] =	vst v0  }
0xa4: {  	v0 =	vld.idx.msk [tilespmem:v1+s29+$0x0], $0xffff;
	_ =	sdelay $0x4  }
0xa5: {  	[tilespmem:s1+$0x1C750] =	vst v0;
	v0 =	vld [tilespmem:s1+$0x2070];
	_ =	sdelay $0x1  }
0xa6: {  	v1 =	vld.idx.msk [tilespmem:v2+s29+$0x0], $0xffff;
	_ =	sdelay $0x3  }
0xa7: {  	s3 =	simm.s32 $0x400;
	s4 =	simm.s32 $0x80  }
.LBB2_6:
0xa8: {  	p0 =	sne.s32 s3, $0x3E00;
	v2 =	vld [tilespmem:s4+$0x2000];
	[tilespmem:s1+$0x1C760] =	vst v1  }
0xa9: {  	v0 =	vld.idx.msk [tilespmem:v0+s29+$0x0], $0xffff;
	_ =	sdelay $0x5  }
0xaa: {  	v1 =	vld [tilespmem:s4+$0x2010];
	[tilespmem:s1+$0x1C770] =	vst v0;
	s1 =	smov.u32 s4  }
0xab: {  	v0 =	vld.idx.msk [tilespmem:v2+s29+$0x0], $0xffff;
	_ =	sdelay $0x5  }
0xac: {  	[tilespmem:s1+$0x1C700] =	vst v0;
	v0 =	vld [tilespmem:s1+$0x2020]  }
0xad: {  	v1 =	vld.idx.msk [tilespmem:v1+s29+$0x0], $0xffff;
	_ =	sdelay $0x5  }
0xae: {  	[tilespmem:s1+$0x1C710] =	vst v1;
	v1 =	vld [tilespmem:s1+$0x2030]  }
0xaf: {  	v0 =	vld.idx.msk [tilespmem:v0+s29+$0x0], $0xffff;
	_ =	sdelay $0x5  }
0xb0: {  	[tilespmem:s1+$0x1C720] =	vst v0;
	v0 =	vld [tilespmem:s1+$0x2040]  }
0xb1: {  	v1 =	vld.idx.msk [tilespmem:v1+s29+$0x0], $0xffff;
	_ =	sdelay $0x5  }
0xb2: {  	[tilespmem:s1+$0x1C730] =	vst v1;
	v1 =	vld [tilespmem:s1+$0x2050]  }
0xb3: {  	v0 =	vld.idx.msk [tilespmem:v0+s29+$0x0], $0xffff;
	_ =	sdelay $0x5  }
0xb4: {  	[tilespmem:s1+$0x1C740] =	vst v0;
	v2 =	vld [tilespmem:s1+$0x2060]  }
0xb5: {  	v0 =	vld.idx.msk [tilespmem:v1+s29+$0x0], $0xffff;
	_ =	sdelay $0x5  }
0xb6: {  	[tilespmem:s1+$0x1C750] =	vst v0;
	v0 =	vld [tilespmem:s1+$0x2070]  }
0xb7: {  	v1 =	vld.idx.msk [tilespmem:v2+s29+$0x0], $0xffff  }
.Ltmp2:
0xb8: {  	(pc) =	sbr.rel @p0 .LBB2_6-.Ltmp2, $2  }
0xb9: {  	_ =	sdelay $0x2  }
0xba: {  	s4 =	sshra.s32 s3, $0x2;
	s3 =	sadd.s32 $0x200, s3  }
0xbb: {  	_ =	sdelay $0x1  }
0xbc: {  	v2 =	vld [tilespmem:s4+$0x2000]  }
0xbd: {  	[tilespmem:s1+$0x1C760] =	vst v1  }
0xbe: {  	v0 =	vld.idx.msk [tilespmem:v0+s29+$0x0], $0xffff;
	_ =	sdelay $0x3  }
0xbf: {  	v1 =	vld [tilespmem:s4+$0x2010]  }
0xc0: {  	[tilespmem:s1+$0x1C770] =	vst v0  }
0xc1: {  	v0 =	vld.idx.msk [tilespmem:v2+s29+$0x0], $0xffff;
	_ =	sdelay $0x4  }
0xc2: {  	[tilespmem:s4+$0x1C700] =	vst v0;
	v0 =	vld [tilespmem:s4+$0x2020]  }
0xc3: {  	v1 =	vld.idx.msk [tilespmem:v1+s29+$0x0], $0xffff;
	_ =	sdelay $0x4  }
0xc4: {  	[tilespmem:s4+$0x1C710] =	vst v1;
	v1 =	vld [tilespmem:s4+$0x2030];
	_ =	sdelay $0x1  }
0xc5: {  	v0 =	vld.idx.msk [tilespmem:v0+s29+$0x0], $0xffff;
	_ =	sdelay $0x4  }
0xc6: {  	[tilespmem:s4+$0x1C720] =	vst v0;
	v0 =	vld [tilespmem:s4+$0x2040]  }
0xc7: {  	v1 =	vld.idx.msk [tilespmem:v1+s29+$0x0], $0xffff;
	_ =	sdelay $0x4  }
0xc8: {  	[tilespmem:s4+$0x1C730] =	vst v1;
	v1 =	vld [tilespmem:s4+$0x2050];
	_ =	sdelay $0x1  }
0xc9: {  	v0 =	vld.idx.msk [tilespmem:v0+s29+$0x0], $0xffff;
	_ =	sdelay $0x4  }
0xca: {  	[tilespmem:s4+$0x1C740] =	vst v0;
	v0 =	vld [tilespmem:s4+$0x2060]  }
0xcb: {  	v1 =	vld.idx.msk [tilespmem:v1+s29+$0x0], $0xffff;
	_ =	sdelay $0x4  }
0xcc: {  	[tilespmem:s4+$0x1C750] =	vst v1;
	v1 =	vld [tilespmem:s4+$0x2070];
	_ =	sdelay $0x1  }
0xcd: {  	v0 =	vld.idx.msk [tilespmem:v0+s29+$0x0], $0xffff;
	_ =	sdelay $0x4  }
0xce: {  	[tilespmem:s4+$0x1C760] =	vst v0  }
0xcf: {  	v0 =	vld.idx.msk [tilespmem:v1+s29+$0x0], $0xffff;
	_ =	sdelay $0x4  }
0xd0: {  	[tilespmem:s4+$0x1C770] =	vst v0  }
0xd1: {  	[hbm4b:s7+s26] =	stream.strided.scatter [tilespmem:s30], [sflag:$0x1], $0x1000, s28, s26, $0x38;
	[tilespmem:$0x1E700] =	vst v63  }
0xd2: {  	_ =	swait.ge [sflag:s0], $0x1000  }
0xd3: {  	[sflag:s0] =	ssyncset.done $0x0  }
0xd4: {  	s1 =	simm.s32 $0x0;
	[sflag:s0] =	ssyncadd.s32 $0xFFFFF000  }
0xd5: {  	v0 =	vld [tilespmem:s1+$0x3000];
	_ =	sdelay $0x5  }
0xd6: {  	v1 =	vld [tilespmem:s1+$0x3010];
	_ =	sdelay $0x1  }
0xd7: {  	v0 =	vld.idx.msk [tilespmem:v0+s29+$0x0], $0xffff;
	_ =	sdelay $0x4  }
0xd8: {  	[tilespmem:s1+$0x1D700] =	vst v0;
	v0 =	vld [tilespmem:s1+$0x3020]  }
0xd9: {  	v1 =	vld.idx.msk [tilespmem:v1+s29+$0x0], $0xffff;
	_ =	sdelay $0x4  }
0xda: {  	[tilespmem:s1+$0x1D710] =	vst v1;
	v1 =	vld [tilespmem:s1+$0x3030];
	_ =	sdelay $0x1  }
0xdb: {  	v0 =	vld.idx.msk [tilespmem:v0+s29+$0x0], $0xffff;
	_ =	sdelay $0x4  }
0xdc: {  	[tilespmem:s1+$0x1D720] =	vst v0;
	v0 =	vld [tilespmem:s1+$0x3040]  }
0xdd: {  	v1 =	vld.idx.msk [tilespmem:v1+s29+$0x0], $0xffff;
	_ =	sdelay $0x4  }
0xde: {  	[tilespmem:s1+$0x1D730] =	vst v1;
	v1 =	vld [tilespmem:s1+$0x3050];
	_ =	sdelay $0x1  }
0xdf: {  	v0 =	vld.idx.msk [tilespmem:v0+s29+$0x0], $0xffff;
	_ =	sdelay $0x4  }
0xe0: {  	v2 =	vld [tilespmem:s1+$0x3060];
	[tilespmem:s1+$0x1D740] =	vst v0  }
0xe1: {  	v0 =	vld.idx.msk [tilespmem:v1+s29+$0x0], $0xffff;
	_ =	sdelay $0x4  }
0xe2: {  	[tilespmem:s1+$0x1D750] =	vst v0;
	v0 =	vld [tilespmem:s1+$0x3070];
	_ =	sdelay $0x1  }
0xe3: {  	v1 =	vld.idx.msk [tilespmem:v2+s29+$0x0], $0xffff;
	_ =	sdelay $0x3  }
0xe4: {  	s3 =	simm.s32 $0x400;
	s4 =	simm.s32 $0x80  }
.LBB2_8:
0xe5: {  	p0 =	sne.s32 s3, $0x3E00;
	v2 =	vld [tilespmem:s4+$0x3000];
	[tilespmem:s1+$0x1D760] =	vst v1  }
0xe6: {  	v0 =	vld.idx.msk [tilespmem:v0+s29+$0x0], $0xffff;
	_ =	sdelay $0x5  }
0xe7: {  	v1 =	vld [tilespmem:s4+$0x3010];
	[tilespmem:s1+$0x1D770] =	vst v0;
	s1 =	smov.u32 s4  }
0xe8: {  	v0 =	vld.idx.msk [tilespmem:v2+s29+$0x0], $0xffff;
	_ =	sdelay $0x5  }
0xe9: {  	[tilespmem:s1+$0x1D700] =	vst v0;
	v0 =	vld [tilespmem:s1+$0x3020]  }
0xea: {  	v1 =	vld.idx.msk [tilespmem:v1+s29+$0x0], $0xffff;
	_ =	sdelay $0x5  }
0xeb: {  	[tilespmem:s1+$0x1D710] =	vst v1;
	v1 =	vld [tilespmem:s1+$0x3030]  }
0xec: {  	v0 =	vld.idx.msk [tilespmem:v0+s29+$0x0], $0xffff;
	_ =	sdelay $0x5  }
0xed: {  	[tilespmem:s1+$0x1D720] =	vst v0;
	v0 =	vld [tilespmem:s1+$0x3040]  }
0xee: {  	v1 =	vld.idx.msk [tilespmem:v1+s29+$0x0], $0xffff;
	_ =	sdelay $0x5  }
0xef: {  	[tilespmem:s1+$0x1D730] =	vst v1;
	v1 =	vld [tilespmem:s1+$0x3050]  }
0xf0: {  	v0 =	vld.idx.msk [tilespmem:v0+s29+$0x0], $0xffff;
	_ =	sdelay $0x5  }
0xf1: {  	[tilespmem:s1+$0x1D740] =	vst v0;
	v2 =	vld [tilespmem:s1+$0x3060]  }
0xf2: {  	v0 =	vld.idx.msk [tilespmem:v1+s29+$0x0], $0xffff;
	_ =	sdelay $0x5  }
0xf3: {  	[tilespmem:s1+$0x1D750] =	vst v0;
	v0 =	vld [tilespmem:s1+$0x3070]  }
0xf4: {  	v1 =	vld.idx.msk [tilespmem:v2+s29+$0x0], $0xffff  }
.Ltmp3:
0xf5: {  	(pc) =	sbr.rel @p0 .LBB2_8-.Ltmp3, $2  }
0xf6: {  	_ =	sdelay $0x2  }
0xf7: {  	s4 =	sshra.s32 s3, $0x2;
	s3 =	sadd.s32 $0x200, s3  }
0xf8: {  	_ =	sdelay $0x1  }
0xf9: {  	v2 =	vld [tilespmem:s4+$0x3000]  }
0xfa: {  	[tilespmem:s1+$0x1D760] =	vst v1  }
0xfb: {  	v0 =	vld.idx.msk [tilespmem:v0+s29+$0x0], $0xffff;
	_ =	sdelay $0x3  }
0xfc: {  	v1 =	vld [tilespmem:s4+$0x3010]  }
0xfd: {  	[tilespmem:s1+$0x1D770] =	vst v0  }
0xfe: {  	v0 =	vld.idx.msk [tilespmem:v2+s29+$0x0], $0xffff;
	_ =	sdelay $0x4  }
0xff: {  	[tilespmem:s4+$0x1D700] =	vst v0;
	v0 =	vld [tilespmem:s4+$0x3020]  }
0x100: {  	v1 =	vld.idx.msk [tilespmem:v1+s29+$0x0], $0xffff;
	_ =	sdelay $0x4  }
0x101: {  	[tilespmem:s4+$0x1D710] =	vst v1;
	v1 =	vld [tilespmem:s4+$0x3030];
	_ =	sdelay $0x1  }
0x102: {  	v0 =	vld.idx.msk [tilespmem:v0+s29+$0x0], $0xffff;
	_ =	sdelay $0x4  }
0x103: {  	[tilespmem:s4+$0x1D720] =	vst v0;
	v0 =	vld [tilespmem:s4+$0x3040]  }
0x104: {  	v1 =	vld.idx.msk [tilespmem:v1+s29+$0x0], $0xffff;
	_ =	sdelay $0x4  }
0x105: {  	[tilespmem:s4+$0x1D730] =	vst v1;
	v1 =	vld [tilespmem:s4+$0x3050];
	_ =	sdelay $0x1  }
0x106: {  	v0 =	vld.idx.msk [tilespmem:v0+s29+$0x0], $0xffff;
	_ =	sdelay $0x4  }
0x107: {  	[tilespmem:s4+$0x1D740] =	vst v0;
	v0 =	vld [tilespmem:s4+$0x3060]  }
0x108: {  	v1 =	vld.idx.msk [tilespmem:v1+s29+$0x0], $0xffff;
	_ =	sdelay $0x4  }
0x109: {  	[tilespmem:s4+$0x1D750] =	vst v1;
	v1 =	vld [tilespmem:s4+$0x3070];
	_ =	sdelay $0x1  }
0x10a: {  	v0 =	vld.idx.msk [tilespmem:v0+s29+$0x0], $0xffff;
	_ =	sdelay $0x4  }
0x10b: {  	[tilespmem:s4+$0x1D760] =	vst v0  }
0x10c: {  	v0 =	vld.idx.msk [tilespmem:v1+s29+$0x0], $0xffff;
	_ =	sdelay $0x4  }
0x10d: {  	[tilespmem:s4+$0x1D770] =	vst v0  }
0x10e: {  	[hbm4b:s8+s26] =	stream.strided.scatter [tilespmem:s31], [sflag:$0x1], $0x1000, s28, s26, $0x38;
	[tilespmem:$0x1E700] =	vst v63  }
0x10f: {  	_ = 	snop  }
0x110: {  	[tilespmem:s29], [sflag:$0x2] =	stream.strided.gather [hbm4b:s9+s26], $0x18700, s28, s26, $0x38;
	[tilespmem:$0x1E700] =	vst v63  }
0x111: {  	_ =	swait.ge [sflag:s25], $0x18700  }
0x112: {  	[sflag:s25] =	ssyncset.done $0x0  }
0x113: {  	[sflag:s25] =	ssyncadd.s32 $0xFFFE7900  }
0x114: {  	_ =	swait.ge [sflag:s0], $0x1000  }
0x115: {  	[sflag:s0] =	ssyncset.done $0x0  }
0x116: {  	s1 =	simm.s32 $0x0;
	[sflag:s0] =	ssyncadd.s32 $0xFFFFF000  }
0x117: {  	v0 =	vld [tilespmem:s1+$0x0];
	_ =	sdelay $0x5  }
0x118: {  	v1 =	vld [tilespmem:s1+$0x10];
	_ =	sdelay $0x1  }
0x119: {  	v0 =	vld.idx.msk [tilespmem:v0+s29+$0x0], $0xffff;
	_ =	sdelay $0x4  }
0x11a: {  	[tilespmem:s1+$0x1C700] =	vst v0;
	v0 =	vld [tilespmem:s1+$0x20]  }
0x11b: {  	v1 =	vld.idx.msk [tilespmem:v1+s29+$0x0], $0xffff;
	_ =	sdelay $0x4  }
0x11c: {  	[tilespmem:s1+$0x1C710] =	vst v1;
	v1 =	vld [tilespmem:s1+$0x30];
	_ =	sdelay $0x1  }
0x11d: {  	v0 =	vld.idx.msk [tilespmem:v0+s29+$0x0], $0xffff;
	_ =	sdelay $0x4  }
0x11e: {  	[tilespmem:s1+$0x1C720] =	vst v0;
	v0 =	vld [tilespmem:s1+$0x40]  }
0x11f: {  	v1 =	vld.idx.msk [tilespmem:v1+s29+$0x0], $0xffff;
	_ =	sdelay $0x4  }
0x120: {  	[tilespmem:s1+$0x1C730] =	vst v1;
	v1 =	vld [tilespmem:s1+$0x50];
	_ =	sdelay $0x1  }
0x121: {  	v0 =	vld.idx.msk [tilespmem:v0+s29+$0x0], $0xffff;
	_ =	sdelay $0x4  }
0x122: {  	v2 =	vld [tilespmem:s1+$0x60];
	[tilespmem:s1+$0x1C740] =	vst v0  }
0x123: {  	v0 =	vld.idx.msk [tilespmem:v1+s29+$0x0], $0xffff;
	_ =	sdelay $0x4  }
0x124: {  	[tilespmem:s1+$0x1C750] =	vst v0;
	v0 =	vld [tilespmem:s1+$0x70];
	_ =	sdelay $0x1  }
0x125: {  	v1 =	vld.idx.msk [tilespmem:v2+s29+$0x0], $0xffff;
	_ =	sdelay $0x3  }
0x126: {  	s3 =	simm.s32 $0x400;
	s4 =	simm.s32 $0x80  }
.LBB2_10:
0x127: {  	p0 =	sne.s32 s3, $0x3E00;
	v2 =	vld [tilespmem:s4+$0x0];
	[tilespmem:s1+$0x1C760] =	vst v1  }
0x128: {  	v0 =	vld.idx.msk [tilespmem:v0+s29+$0x0], $0xffff;
	_ =	sdelay $0x5  }
0x129: {  	v1 =	vld [tilespmem:s4+$0x10];
	[tilespmem:s1+$0x1C770] =	vst v0;
	s1 =	smov.u32 s4  }
0x12a: {  	v0 =	vld.idx.msk [tilespmem:v2+s29+$0x0], $0xffff;
	_ =	sdelay $0x5  }
0x12b: {  	[tilespmem:s1+$0x1C700] =	vst v0;
	v0 =	vld [tilespmem:s1+$0x20]  }
0x12c: {  	v1 =	vld.idx.msk [tilespmem:v1+s29+$0x0], $0xffff;
	_ =	sdelay $0x5  }
0x12d: {  	[tilespmem:s1+$0x1C710] =	vst v1;
	v1 =	vld [tilespmem:s1+$0x30]  }
0x12e: {  	v0 =	vld.idx.msk [tilespmem:v0+s29+$0x0], $0xffff;
	_ =	sdelay $0x5  }
0x12f: {  	[tilespmem:s1+$0x1C720] =	vst v0;
	v0 =	vld [tilespmem:s1+$0x40]  }
0x130: {  	v1 =	vld.idx.msk [tilespmem:v1+s29+$0x0], $0xffff;
	_ =	sdelay $0x5  }
0x131: {  	[tilespmem:s1+$0x1C730] =	vst v1;
	v1 =	vld [tilespmem:s1+$0x50]  }
0x132: {  	v0 =	vld.idx.msk [tilespmem:v0+s29+$0x0], $0xffff;
	_ =	sdelay $0x5  }
0x133: {  	[tilespmem:s1+$0x1C740] =	vst v0;
	v2 =	vld [tilespmem:s1+$0x60]  }
0x134: {  	v0 =	vld.idx.msk [tilespmem:v1+s29+$0x0], $0xffff;
	_ =	sdelay $0x5  }
0x135: {  	[tilespmem:s1+$0x1C750] =	vst v0;
	v0 =	vld [tilespmem:s1+$0x70]  }
0x136: {  	v1 =	vld.idx.msk [tilespmem:v2+s29+$0x0], $0xffff  }
.Ltmp4:
0x137: {  	(pc) =	sbr.rel @p0 .LBB2_10-.Ltmp4, $2  }
0x138: {  	_ =	sdelay $0x2  }
0x139: {  	s4 =	sshra.s32 s3, $0x2;
	s3 =	sadd.s32 $0x200, s3  }
0x13a: {  	_ =	sdelay $0x1  }
0x13b: {  	v2 =	vld [tilespmem:s4+$0x0]  }
0x13c: {  	[tilespmem:s1+$0x1C760] =	vst v1  }
0x13d: {  	v0 =	vld.idx.msk [tilespmem:v0+s29+$0x0], $0xffff;
	_ =	sdelay $0x3  }
0x13e: {  	v1 =	vld [tilespmem:s4+$0x10]  }
0x13f: {  	[tilespmem:s1+$0x1C770] =	vst v0  }
0x140: {  	v0 =	vld.idx.msk [tilespmem:v2+s29+$0x0], $0xffff;
	_ =	sdelay $0x4  }
0x141: {  	[tilespmem:s4+$0x1C700] =	vst v0;
	v0 =	vld [tilespmem:s4+$0x20]  }
0x142: {  	v1 =	vld.idx.msk [tilespmem:v1+s29+$0x0], $0xffff;
	_ =	sdelay $0x4  }
0x143: {  	[tilespmem:s4+$0x1C710] =	vst v1;
	v1 =	vld [tilespmem:s4+$0x30];
	_ =	sdelay $0x1  }
0x144: {  	v0 =	vld.idx.msk [tilespmem:v0+s29+$0x0], $0xffff;
	_ =	sdelay $0x4  }
0x145: {  	[tilespmem:s4+$0x1C720] =	vst v0;
	v0 =	vld [tilespmem:s4+$0x40]  }
0x146: {  	v1 =	vld.idx.msk [tilespmem:v1+s29+$0x0], $0xffff;
	_ =	sdelay $0x4  }
0x147: {  	[tilespmem:s4+$0x1C730] =	vst v1;
	v1 =	vld [tilespmem:s4+$0x50];
	_ =	sdelay $0x1  }
0x148: {  	v0 =	vld.idx.msk [tilespmem:v0+s29+$0x0], $0xffff;
	_ =	sdelay $0x4  }
0x149: {  	[tilespmem:s4+$0x1C740] =	vst v0;
	v0 =	vld [tilespmem:s4+$0x60]  }
0x14a: {  	v1 =	vld.idx.msk [tilespmem:v1+s29+$0x0], $0xffff;
	_ =	sdelay $0x4  }
0x14b: {  	[tilespmem:s4+$0x1C750] =	vst v1;
	v1 =	vld [tilespmem:s4+$0x70];
	_ =	sdelay $0x1  }
0x14c: {  	v0 =	vld.idx.msk [tilespmem:v0+s29+$0x0], $0xffff;
	_ =	sdelay $0x4  }
0x14d: {  	[tilespmem:s4+$0x1C760] =	vst v0  }
0x14e: {  	v0 =	vld.idx.msk [tilespmem:v1+s29+$0x0], $0xffff;
	_ =	sdelay $0x4  }
0x14f: {  	[tilespmem:s4+$0x1C770] =	vst v0  }
0x150: {  	[hbm4b:s10+s26] =	stream.strided.scatter [tilespmem:s30], [sflag:$0x1], $0x1000, s28, s26, $0x38;
	[tilespmem:$0x1E700] =	vst v63  }
0x151: {  	_ =	swait.ge [sflag:s0], $0x1000  }
0x152: {  	[sflag:s0] =	ssyncset.done $0x0  }
0x153: {  	s1 =	simm.s32 $0x0;
	[sflag:s0] =	ssyncadd.s32 $0xFFFFF000  }
0x154: {  	v0 =	vld [tilespmem:s1+$0x1000];
	_ =	sdelay $0x5  }
0x155: {  	v1 =	vld [tilespmem:s1+$0x1010];
	_ =	sdelay $0x1  }
0x156: {  	v0 =	vld.idx.msk [tilespmem:v0+s29+$0x0], $0xffff;
	_ =	sdelay $0x4  }
0x157: {  	[tilespmem:s1+$0x1D700] =	vst v0;
	v0 =	vld [tilespmem:s1+$0x1020]  }
0x158: {  	v1 =	vld.idx.msk [tilespmem:v1+s29+$0x0], $0xffff;
	_ =	sdelay $0x4  }
0x159: {  	[tilespmem:s1+$0x1D710] =	vst v1;
	v1 =	vld [tilespmem:s1+$0x1030];
	_ =	sdelay $0x1  }
0x15a: {  	v0 =	vld.idx.msk [tilespmem:v0+s29+$0x0], $0xffff;
	_ =	sdelay $0x4  }
0x15b: {  	[tilespmem:s1+$0x1D720] =	vst v0;
	v0 =	vld [tilespmem:s1+$0x1040]  }
0x15c: {  	v1 =	vld.idx.msk [tilespmem:v1+s29+$0x0], $0xffff;
	_ =	sdelay $0x4  }
0x15d: {  	[tilespmem:s1+$0x1D730] =	vst v1;
	v1 =	vld [tilespmem:s1+$0x1050];
	_ =	sdelay $0x1  }
0x15e: {  	v0 =	vld.idx.msk [tilespmem:v0+s29+$0x0], $0xffff;
	_ =	sdelay $0x4  }
0x15f: {  	v2 =	vld [tilespmem:s1+$0x1060];
	[tilespmem:s1+$0x1D740] =	vst v0  }
0x160: {  	v0 =	vld.idx.msk [tilespmem:v1+s29+$0x0], $0xffff;
	_ =	sdelay $0x4  }
0x161: {  	[tilespmem:s1+$0x1D750] =	vst v0;
	v0 =	vld [tilespmem:s1+$0x1070];
	_ =	sdelay $0x1  }
0x162: {  	v1 =	vld.idx.msk [tilespmem:v2+s29+$0x0], $0xffff;
	_ =	sdelay $0x3  }
0x163: {  	s3 =	simm.s32 $0x400;
	s4 =	simm.s32 $0x80  }
.LBB2_12:
0x164: {  	p0 =	sne.s32 s3, $0x3E00;
	v2 =	vld [tilespmem:s4+$0x1000];
	[tilespmem:s1+$0x1D760] =	vst v1  }
0x165: {  	v0 =	vld.idx.msk [tilespmem:v0+s29+$0x0], $0xffff;
	_ =	sdelay $0x5  }
0x166: {  	v1 =	vld [tilespmem:s4+$0x1010];
	[tilespmem:s1+$0x1D770] =	vst v0;
	s1 =	smov.u32 s4  }
0x167: {  	v0 =	vld.idx.msk [tilespmem:v2+s29+$0x0], $0xffff;
	_ =	sdelay $0x5  }
0x168: {  	[tilespmem:s1+$0x1D700] =	vst v0;
	v0 =	vld [tilespmem:s1+$0x1020]  }
0x169: {  	v1 =	vld.idx.msk [tilespmem:v1+s29+$0x0], $0xffff;
	_ =	sdelay $0x5  }
0x16a: {  	[tilespmem:s1+$0x1D710] =	vst v1;
	v1 =	vld [tilespmem:s1+$0x1030]  }
0x16b: {  	v0 =	vld.idx.msk [tilespmem:v0+s29+$0x0], $0xffff;
	_ =	sdelay $0x5  }
0x16c: {  	[tilespmem:s1+$0x1D720] =	vst v0;
	v0 =	vld [tilespmem:s1+$0x1040]  }
0x16d: {  	v1 =	vld.idx.msk [tilespmem:v1+s29+$0x0], $0xffff;
	_ =	sdelay $0x5  }
0x16e: {  	[tilespmem:s1+$0x1D730] =	vst v1;
	v1 =	vld [tilespmem:s1+$0x1050]  }
0x16f: {  	v0 =	vld.idx.msk [tilespmem:v0+s29+$0x0], $0xffff;
	_ =	sdelay $0x5  }
0x170: {  	[tilespmem:s1+$0x1D740] =	vst v0;
	v2 =	vld [tilespmem:s1+$0x1060]  }
0x171: {  	v0 =	vld.idx.msk [tilespmem:v1+s29+$0x0], $0xffff;
	_ =	sdelay $0x5  }
0x172: {  	[tilespmem:s1+$0x1D750] =	vst v0;
	v0 =	vld [tilespmem:s1+$0x1070]  }
0x173: {  	v1 =	vld.idx.msk [tilespmem:v2+s29+$0x0], $0xffff  }
.Ltmp5:
0x174: {  	(pc) =	sbr.rel @p0 .LBB2_12-.Ltmp5, $2  }
0x175: {  	_ =	sdelay $0x2  }
0x176: {  	s4 =	sshra.s32 s3, $0x2;
	s3 =	sadd.s32 $0x200, s3  }
0x177: {  	_ =	sdelay $0x1  }
0x178: {  	v2 =	vld [tilespmem:s4+$0x1000]  }
0x179: {  	[tilespmem:s1+$0x1D760] =	vst v1  }
0x17a: {  	v0 =	vld.idx.msk [tilespmem:v0+s29+$0x0], $0xffff;
	_ =	sdelay $0x3  }
0x17b: {  	v1 =	vld [tilespmem:s4+$0x1010]  }
0x17c: {  	[tilespmem:s1+$0x1D770] =	vst v0  }
0x17d: {  	v0 =	vld.idx.msk [tilespmem:v2+s29+$0x0], $0xffff;
	_ =	sdelay $0x4  }
0x17e: {  	[tilespmem:s4+$0x1D700] =	vst v0;
	v0 =	vld [tilespmem:s4+$0x1020]  }
0x17f: {  	v1 =	vld.idx.msk [tilespmem:v1+s29+$0x0], $0xffff;
	_ =	sdelay $0x4  }
0x180: {  	[tilespmem:s4+$0x1D710] =	vst v1;
	v1 =	vld [tilespmem:s4+$0x1030];
	_ =	sdelay $0x1  }
0x181: {  	v0 =	vld.idx.msk [tilespmem:v0+s29+$0x0], $0xffff;
	_ =	sdelay $0x4  }
0x182: {  	[tilespmem:s4+$0x1D720] =	vst v0;
	v0 =	vld [tilespmem:s4+$0x1040]  }
0x183: {  	v1 =	vld.idx.msk [tilespmem:v1+s29+$0x0], $0xffff;
	_ =	sdelay $0x4  }
0x184: {  	[tilespmem:s4+$0x1D730] =	vst v1;
	v1 =	vld [tilespmem:s4+$0x1050];
	_ =	sdelay $0x1  }
0x185: {  	v0 =	vld.idx.msk [tilespmem:v0+s29+$0x0], $0xffff;
	_ =	sdelay $0x4  }
0x186: {  	[tilespmem:s4+$0x1D740] =	vst v0;
	v0 =	vld [tilespmem:s4+$0x1060]  }
0x187: {  	v1 =	vld.idx.msk [tilespmem:v1+s29+$0x0], $0xffff;
	_ =	sdelay $0x4  }
0x188: {  	[tilespmem:s4+$0x1D750] =	vst v1;
	v1 =	vld [tilespmem:s4+$0x1070];
	_ =	sdelay $0x1  }
0x189: {  	v0 =	vld.idx.msk [tilespmem:v0+s29+$0x0], $0xffff;
	_ =	sdelay $0x4  }
0x18a: {  	[tilespmem:s4+$0x1D760] =	vst v0  }
0x18b: {  	v0 =	vld.idx.msk [tilespmem:v1+s29+$0x0], $0xffff;
	_ =	sdelay $0x4  }
0x18c: {  	[tilespmem:s4+$0x1D770] =	vst v0  }
0x18d: {  	[hbm4b:s11+s26] =	stream.strided.scatter [tilespmem:s31], [sflag:$0x1], $0x1000, s28, s26, $0x38;
	[tilespmem:$0x1E700] =	vst v63  }
0x18e: {  	_ =	swait.ge [sflag:s0], $0x1000  }
0x18f: {  	[sflag:s0] =	ssyncset.done $0x0  }
0x190: {  	s1 =	simm.s32 $0x0;
	[sflag:s0] =	ssyncadd.s32 $0xFFFFF000  }
0x191: {  	v0 =	vld [tilespmem:s1+$0x2000];
	_ =	sdelay $0x5  }
0x192: {  	v1 =	vld [tilespmem:s1+$0x2010];
	_ =	sdelay $0x1  }
0x193: {  	v0 =	vld.idx.msk [tilespmem:v0+s29+$0x0], $0xffff;
	_ =	sdelay $0x4  }
0x194: {  	[tilespmem:s1+$0x1C700] =	vst v0;
	v0 =	vld [tilespmem:s1+$0x2020]  }
0x195: {  	v1 =	vld.idx.msk [tilespmem:v1+s29+$0x0], $0xffff;
	_ =	sdelay $0x4  }
0x196: {  	[tilespmem:s1+$0x1C710] =	vst v1;
	v1 =	vld [tilespmem:s1+$0x2030];
	_ =	sdelay $0x1  }
0x197: {  	v0 =	vld.idx.msk [tilespmem:v0+s29+$0x0], $0xffff;
	_ =	sdelay $0x4  }
0x198: {  	[tilespmem:s1+$0x1C720] =	vst v0;
	v0 =	vld [tilespmem:s1+$0x2040]  }
0x199: {  	v1 =	vld.idx.msk [tilespmem:v1+s29+$0x0], $0xffff;
	_ =	sdelay $0x4  }
0x19a: {  	[tilespmem:s1+$0x1C730] =	vst v1;
	v1 =	vld [tilespmem:s1+$0x2050];
	_ =	sdelay $0x1  }
0x19b: {  	v0 =	vld.idx.msk [tilespmem:v0+s29+$0x0], $0xffff;
	_ =	sdelay $0x4  }
0x19c: {  	v2 =	vld [tilespmem:s1+$0x2060];
	[tilespmem:s1+$0x1C740] =	vst v0  }
0x19d: {  	v0 =	vld.idx.msk [tilespmem:v1+s29+$0x0], $0xffff;
	_ =	sdelay $0x4  }
0x19e: {  	[tilespmem:s1+$0x1C750] =	vst v0;
	v0 =	vld [tilespmem:s1+$0x2070];
	_ =	sdelay $0x1  }
0x19f: {  	v1 =	vld.idx.msk [tilespmem:v2+s29+$0x0], $0xffff;
	_ =	sdelay $0x3  }
0x1a0: {  	s3 =	simm.s32 $0x400;
	s4 =	simm.s32 $0x80  }
.LBB2_14:
0x1a1: {  	p0 =	sne.s32 s3, $0x3E00;
	v2 =	vld [tilespmem:s4+$0x2000];
	[tilespmem:s1+$0x1C760] =	vst v1  }
0x1a2: {  	v0 =	vld.idx.msk [tilespmem:v0+s29+$0x0], $0xffff;
	_ =	sdelay $0x5  }
0x1a3: {  	v1 =	vld [tilespmem:s4+$0x2010];
	[tilespmem:s1+$0x1C770] =	vst v0;
	s1 =	smov.u32 s4  }
0x1a4: {  	v0 =	vld.idx.msk [tilespmem:v2+s29+$0x0], $0xffff;
	_ =	sdelay $0x5  }
0x1a5: {  	[tilespmem:s1+$0x1C700] =	vst v0;
	v0 =	vld [tilespmem:s1+$0x2020]  }
0x1a6: {  	v1 =	vld.idx.msk [tilespmem:v1+s29+$0x0], $0xffff;
	_ =	sdelay $0x5  }
0x1a7: {  	[tilespmem:s1+$0x1C710] =	vst v1;
	v1 =	vld [tilespmem:s1+$0x2030]  }
0x1a8: {  	v0 =	vld.idx.msk [tilespmem:v0+s29+$0x0], $0xffff;
	_ =	sdelay $0x5  }
0x1a9: {  	[tilespmem:s1+$0x1C720] =	vst v0;
	v0 =	vld [tilespmem:s1+$0x2040]  }
0x1aa: {  	v1 =	vld.idx.msk [tilespmem:v1+s29+$0x0], $0xffff;
	_ =	sdelay $0x5  }
0x1ab: {  	[tilespmem:s1+$0x1C730] =	vst v1;
	v1 =	vld [tilespmem:s1+$0x2050]  }
0x1ac: {  	v0 =	vld.idx.msk [tilespmem:v0+s29+$0x0], $0xffff;
	_ =	sdelay $0x5  }
0x1ad: {  	[tilespmem:s1+$0x1C740] =	vst v0;
	v2 =	vld [tilespmem:s1+$0x2060]  }
0x1ae: {  	v0 =	vld.idx.msk [tilespmem:v1+s29+$0x0], $0xffff;
	_ =	sdelay $0x5  }
0x1af: {  	[tilespmem:s1+$0x1C750] =	vst v0;
	v0 =	vld [tilespmem:s1+$0x2070]  }
0x1b0: {  	v1 =	vld.idx.msk [tilespmem:v2+s29+$0x0], $0xffff  }
.Ltmp6:
0x1b1: {  	(pc) =	sbr.rel @p0 .LBB2_14-.Ltmp6, $2  }
0x1b2: {  	_ =	sdelay $0x2  }
0x1b3: {  	s4 =	sshra.s32 s3, $0x2;
	s3 =	sadd.s32 $0x200, s3  }
0x1b4: {  	_ =	sdelay $0x1  }
0x1b5: {  	v2 =	vld [tilespmem:s4+$0x2000]  }
0x1b6: {  	[tilespmem:s1+$0x1C760] =	vst v1  }
0x1b7: {  	v0 =	vld.idx.msk [tilespmem:v0+s29+$0x0], $0xffff;
	_ =	sdelay $0x3  }
0x1b8: {  	v1 =	vld [tilespmem:s4+$0x2010]  }
0x1b9: {  	[tilespmem:s1+$0x1C770] =	vst v0  }
0x1ba: {  	v0 =	vld.idx.msk [tilespmem:v2+s29+$0x0], $0xffff;
	_ =	sdelay $0x4  }
0x1bb: {  	[tilespmem:s4+$0x1C700] =	vst v0;
	v0 =	vld [tilespmem:s4+$0x2020]  }
0x1bc: {  	v1 =	vld.idx.msk [tilespmem:v1+s29+$0x0], $0xffff;
	_ =	sdelay $0x4  }
0x1bd: {  	[tilespmem:s4+$0x1C710] =	vst v1;
	v1 =	vld [tilespmem:s4+$0x2030];
	_ =	sdelay $0x1  }
0x1be: {  	v0 =	vld.idx.msk [tilespmem:v0+s29+$0x0], $0xffff;
	_ =	sdelay $0x4  }
0x1bf: {  	[tilespmem:s4+$0x1C720] =	vst v0;
	v0 =	vld [tilespmem:s4+$0x2040]  }
0x1c0: {  	v1 =	vld.idx.msk [tilespmem:v1+s29+$0x0], $0xffff;
	_ =	sdelay $0x4  }
0x1c1: {  	[tilespmem:s4+$0x1C730] =	vst v1;
	v1 =	vld [tilespmem:s4+$0x2050];
	_ =	sdelay $0x1  }
0x1c2: {  	v0 =	vld.idx.msk [tilespmem:v0+s29+$0x0], $0xffff;
	_ =	sdelay $0x4  }
0x1c3: {  	[tilespmem:s4+$0x1C740] =	vst v0;
	v0 =	vld [tilespmem:s4+$0x2060]  }
0x1c4: {  	v1 =	vld.idx.msk [tilespmem:v1+s29+$0x0], $0xffff;
	_ =	sdelay $0x4  }
0x1c5: {  	[tilespmem:s4+$0x1C750] =	vst v1;
	v1 =	vld [tilespmem:s4+$0x2070];
	_ =	sdelay $0x1  }
0x1c6: {  	v0 =	vld.idx.msk [tilespmem:v0+s29+$0x0], $0xffff;
	_ =	sdelay $0x4  }
0x1c7: {  	[tilespmem:s4+$0x1C760] =	vst v0  }
0x1c8: {  	v0 =	vld.idx.msk [tilespmem:v1+s29+$0x0], $0xffff;
	_ =	sdelay $0x4  }
0x1c9: {  	[tilespmem:s4+$0x1C770] =	vst v0  }
0x1ca: {  	[hbm4b:s12+s26] =	stream.strided.scatter [tilespmem:s30], [sflag:$0x1], $0x1000, s28, s26, $0x38;
	[tilespmem:$0x1E700] =	vst v63  }
0x1cb: {  	_ =	swait.ge [sflag:s0], $0x1000  }
0x1cc: {  	[sflag:s0] =	ssyncset.done $0x0  }
0x1cd: {  	s1 =	simm.s32 $0x0;
	[sflag:s0] =	ssyncadd.s32 $0xFFFFF000  }
0x1ce: {  	v0 =	vld [tilespmem:s1+$0x3000];
	_ =	sdelay $0x5  }
0x1cf: {  	v1 =	vld [tilespmem:s1+$0x3010];
	_ =	sdelay $0x1  }
0x1d0: {  	v0 =	vld.idx.msk [tilespmem:v0+s29+$0x0], $0xffff;
	_ =	sdelay $0x4  }
0x1d1: {  	[tilespmem:s1+$0x1D700] =	vst v0;
	v0 =	vld [tilespmem:s1+$0x3020]  }
0x1d2: {  	v1 =	vld.idx.msk [tilespmem:v1+s29+$0x0], $0xffff;
	_ =	sdelay $0x4  }
0x1d3: {  	[tilespmem:s1+$0x1D710] =	vst v1;
	v1 =	vld [tilespmem:s1+$0x3030];
	_ =	sdelay $0x1  }
0x1d4: {  	v0 =	vld.idx.msk [tilespmem:v0+s29+$0x0], $0xffff;
	_ =	sdelay $0x4  }
0x1d5: {  	[tilespmem:s1+$0x1D720] =	vst v0;
	v0 =	vld [tilespmem:s1+$0x3040]  }
0x1d6: {  	v1 =	vld.idx.msk [tilespmem:v1+s29+$0x0], $0xffff;
	_ =	sdelay $0x4  }
0x1d7: {  	[tilespmem:s1+$0x1D730] =	vst v1;
	v1 =	vld [tilespmem:s1+$0x3050];
	_ =	sdelay $0x1  }
0x1d8: {  	v0 =	vld.idx.msk [tilespmem:v0+s29+$0x0], $0xffff;
	_ =	sdelay $0x4  }
0x1d9: {  	v2 =	vld [tilespmem:s1+$0x3060];
	[tilespmem:s1+$0x1D740] =	vst v0  }
0x1da: {  	v0 =	vld.idx.msk [tilespmem:v1+s29+$0x0], $0xffff;
	_ =	sdelay $0x4  }
0x1db: {  	[tilespmem:s1+$0x1D750] =	vst v0;
	v0 =	vld [tilespmem:s1+$0x3070];
	_ =	sdelay $0x1  }
0x1dc: {  	v1 =	vld.idx.msk [tilespmem:v2+s29+$0x0], $0xffff;
	_ =	sdelay $0x3  }
0x1dd: {  	s3 =	simm.s32 $0x400;
	s4 =	simm.s32 $0x80  }
.LBB2_16:
0x1de: {  	p0 =	sne.s32 s3, $0x3E00;
	v2 =	vld [tilespmem:s4+$0x3000];
	[tilespmem:s1+$0x1D760] =	vst v1  }
0x1df: {  	v0 =	vld.idx.msk [tilespmem:v0+s29+$0x0], $0xffff;
	_ =	sdelay $0x5  }
0x1e0: {  	v1 =	vld [tilespmem:s4+$0x3010];
	[tilespmem:s1+$0x1D770] =	vst v0;
	s1 =	smov.u32 s4  }
0x1e1: {  	v0 =	vld.idx.msk [tilespmem:v2+s29+$0x0], $0xffff;
	_ =	sdelay $0x5  }
0x1e2: {  	[tilespmem:s1+$0x1D700] =	vst v0;
	v0 =	vld [tilespmem:s1+$0x3020]  }
0x1e3: {  	v1 =	vld.idx.msk [tilespmem:v1+s29+$0x0], $0xffff;
	_ =	sdelay $0x5  }
0x1e4: {  	[tilespmem:s1+$0x1D710] =	vst v1;
	v1 =	vld [tilespmem:s1+$0x3030]  }
0x1e5: {  	v0 =	vld.idx.msk [tilespmem:v0+s29+$0x0], $0xffff;
	_ =	sdelay $0x5  }
0x1e6: {  	[tilespmem:s1+$0x1D720] =	vst v0;
	v0 =	vld [tilespmem:s1+$0x3040]  }
0x1e7: {  	v1 =	vld.idx.msk [tilespmem:v1+s29+$0x0], $0xffff;
	_ =	sdelay $0x5  }
0x1e8: {  	[tilespmem:s1+$0x1D730] =	vst v1;
	v1 =	vld [tilespmem:s1+$0x3050]  }
0x1e9: {  	v0 =	vld.idx.msk [tilespmem:v0+s29+$0x0], $0xffff;
	_ =	sdelay $0x5  }
0x1ea: {  	[tilespmem:s1+$0x1D740] =	vst v0;
	v2 =	vld [tilespmem:s1+$0x3060]  }
0x1eb: {  	v0 =	vld.idx.msk [tilespmem:v1+s29+$0x0], $0xffff;
	_ =	sdelay $0x5  }
0x1ec: {  	[tilespmem:s1+$0x1D750] =	vst v0;
	v0 =	vld [tilespmem:s1+$0x3070]  }
0x1ed: {  	v1 =	vld.idx.msk [tilespmem:v2+s29+$0x0], $0xffff  }
.Ltmp7:
0x1ee: {  	(pc) =	sbr.rel @p0 .LBB2_16-.Ltmp7, $2  }
0x1ef: {  	_ =	sdelay $0x2  }
0x1f0: {  	s4 =	sshra.s32 s3, $0x2;
	s3 =	sadd.s32 $0x200, s3  }
0x1f1: {  	_ =	sdelay $0x1  }
0x1f2: {  	v2 =	vld [tilespmem:s4+$0x3000]  }
0x1f3: {  	[tilespmem:s1+$0x1D760] =	vst v1  }
0x1f4: {  	v0 =	vld.idx.msk [tilespmem:v0+s29+$0x0], $0xffff;
	_ =	sdelay $0x3  }
0x1f5: {  	v1 =	vld [tilespmem:s4+$0x3010]  }
0x1f6: {  	[tilespmem:s1+$0x1D770] =	vst v0  }
0x1f7: {  	v0 =	vld.idx.msk [tilespmem:v2+s29+$0x0], $0xffff;
	_ =	sdelay $0x4  }
0x1f8: {  	[tilespmem:s4+$0x1D700] =	vst v0;
	v0 =	vld [tilespmem:s4+$0x3020]  }
0x1f9: {  	v1 =	vld.idx.msk [tilespmem:v1+s29+$0x0], $0xffff;
	_ =	sdelay $0x4  }
0x1fa: {  	[tilespmem:s4+$0x1D710] =	vst v1;
	v1 =	vld [tilespmem:s4+$0x3030];
	_ =	sdelay $0x1  }
0x1fb: {  	v0 =	vld.idx.msk [tilespmem:v0+s29+$0x0], $0xffff;
	_ =	sdelay $0x4  }
0x1fc: {  	[tilespmem:s4+$0x1D720] =	vst v0;
	v0 =	vld [tilespmem:s4+$0x3040]  }
0x1fd: {  	v1 =	vld.idx.msk [tilespmem:v1+s29+$0x0], $0xffff;
	_ =	sdelay $0x4  }
0x1fe: {  	[tilespmem:s4+$0x1D730] =	vst v1;
	v1 =	vld [tilespmem:s4+$0x3050];
	_ =	sdelay $0x1  }
0x1ff: {  	v0 =	vld.idx.msk [tilespmem:v0+s29+$0x0], $0xffff;
	_ =	sdelay $0x4  }
0x200: {  	[tilespmem:s4+$0x1D740] =	vst v0;
	v0 =	vld [tilespmem:s4+$0x3060]  }
0x201: {  	v1 =	vld.idx.msk [tilespmem:v1+s29+$0x0], $0xffff;
	_ =	sdelay $0x4  }
0x202: {  	[tilespmem:s4+$0x1D750] =	vst v1;
	v1 =	vld [tilespmem:s4+$0x3070];
	_ =	sdelay $0x1  }
0x203: {  	v0 =	vld.idx.msk [tilespmem:v0+s29+$0x0], $0xffff;
	_ =	sdelay $0x4  }
0x204: {  	[tilespmem:s4+$0x1D760] =	vst v0  }
0x205: {  	v0 =	vld.idx.msk [tilespmem:v1+s29+$0x0], $0xffff;
	_ =	sdelay $0x4  }
0x206: {  	[tilespmem:s4+$0x1D770] =	vst v0  }
0x207: {  	[hbm4b:s13+s26] =	stream.strided.scatter [tilespmem:s31], [sflag:$0x1], $0x1000, s28, s26, $0x38;
	[tilespmem:$0x1E700] =	vst v63  }
0x208: {  	_ = 	snop  }
0x209: {  	[tilespmem:s29], [sflag:$0x2] =	stream.strided.gather [hbm4b:s14+s26], $0x18700, s28, s26, $0x38;
	[tilespmem:$0x1E700] =	vst v63  }
0x20a: {  	_ =	swait.ge [sflag:s25], $0x18700  }
0x20b: {  	[sflag:s25] =	ssyncset.done $0x0  }
0x20c: {  	[sflag:s25] =	ssyncadd.s32 $0xFFFE7900  }
0x20d: {  	_ =	swait.ge [sflag:s0], $0x1000  }
0x20e: {  	[sflag:s0] =	ssyncset.done $0x0  }
0x20f: {  	s1 =	simm.s32 $0x0;
	[sflag:s0] =	ssyncadd.s32 $0xFFFFF000  }
0x210: {  	v0 =	vld [tilespmem:s1+$0x0];
	_ =	sdelay $0x5  }
0x211: {  	v1 =	vld [tilespmem:s1+$0x10];
	_ =	sdelay $0x1  }
0x212: {  	v0 =	vld.idx.msk [tilespmem:v0+s29+$0x0], $0xffff;
	_ =	sdelay $0x4  }
0x213: {  	[tilespmem:s1+$0x1C700] =	vst v0;
	v0 =	vld [tilespmem:s1+$0x20]  }
0x214: {  	v1 =	vld.idx.msk [tilespmem:v1+s29+$0x0], $0xffff;
	_ =	sdelay $0x4  }
0x215: {  	[tilespmem:s1+$0x1C710] =	vst v1;
	v1 =	vld [tilespmem:s1+$0x30];
	_ =	sdelay $0x1  }
0x216: {  	v0 =	vld.idx.msk [tilespmem:v0+s29+$0x0], $0xffff;
	_ =	sdelay $0x4  }
0x217: {  	[tilespmem:s1+$0x1C720] =	vst v0;
	v0 =	vld [tilespmem:s1+$0x40]  }
0x218: {  	v1 =	vld.idx.msk [tilespmem:v1+s29+$0x0], $0xffff;
	_ =	sdelay $0x4  }
0x219: {  	[tilespmem:s1+$0x1C730] =	vst v1;
	v1 =	vld [tilespmem:s1+$0x50];
	_ =	sdelay $0x1  }
0x21a: {  	v0 =	vld.idx.msk [tilespmem:v0+s29+$0x0], $0xffff;
	_ =	sdelay $0x4  }
0x21b: {  	v2 =	vld [tilespmem:s1+$0x60];
	[tilespmem:s1+$0x1C740] =	vst v0  }
0x21c: {  	v0 =	vld.idx.msk [tilespmem:v1+s29+$0x0], $0xffff;
	_ =	sdelay $0x4  }
0x21d: {  	[tilespmem:s1+$0x1C750] =	vst v0;
	v0 =	vld [tilespmem:s1+$0x70];
	_ =	sdelay $0x1  }
0x21e: {  	v1 =	vld.idx.msk [tilespmem:v2+s29+$0x0], $0xffff;
	_ =	sdelay $0x3  }
0x21f: {  	s3 =	simm.s32 $0x400;
	s4 =	simm.s32 $0x80  }
.LBB2_18:
0x220: {  	p0 =	sne.s32 s3, $0x3E00;
	v2 =	vld [tilespmem:s4+$0x0];
	[tilespmem:s1+$0x1C760] =	vst v1  }
0x221: {  	v0 =	vld.idx.msk [tilespmem:v0+s29+$0x0], $0xffff;
	_ =	sdelay $0x5  }
0x222: {  	v1 =	vld [tilespmem:s4+$0x10];
	[tilespmem:s1+$0x1C770] =	vst v0;
	s1 =	smov.u32 s4  }
0x223: {  	v0 =	vld.idx.msk [tilespmem:v2+s29+$0x0], $0xffff;
	_ =	sdelay $0x5  }
0x224: {  	[tilespmem:s1+$0x1C700] =	vst v0;
	v0 =	vld [tilespmem:s1+$0x20]  }
0x225: {  	v1 =	vld.idx.msk [tilespmem:v1+s29+$0x0], $0xffff;
	_ =	sdelay $0x5  }
0x226: {  	[tilespmem:s1+$0x1C710] =	vst v1;
	v1 =	vld [tilespmem:s1+$0x30]  }
0x227: {  	v0 =	vld.idx.msk [tilespmem:v0+s29+$0x0], $0xffff;
	_ =	sdelay $0x5  }
0x228: {  	[tilespmem:s1+$0x1C720] =	vst v0;
	v0 =	vld [tilespmem:s1+$0x40]  }
0x229: {  	v1 =	vld.idx.msk [tilespmem:v1+s29+$0x0], $0xffff;
	_ =	sdelay $0x5  }
0x22a: {  	[tilespmem:s1+$0x1C730] =	vst v1;
	v1 =	vld [tilespmem:s1+$0x50]  }
0x22b: {  	v0 =	vld.idx.msk [tilespmem:v0+s29+$0x0], $0xffff;
	_ =	sdelay $0x5  }
0x22c: {  	[tilespmem:s1+$0x1C740] =	vst v0;
	v2 =	vld [tilespmem:s1+$0x60]  }
0x22d: {  	v0 =	vld.idx.msk [tilespmem:v1+s29+$0x0], $0xffff;
	_ =	sdelay $0x5  }
0x22e: {  	[tilespmem:s1+$0x1C750] =	vst v0;
	v0 =	vld [tilespmem:s1+$0x70]  }
0x22f: {  	v1 =	vld.idx.msk [tilespmem:v2+s29+$0x0], $0xffff  }
.Ltmp8:
0x230: {  	(pc) =	sbr.rel @p0 .LBB2_18-.Ltmp8, $2  }
0x231: {  	_ =	sdelay $0x2  }
0x232: {  	s4 =	sshra.s32 s3, $0x2;
	s3 =	sadd.s32 $0x200, s3  }
0x233: {  	_ =	sdelay $0x1  }
0x234: {  	v2 =	vld [tilespmem:s4+$0x0]  }
0x235: {  	[tilespmem:s1+$0x1C760] =	vst v1  }
0x236: {  	v0 =	vld.idx.msk [tilespmem:v0+s29+$0x0], $0xffff;
	_ =	sdelay $0x3  }
0x237: {  	v1 =	vld [tilespmem:s4+$0x10]  }
0x238: {  	[tilespmem:s1+$0x1C770] =	vst v0  }
0x239: {  	v0 =	vld.idx.msk [tilespmem:v2+s29+$0x0], $0xffff;
	_ =	sdelay $0x4  }
0x23a: {  	[tilespmem:s4+$0x1C700] =	vst v0;
	v0 =	vld [tilespmem:s4+$0x20]  }
0x23b: {  	v1 =	vld.idx.msk [tilespmem:v1+s29+$0x0], $0xffff;
	_ =	sdelay $0x4  }
0x23c: {  	[tilespmem:s4+$0x1C710] =	vst v1;
	v1 =	vld [tilespmem:s4+$0x30];
	_ =	sdelay $0x1  }
0x23d: {  	v0 =	vld.idx.msk [tilespmem:v0+s29+$0x0], $0xffff;
	_ =	sdelay $0x4  }
0x23e: {  	[tilespmem:s4+$0x1C720] =	vst v0;
	v0 =	vld [tilespmem:s4+$0x40]  }
0x23f: {  	v1 =	vld.idx.msk [tilespmem:v1+s29+$0x0], $0xffff;
	_ =	sdelay $0x4  }
0x240: {  	[tilespmem:s4+$0x1C730] =	vst v1;
	v1 =	vld [tilespmem:s4+$0x50];
	_ =	sdelay $0x1  }
0x241: {  	v0 =	vld.idx.msk [tilespmem:v0+s29+$0x0], $0xffff;
	_ =	sdelay $0x4  }
0x242: {  	[tilespmem:s4+$0x1C740] =	vst v0;
	v0 =	vld [tilespmem:s4+$0x60]  }
0x243: {  	v1 =	vld.idx.msk [tilespmem:v1+s29+$0x0], $0xffff;
	_ =	sdelay $0x4  }
0x244: {  	[tilespmem:s4+$0x1C750] =	vst v1;
	v1 =	vld [tilespmem:s4+$0x70];
	_ =	sdelay $0x1  }
0x245: {  	v0 =	vld.idx.msk [tilespmem:v0+s29+$0x0], $0xffff;
	_ =	sdelay $0x4  }
0x246: {  	[tilespmem:s4+$0x1C760] =	vst v0  }
0x247: {  	v0 =	vld.idx.msk [tilespmem:v1+s29+$0x0], $0xffff;
	_ =	sdelay $0x4  }
0x248: {  	[tilespmem:s4+$0x1C770] =	vst v0  }
0x249: {  	[hbm4b:s15+s26] =	stream.strided.scatter [tilespmem:s30], [sflag:$0x1], $0x1000, s28, s26, $0x38;
	[tilespmem:$0x1E700] =	vst v63  }
0x24a: {  	_ =	swait.ge [sflag:s0], $0x1000  }
0x24b: {  	[sflag:s0] =	ssyncset.done $0x0  }
0x24c: {  	s1 =	simm.s32 $0x0;
	[sflag:s0] =	ssyncadd.s32 $0xFFFFF000  }
0x24d: {  	v0 =	vld [tilespmem:s1+$0x1000];
	_ =	sdelay $0x5  }
0x24e: {  	v1 =	vld [tilespmem:s1+$0x1010];
	_ =	sdelay $0x1  }
0x24f: {  	v0 =	vld.idx.msk [tilespmem:v0+s29+$0x0], $0xffff;
	_ =	sdelay $0x4  }
0x250: {  	[tilespmem:s1+$0x1D700] =	vst v0;
	v0 =	vld [tilespmem:s1+$0x1020]  }
0x251: {  	v1 =	vld.idx.msk [tilespmem:v1+s29+$0x0], $0xffff;
	_ =	sdelay $0x4  }
0x252: {  	[tilespmem:s1+$0x1D710] =	vst v1;
	v1 =	vld [tilespmem:s1+$0x1030];
	_ =	sdelay $0x1  }
0x253: {  	v0 =	vld.idx.msk [tilespmem:v0+s29+$0x0], $0xffff;
	_ =	sdelay $0x4  }
0x254: {  	[tilespmem:s1+$0x1D720] =	vst v0;
	v0 =	vld [tilespmem:s1+$0x1040]  }
0x255: {  	v1 =	vld.idx.msk [tilespmem:v1+s29+$0x0], $0xffff;
	_ =	sdelay $0x4  }
0x256: {  	[tilespmem:s1+$0x1D730] =	vst v1;
	v1 =	vld [tilespmem:s1+$0x1050];
	_ =	sdelay $0x1  }
0x257: {  	v0 =	vld.idx.msk [tilespmem:v0+s29+$0x0], $0xffff;
	_ =	sdelay $0x4  }
0x258: {  	v2 =	vld [tilespmem:s1+$0x1060];
	[tilespmem:s1+$0x1D740] =	vst v0  }
0x259: {  	v0 =	vld.idx.msk [tilespmem:v1+s29+$0x0], $0xffff;
	_ =	sdelay $0x4  }
0x25a: {  	[tilespmem:s1+$0x1D750] =	vst v0;
	v0 =	vld [tilespmem:s1+$0x1070];
	_ =	sdelay $0x1  }
0x25b: {  	v1 =	vld.idx.msk [tilespmem:v2+s29+$0x0], $0xffff;
	_ =	sdelay $0x3  }
0x25c: {  	s3 =	simm.s32 $0x400;
	s4 =	simm.s32 $0x80  }
.LBB2_20:
0x25d: {  	p0 =	sne.s32 s3, $0x3E00;
	v2 =	vld [tilespmem:s4+$0x1000];
	[tilespmem:s1+$0x1D760] =	vst v1  }
0x25e: {  	v0 =	vld.idx.msk [tilespmem:v0+s29+$0x0], $0xffff;
	_ =	sdelay $0x5  }
0x25f: {  	v1 =	vld [tilespmem:s4+$0x1010];
	[tilespmem:s1+$0x1D770] =	vst v0;
	s1 =	smov.u32 s4  }
0x260: {  	v0 =	vld.idx.msk [tilespmem:v2+s29+$0x0], $0xffff;
	_ =	sdelay $0x5  }
0x261: {  	[tilespmem:s1+$0x1D700] =	vst v0;
	v0 =	vld [tilespmem:s1+$0x1020]  }
0x262: {  	v1 =	vld.idx.msk [tilespmem:v1+s29+$0x0], $0xffff;
	_ =	sdelay $0x5  }
0x263: {  	[tilespmem:s1+$0x1D710] =	vst v1;
	v1 =	vld [tilespmem:s1+$0x1030]  }
0x264: {  	v0 =	vld.idx.msk [tilespmem:v0+s29+$0x0], $0xffff;
	_ =	sdelay $0x5  }
0x265: {  	[tilespmem:s1+$0x1D720] =	vst v0;
	v0 =	vld [tilespmem:s1+$0x1040]  }
0x266: {  	v1 =	vld.idx.msk [tilespmem:v1+s29+$0x0], $0xffff;
	_ =	sdelay $0x5  }
0x267: {  	[tilespmem:s1+$0x1D730] =	vst v1;
	v1 =	vld [tilespmem:s1+$0x1050]  }
0x268: {  	v0 =	vld.idx.msk [tilespmem:v0+s29+$0x0], $0xffff;
	_ =	sdelay $0x5  }
0x269: {  	[tilespmem:s1+$0x1D740] =	vst v0;
	v2 =	vld [tilespmem:s1+$0x1060]  }
0x26a: {  	v0 =	vld.idx.msk [tilespmem:v1+s29+$0x0], $0xffff;
	_ =	sdelay $0x5  }
0x26b: {  	[tilespmem:s1+$0x1D750] =	vst v0;
	v0 =	vld [tilespmem:s1+$0x1070]  }
0x26c: {  	v1 =	vld.idx.msk [tilespmem:v2+s29+$0x0], $0xffff  }
.Ltmp9:
0x26d: {  	(pc) =	sbr.rel @p0 .LBB2_20-.Ltmp9, $2  }
0x26e: {  	_ =	sdelay $0x2  }
0x26f: {  	s4 =	sshra.s32 s3, $0x2;
	s3 =	sadd.s32 $0x200, s3  }
0x270: {  	_ =	sdelay $0x1  }
0x271: {  	v2 =	vld [tilespmem:s4+$0x1000]  }
0x272: {  	[tilespmem:s1+$0x1D760] =	vst v1  }
0x273: {  	v0 =	vld.idx.msk [tilespmem:v0+s29+$0x0], $0xffff;
	_ =	sdelay $0x3  }
0x274: {  	v1 =	vld [tilespmem:s4+$0x1010]  }
0x275: {  	[tilespmem:s1+$0x1D770] =	vst v0  }
0x276: {  	v0 =	vld.idx.msk [tilespmem:v2+s29+$0x0], $0xffff;
	_ =	sdelay $0x4  }
0x277: {  	[tilespmem:s4+$0x1D700] =	vst v0;
	v0 =	vld [tilespmem:s4+$0x1020]  }
0x278: {  	v1 =	vld.idx.msk [tilespmem:v1+s29+$0x0], $0xffff;
	_ =	sdelay $0x4  }
0x279: {  	[tilespmem:s4+$0x1D710] =	vst v1;
	v1 =	vld [tilespmem:s4+$0x1030];
	_ =	sdelay $0x1  }
0x27a: {  	v0 =	vld.idx.msk [tilespmem:v0+s29+$0x0], $0xffff;
	_ =	sdelay $0x4  }
0x27b: {  	[tilespmem:s4+$0x1D720] =	vst v0;
	v0 =	vld [tilespmem:s4+$0x1040]  }
0x27c: {  	v1 =	vld.idx.msk [tilespmem:v1+s29+$0x0], $0xffff;
	_ =	sdelay $0x4  }
0x27d: {  	[tilespmem:s4+$0x1D730] =	vst v1;
	v1 =	vld [tilespmem:s4+$0x1050];
	_ =	sdelay $0x1  }
0x27e: {  	v0 =	vld.idx.msk [tilespmem:v0+s29+$0x0], $0xffff;
	_ =	sdelay $0x4  }
0x27f: {  	[tilespmem:s4+$0x1D740] =	vst v0;
	v0 =	vld [tilespmem:s4+$0x1060]  }
0x280: {  	v1 =	vld.idx.msk [tilespmem:v1+s29+$0x0], $0xffff;
	_ =	sdelay $0x4  }
0x281: {  	[tilespmem:s4+$0x1D750] =	vst v1;
	v1 =	vld [tilespmem:s4+$0x1070];
	_ =	sdelay $0x1  }
0x282: {  	v0 =	vld.idx.msk [tilespmem:v0+s29+$0x0], $0xffff;
	_ =	sdelay $0x4  }
0x283: {  	[tilespmem:s4+$0x1D760] =	vst v0  }
0x284: {  	v0 =	vld.idx.msk [tilespmem:v1+s29+$0x0], $0xffff;
	_ =	sdelay $0x4  }
0x285: {  	[tilespmem:s4+$0x1D770] =	vst v0  }
0x286: {  	[hbm4b:s16+s26] =	stream.strided.scatter [tilespmem:s31], [sflag:$0x1], $0x1000, s28, s26, $0x38;
	[tilespmem:$0x1E700] =	vst v63  }
0x287: {  	_ =	swait.ge [sflag:s0], $0x1000  }
0x288: {  	[sflag:s0] =	ssyncset.done $0x0  }
0x289: {  	s1 =	simm.s32 $0x0;
	[sflag:s0] =	ssyncadd.s32 $0xFFFFF000  }
0x28a: {  	v0 =	vld [tilespmem:s1+$0x2000];
	_ =	sdelay $0x5  }
0x28b: {  	v1 =	vld [tilespmem:s1+$0x2010];
	_ =	sdelay $0x1  }
0x28c: {  	v0 =	vld.idx.msk [tilespmem:v0+s29+$0x0], $0xffff;
	_ =	sdelay $0x4  }
0x28d: {  	[tilespmem:s1+$0x1C700] =	vst v0;
	v0 =	vld [tilespmem:s1+$0x2020]  }
0x28e: {  	v1 =	vld.idx.msk [tilespmem:v1+s29+$0x0], $0xffff;
	_ =	sdelay $0x4  }
0x28f: {  	[tilespmem:s1+$0x1C710] =	vst v1;
	v1 =	vld [tilespmem:s1+$0x2030];
	_ =	sdelay $0x1  }
0x290: {  	v0 =	vld.idx.msk [tilespmem:v0+s29+$0x0], $0xffff;
	_ =	sdelay $0x4  }
0x291: {  	[tilespmem:s1+$0x1C720] =	vst v0;
	v0 =	vld [tilespmem:s1+$0x2040]  }
0x292: {  	v1 =	vld.idx.msk [tilespmem:v1+s29+$0x0], $0xffff;
	_ =	sdelay $0x4  }
0x293: {  	[tilespmem:s1+$0x1C730] =	vst v1;
	v1 =	vld [tilespmem:s1+$0x2050];
	_ =	sdelay $0x1  }
0x294: {  	v0 =	vld.idx.msk [tilespmem:v0+s29+$0x0], $0xffff;
	_ =	sdelay $0x4  }
0x295: {  	v2 =	vld [tilespmem:s1+$0x2060];
	[tilespmem:s1+$0x1C740] =	vst v0  }
0x296: {  	v0 =	vld.idx.msk [tilespmem:v1+s29+$0x0], $0xffff;
	_ =	sdelay $0x4  }
0x297: {  	[tilespmem:s1+$0x1C750] =	vst v0;
	v0 =	vld [tilespmem:s1+$0x2070];
	_ =	sdelay $0x1  }
0x298: {  	v1 =	vld.idx.msk [tilespmem:v2+s29+$0x0], $0xffff;
	_ =	sdelay $0x3  }
0x299: {  	s3 =	simm.s32 $0x400;
	s4 =	simm.s32 $0x80  }
.LBB2_22:
0x29a: {  	p0 =	sne.s32 s3, $0x3E00;
	v2 =	vld [tilespmem:s4+$0x2000];
	[tilespmem:s1+$0x1C760] =	vst v1  }
0x29b: {  	v0 =	vld.idx.msk [tilespmem:v0+s29+$0x0], $0xffff;
	_ =	sdelay $0x5  }
0x29c: {  	v1 =	vld [tilespmem:s4+$0x2010];
	[tilespmem:s1+$0x1C770] =	vst v0;
	s1 =	smov.u32 s4  }
0x29d: {  	v0 =	vld.idx.msk [tilespmem:v2+s29+$0x0], $0xffff;
	_ =	sdelay $0x5  }
0x29e: {  	[tilespmem:s1+$0x1C700] =	vst v0;
	v0 =	vld [tilespmem:s1+$0x2020]  }
0x29f: {  	v1 =	vld.idx.msk [tilespmem:v1+s29+$0x0], $0xffff;
	_ =	sdelay $0x5  }
0x2a0: {  	[tilespmem:s1+$0x1C710] =	vst v1;
	v1 =	vld [tilespmem:s1+$0x2030]  }
0x2a1: {  	v0 =	vld.idx.msk [tilespmem:v0+s29+$0x0], $0xffff;
	_ =	sdelay $0x5  }
0x2a2: {  	[tilespmem:s1+$0x1C720] =	vst v0;
	v0 =	vld [tilespmem:s1+$0x2040]  }
0x2a3: {  	v1 =	vld.idx.msk [tilespmem:v1+s29+$0x0], $0xffff;
	_ =	sdelay $0x5  }
0x2a4: {  	[tilespmem:s1+$0x1C730] =	vst v1;
	v1 =	vld [tilespmem:s1+$0x2050]  }
0x2a5: {  	v0 =	vld.idx.msk [tilespmem:v0+s29+$0x0], $0xffff;
	_ =	sdelay $0x5  }
0x2a6: {  	[tilespmem:s1+$0x1C740] =	vst v0;
	v2 =	vld [tilespmem:s1+$0x2060]  }
0x2a7: {  	v0 =	vld.idx.msk [tilespmem:v1+s29+$0x0], $0xffff;
	_ =	sdelay $0x5  }
0x2a8: {  	[tilespmem:s1+$0x1C750] =	vst v0;
	v0 =	vld [tilespmem:s1+$0x2070]  }
0x2a9: {  	v1 =	vld.idx.msk [tilespmem:v2+s29+$0x0], $0xffff  }
.Ltmp10:
0x2aa: {  	(pc) =	sbr.rel @p0 .LBB2_22-.Ltmp10, $2  }
0x2ab: {  	_ =	sdelay $0x2  }
0x2ac: {  	s4 =	sshra.s32 s3, $0x2;
	s3 =	sadd.s32 $0x200, s3  }
0x2ad: {  	_ =	sdelay $0x1  }
0x2ae: {  	v2 =	vld [tilespmem:s4+$0x2000]  }
0x2af: {  	[tilespmem:s1+$0x1C760] =	vst v1  }
0x2b0: {  	v0 =	vld.idx.msk [tilespmem:v0+s29+$0x0], $0xffff;
	_ =	sdelay $0x3  }
0x2b1: {  	v1 =	vld [tilespmem:s4+$0x2010]  }
0x2b2: {  	[tilespmem:s1+$0x1C770] =	vst v0  }
0x2b3: {  	v0 =	vld.idx.msk [tilespmem:v2+s29+$0x0], $0xffff;
	_ =	sdelay $0x4  }
0x2b4: {  	[tilespmem:s4+$0x1C700] =	vst v0;
	v0 =	vld [tilespmem:s4+$0x2020]  }
0x2b5: {  	v1 =	vld.idx.msk [tilespmem:v1+s29+$0x0], $0xffff;
	_ =	sdelay $0x4  }
0x2b6: {  	[tilespmem:s4+$0x1C710] =	vst v1;
	v1 =	vld [tilespmem:s4+$0x2030];
	_ =	sdelay $0x1  }
0x2b7: {  	v0 =	vld.idx.msk [tilespmem:v0+s29+$0x0], $0xffff;
	_ =	sdelay $0x4  }
0x2b8: {  	[tilespmem:s4+$0x1C720] =	vst v0;
	v0 =	vld [tilespmem:s4+$0x2040]  }
0x2b9: {  	v1 =	vld.idx.msk [tilespmem:v1+s29+$0x0], $0xffff;
	_ =	sdelay $0x4  }
0x2ba: {  	[tilespmem:s4+$0x1C730] =	vst v1;
	v1 =	vld [tilespmem:s4+$0x2050];
	_ =	sdelay $0x1  }
0x2bb: {  	v0 =	vld.idx.msk [tilespmem:v0+s29+$0x0], $0xffff;
	_ =	sdelay $0x4  }
0x2bc: {  	[tilespmem:s4+$0x1C740] =	vst v0;
	v0 =	vld [tilespmem:s4+$0x2060]  }
0x2bd: {  	v1 =	vld.idx.msk [tilespmem:v1+s29+$0x0], $0xffff;
	_ =	sdelay $0x4  }
0x2be: {  	[tilespmem:s4+$0x1C750] =	vst v1;
	v1 =	vld [tilespmem:s4+$0x2070];
	_ =	sdelay $0x1  }
0x2bf: {  	v0 =	vld.idx.msk [tilespmem:v0+s29+$0x0], $0xffff;
	_ =	sdelay $0x4  }
0x2c0: {  	[tilespmem:s4+$0x1C760] =	vst v0  }
0x2c1: {  	v0 =	vld.idx.msk [tilespmem:v1+s29+$0x0], $0xffff;
	_ =	sdelay $0x4  }
0x2c2: {  	[tilespmem:s4+$0x1C770] =	vst v0  }
0x2c3: {  	[hbm4b:s18+s26] =	stream.strided.scatter [tilespmem:s30], [sflag:$0x1], $0x1000, s28, s26, $0x38;
	[tilespmem:$0x1E700] =	vst v63  }
0x2c4: {  	_ =	swait.ge [sflag:s0], $0x1000  }
0x2c5: {  	[sflag:s0] =	ssyncset.done $0x0  }
0x2c6: {  	s1 =	simm.s32 $0x0;
	[sflag:s0] =	ssyncadd.s32 $0xFFFFF000  }
0x2c7: {  	v0 =	vld [tilespmem:s1+$0x3000];
	_ =	sdelay $0x5  }
0x2c8: {  	v1 =	vld [tilespmem:s1+$0x3010];
	_ =	sdelay $0x1  }
0x2c9: {  	v0 =	vld.idx.msk [tilespmem:v0+s29+$0x0], $0xffff;
	_ =	sdelay $0x4  }
0x2ca: {  	[tilespmem:s1+$0x1D700] =	vst v0;
	v0 =	vld [tilespmem:s1+$0x3020]  }
0x2cb: {  	v1 =	vld.idx.msk [tilespmem:v1+s29+$0x0], $0xffff;
	_ =	sdelay $0x4  }
0x2cc: {  	[tilespmem:s1+$0x1D710] =	vst v1;
	v1 =	vld [tilespmem:s1+$0x3030];
	_ =	sdelay $0x1  }
0x2cd: {  	v0 =	vld.idx.msk [tilespmem:v0+s29+$0x0], $0xffff;
	_ =	sdelay $0x4  }
0x2ce: {  	[tilespmem:s1+$0x1D720] =	vst v0;
	v0 =	vld [tilespmem:s1+$0x3040]  }
0x2cf: {  	v1 =	vld.idx.msk [tilespmem:v1+s29+$0x0], $0xffff;
	_ =	sdelay $0x4  }
0x2d0: {  	[tilespmem:s1+$0x1D730] =	vst v1;
	v1 =	vld [tilespmem:s1+$0x3050];
	_ =	sdelay $0x1  }
0x2d1: {  	v0 =	vld.idx.msk [tilespmem:v0+s29+$0x0], $0xffff;
	_ =	sdelay $0x4  }
0x2d2: {  	v2 =	vld [tilespmem:s1+$0x3060];
	[tilespmem:s1+$0x1D740] =	vst v0  }
0x2d3: {  	v0 =	vld.idx.msk [tilespmem:v1+s29+$0x0], $0xffff;
	_ =	sdelay $0x4  }
0x2d4: {  	[tilespmem:s1+$0x1D750] =	vst v0;
	v0 =	vld [tilespmem:s1+$0x3070];
	_ =	sdelay $0x1  }
0x2d5: {  	v1 =	vld.idx.msk [tilespmem:v2+s29+$0x0], $0xffff;
	_ =	sdelay $0x3  }
0x2d6: {  	s3 =	simm.s32 $0x400;
	s4 =	simm.s32 $0x80  }
.LBB2_24:
0x2d7: {  	p0 =	sne.s32 s3, $0x3E00;
	v2 =	vld [tilespmem:s4+$0x3000];
	[tilespmem:s1+$0x1D760] =	vst v1  }
0x2d8: {  	v0 =	vld.idx.msk [tilespmem:v0+s29+$0x0], $0xffff;
	_ =	sdelay $0x5  }
0x2d9: {  	v1 =	vld [tilespmem:s4+$0x3010];
	[tilespmem:s1+$0x1D770] =	vst v0;
	s1 =	smov.u32 s4  }
0x2da: {  	v0 =	vld.idx.msk [tilespmem:v2+s29+$0x0], $0xffff;
	_ =	sdelay $0x5  }
0x2db: {  	[tilespmem:s1+$0x1D700] =	vst v0;
	v0 =	vld [tilespmem:s1+$0x3020]  }
0x2dc: {  	v1 =	vld.idx.msk [tilespmem:v1+s29+$0x0], $0xffff;
	_ =	sdelay $0x5  }
0x2dd: {  	[tilespmem:s1+$0x1D710] =	vst v1;
	v1 =	vld [tilespmem:s1+$0x3030]  }
0x2de: {  	v0 =	vld.idx.msk [tilespmem:v0+s29+$0x0], $0xffff;
	_ =	sdelay $0x5  }
0x2df: {  	[tilespmem:s1+$0x1D720] =	vst v0;
	v0 =	vld [tilespmem:s1+$0x3040]  }
0x2e0: {  	v1 =	vld.idx.msk [tilespmem:v1+s29+$0x0], $0xffff;
	_ =	sdelay $0x5  }
0x2e1: {  	[tilespmem:s1+$0x1D730] =	vst v1;
	v1 =	vld [tilespmem:s1+$0x3050]  }
0x2e2: {  	v0 =	vld.idx.msk [tilespmem:v0+s29+$0x0], $0xffff;
	_ =	sdelay $0x5  }
0x2e3: {  	[tilespmem:s1+$0x1D740] =	vst v0;
	v2 =	vld [tilespmem:s1+$0x3060]  }
0x2e4: {  	v0 =	vld.idx.msk [tilespmem:v1+s29+$0x0], $0xffff;
	_ =	sdelay $0x5  }
0x2e5: {  	[tilespmem:s1+$0x1D750] =	vst v0;
	v0 =	vld [tilespmem:s1+$0x3070]  }
0x2e6: {  	v1 =	vld.idx.msk [tilespmem:v2+s29+$0x0], $0xffff  }
.Ltmp11:
0x2e7: {  	(pc) =	sbr.rel @p0 .LBB2_24-.Ltmp11, $2  }
0x2e8: {  	_ =	sdelay $0x2  }
0x2e9: {  	s4 =	sshra.s32 s3, $0x2;
	s3 =	sadd.s32 $0x200, s3  }
0x2ea: {  	_ =	sdelay $0x1  }
0x2eb: {  	v2 =	vld [tilespmem:s4+$0x3000]  }
0x2ec: {  	[tilespmem:s1+$0x1D760] =	vst v1  }
0x2ed: {  	v0 =	vld.idx.msk [tilespmem:v0+s29+$0x0], $0xffff;
	_ =	sdelay $0x3  }
0x2ee: {  	v1 =	vld [tilespmem:s4+$0x3010]  }
0x2ef: {  	[tilespmem:s1+$0x1D770] =	vst v0  }
0x2f0: {  	v0 =	vld.idx.msk [tilespmem:v2+s29+$0x0], $0xffff;
	_ =	sdelay $0x4  }
0x2f1: {  	[tilespmem:s4+$0x1D700] =	vst v0;
	v0 =	vld [tilespmem:s4+$0x3020]  }
0x2f2: {  	v1 =	vld.idx.msk [tilespmem:v1+s29+$0x0], $0xffff;
	_ =	sdelay $0x4  }
0x2f3: {  	[tilespmem:s4+$0x1D710] =	vst v1;
	v1 =	vld [tilespmem:s4+$0x3030];
	_ =	sdelay $0x1  }
0x2f4: {  	v0 =	vld.idx.msk [tilespmem:v0+s29+$0x0], $0xffff;
	_ =	sdelay $0x4  }
0x2f5: {  	[tilespmem:s4+$0x1D720] =	vst v0;
	v0 =	vld [tilespmem:s4+$0x3040]  }
0x2f6: {  	v1 =	vld.idx.msk [tilespmem:v1+s29+$0x0], $0xffff;
	_ =	sdelay $0x4  }
0x2f7: {  	[tilespmem:s4+$0x1D730] =	vst v1;
	v1 =	vld [tilespmem:s4+$0x3050];
	_ =	sdelay $0x1  }
0x2f8: {  	v0 =	vld.idx.msk [tilespmem:v0+s29+$0x0], $0xffff;
	_ =	sdelay $0x4  }
0x2f9: {  	[tilespmem:s4+$0x1D740] =	vst v0;
	v0 =	vld [tilespmem:s4+$0x3060]  }
0x2fa: {  	v1 =	vld.idx.msk [tilespmem:v1+s29+$0x0], $0xffff;
	_ =	sdelay $0x4  }
0x2fb: {  	[tilespmem:s4+$0x1D750] =	vst v1;
	v1 =	vld [tilespmem:s4+$0x3070];
	_ =	sdelay $0x1  }
0x2fc: {  	v0 =	vld.idx.msk [tilespmem:v0+s29+$0x0], $0xffff;
	_ =	sdelay $0x4  }
0x2fd: {  	[tilespmem:s4+$0x1D760] =	vst v0  }
0x2fe: {  	v0 =	vld.idx.msk [tilespmem:v1+s29+$0x0], $0xffff;
	_ =	sdelay $0x4  }
0x2ff: {  	[tilespmem:s4+$0x1D770] =	vst v0  }
0x300: {  	[hbm4b:s19+s26] =	stream.strided.scatter [tilespmem:s31], [sflag:$0x1], $0x1000, s28, s26, $0x38;
	[tilespmem:$0x1E700] =	vst v63  }
0x301: {  	_ = 	snop  }
0x302: {  	[tilespmem:s29], [sflag:$0x2] =	stream.strided.gather [hbm4b:s17+s26], $0x18700, s28, s26, $0x38;
	[tilespmem:$0x1E700] =	vst v63  }
0x303: {  	_ =	swait.ge [sflag:s25], $0x18700  }
0x304: {  	[sflag:s25] =	ssyncset.done $0x0  }
0x305: {  	[sflag:s25] =	ssyncadd.s32 $0xFFFE7900  }
0x306: {  	_ =	swait.ge [sflag:s0], $0x1000  }
0x307: {  	[sflag:s0] =	ssyncset.done $0x0  }
0x308: {  	s1 =	simm.s32 $0x0;
	[sflag:s0] =	ssyncadd.s32 $0xFFFFF000  }
0x309: {  	v0 =	vld [tilespmem:s1+$0x0];
	_ =	sdelay $0x5  }
0x30a: {  	v1 =	vld [tilespmem:s1+$0x10];
	_ =	sdelay $0x1  }
0x30b: {  	v0 =	vld.idx.msk [tilespmem:v0+s29+$0x0], $0xffff;
	_ =	sdelay $0x4  }
0x30c: {  	[tilespmem:s1+$0x1C700] =	vst v0;
	v0 =	vld [tilespmem:s1+$0x20]  }
0x30d: {  	v1 =	vld.idx.msk [tilespmem:v1+s29+$0x0], $0xffff;
	_ =	sdelay $0x4  }
0x30e: {  	[tilespmem:s1+$0x1C710] =	vst v1;
	v1 =	vld [tilespmem:s1+$0x30];
	_ =	sdelay $0x1  }
0x30f: {  	v0 =	vld.idx.msk [tilespmem:v0+s29+$0x0], $0xffff;
	_ =	sdelay $0x4  }
0x310: {  	[tilespmem:s1+$0x1C720] =	vst v0;
	v0 =	vld [tilespmem:s1+$0x40]  }
0x311: {  	v1 =	vld.idx.msk [tilespmem:v1+s29+$0x0], $0xffff;
	_ =	sdelay $0x4  }
0x312: {  	[tilespmem:s1+$0x1C730] =	vst v1;
	v1 =	vld [tilespmem:s1+$0x50];
	_ =	sdelay $0x1  }
0x313: {  	v0 =	vld.idx.msk [tilespmem:v0+s29+$0x0], $0xffff;
	_ =	sdelay $0x4  }
0x314: {  	v2 =	vld [tilespmem:s1+$0x60];
	[tilespmem:s1+$0x1C740] =	vst v0  }
0x315: {  	v0 =	vld.idx.msk [tilespmem:v1+s29+$0x0], $0xffff;
	_ =	sdelay $0x4  }
0x316: {  	[tilespmem:s1+$0x1C750] =	vst v0;
	v0 =	vld [tilespmem:s1+$0x70];
	_ =	sdelay $0x1  }
0x317: {  	v1 =	vld.idx.msk [tilespmem:v2+s29+$0x0], $0xffff;
	_ =	sdelay $0x3  }
0x318: {  	s3 =	simm.s32 $0x400;
	s4 =	simm.s32 $0x80  }
.LBB2_26:
0x319: {  	p0 =	sne.s32 s3, $0x3E00;
	v2 =	vld [tilespmem:s4+$0x0];
	[tilespmem:s1+$0x1C760] =	vst v1  }
0x31a: {  	v0 =	vld.idx.msk [tilespmem:v0+s29+$0x0], $0xffff;
	_ =	sdelay $0x5  }
0x31b: {  	v1 =	vld [tilespmem:s4+$0x10];
	[tilespmem:s1+$0x1C770] =	vst v0;
	s1 =	smov.u32 s4  }
0x31c: {  	v0 =	vld.idx.msk [tilespmem:v2+s29+$0x0], $0xffff;
	_ =	sdelay $0x5  }
0x31d: {  	[tilespmem:s1+$0x1C700] =	vst v0;
	v0 =	vld [tilespmem:s1+$0x20]  }
0x31e: {  	v1 =	vld.idx.msk [tilespmem:v1+s29+$0x0], $0xffff;
	_ =	sdelay $0x5  }
0x31f: {  	[tilespmem:s1+$0x1C710] =	vst v1;
	v1 =	vld [tilespmem:s1+$0x30]  }
0x320: {  	v0 =	vld.idx.msk [tilespmem:v0+s29+$0x0], $0xffff;
	_ =	sdelay $0x5  }
0x321: {  	[tilespmem:s1+$0x1C720] =	vst v0;
	v0 =	vld [tilespmem:s1+$0x40]  }
0x322: {  	v1 =	vld.idx.msk [tilespmem:v1+s29+$0x0], $0xffff;
	_ =	sdelay $0x5  }
0x323: {  	[tilespmem:s1+$0x1C730] =	vst v1;
	v1 =	vld [tilespmem:s1+$0x50]  }
0x324: {  	v0 =	vld.idx.msk [tilespmem:v0+s29+$0x0], $0xffff;
	_ =	sdelay $0x5  }
0x325: {  	[tilespmem:s1+$0x1C740] =	vst v0;
	v2 =	vld [tilespmem:s1+$0x60]  }
0x326: {  	v0 =	vld.idx.msk [tilespmem:v1+s29+$0x0], $0xffff;
	_ =	sdelay $0x5  }
0x327: {  	[tilespmem:s1+$0x1C750] =	vst v0;
	v0 =	vld [tilespmem:s1+$0x70]  }
0x328: {  	v1 =	vld.idx.msk [tilespmem:v2+s29+$0x0], $0xffff  }
.Ltmp12:
0x329: {  	(pc) =	sbr.rel @p0 .LBB2_26-.Ltmp12, $2  }
0x32a: {  	_ =	sdelay $0x2  }
0x32b: {  	s4 =	sshra.s32 s3, $0x2;
	s3 =	sadd.s32 $0x200, s3  }
0x32c: {  	_ =	sdelay $0x1  }
0x32d: {  	v2 =	vld [tilespmem:s4+$0x0]  }
0x32e: {  	[tilespmem:s1+$0x1C760] =	vst v1  }
0x32f: {  	v0 =	vld.idx.msk [tilespmem:v0+s29+$0x0], $0xffff;
	_ =	sdelay $0x3  }
0x330: {  	v1 =	vld [tilespmem:s4+$0x10]  }
0x331: {  	[tilespmem:s1+$0x1C770] =	vst v0  }
0x332: {  	v0 =	vld.idx.msk [tilespmem:v2+s29+$0x0], $0xffff;
	_ =	sdelay $0x4  }
0x333: {  	[tilespmem:s4+$0x1C700] =	vst v0;
	v0 =	vld [tilespmem:s4+$0x20]  }
0x334: {  	v1 =	vld.idx.msk [tilespmem:v1+s29+$0x0], $0xffff;
	_ =	sdelay $0x4  }
0x335: {  	[tilespmem:s4+$0x1C710] =	vst v1;
	v1 =	vld [tilespmem:s4+$0x30];
	_ =	sdelay $0x1  }
0x336: {  	v0 =	vld.idx.msk [tilespmem:v0+s29+$0x0], $0xffff;
	_ =	sdelay $0x4  }
0x337: {  	[tilespmem:s4+$0x1C720] =	vst v0;
	v0 =	vld [tilespmem:s4+$0x40]  }
0x338: {  	v1 =	vld.idx.msk [tilespmem:v1+s29+$0x0], $0xffff;
	_ =	sdelay $0x4  }
0x339: {  	[tilespmem:s4+$0x1C730] =	vst v1;
	v1 =	vld [tilespmem:s4+$0x50];
	_ =	sdelay $0x1  }
0x33a: {  	v0 =	vld.idx.msk [tilespmem:v0+s29+$0x0], $0xffff;
	_ =	sdelay $0x4  }
0x33b: {  	[tilespmem:s4+$0x1C740] =	vst v0;
	v0 =	vld [tilespmem:s4+$0x60]  }
0x33c: {  	v1 =	vld.idx.msk [tilespmem:v1+s29+$0x0], $0xffff;
	_ =	sdelay $0x4  }
0x33d: {  	[tilespmem:s4+$0x1C750] =	vst v1;
	v1 =	vld [tilespmem:s4+$0x70];
	_ =	sdelay $0x1  }
0x33e: {  	v0 =	vld.idx.msk [tilespmem:v0+s29+$0x0], $0xffff;
	_ =	sdelay $0x4  }
0x33f: {  	[tilespmem:s4+$0x1C760] =	vst v0  }
0x340: {  	v0 =	vld.idx.msk [tilespmem:v1+s29+$0x0], $0xffff;
	_ =	sdelay $0x4  }
0x341: {  	[tilespmem:s4+$0x1C770] =	vst v0  }
0x342: {  	[hbm4b:s20+s26] =	stream.strided.scatter [tilespmem:s30], [sflag:$0x1], $0x1000, s28, s26, $0x38;
	[tilespmem:$0x1E700] =	vst v63  }
0x343: {  	_ =	swait.ge [sflag:s0], $0x1000  }
0x344: {  	[sflag:s0] =	ssyncset.done $0x0  }
0x345: {  	s1 =	simm.s32 $0x0;
	[sflag:s0] =	ssyncadd.s32 $0xFFFFF000  }
0x346: {  	v0 =	vld [tilespmem:s1+$0x1000];
	_ =	sdelay $0x5  }
0x347: {  	v1 =	vld [tilespmem:s1+$0x1010];
	_ =	sdelay $0x1  }
0x348: {  	v0 =	vld.idx.msk [tilespmem:v0+s29+$0x0], $0xffff;
	_ =	sdelay $0x4  }
0x349: {  	[tilespmem:s1+$0x1D700] =	vst v0;
	v0 =	vld [tilespmem:s1+$0x1020]  }
0x34a: {  	v1 =	vld.idx.msk [tilespmem:v1+s29+$0x0], $0xffff;
	_ =	sdelay $0x4  }
0x34b: {  	[tilespmem:s1+$0x1D710] =	vst v1;
	v1 =	vld [tilespmem:s1+$0x1030];
	_ =	sdelay $0x1  }
0x34c: {  	v0 =	vld.idx.msk [tilespmem:v0+s29+$0x0], $0xffff;
	_ =	sdelay $0x4  }
0x34d: {  	[tilespmem:s1+$0x1D720] =	vst v0;
	v0 =	vld [tilespmem:s1+$0x1040]  }
0x34e: {  	v1 =	vld.idx.msk [tilespmem:v1+s29+$0x0], $0xffff;
	_ =	sdelay $0x4  }
0x34f: {  	[tilespmem:s1+$0x1D730] =	vst v1;
	v1 =	vld [tilespmem:s1+$0x1050];
	_ =	sdelay $0x1  }
0x350: {  	v0 =	vld.idx.msk [tilespmem:v0+s29+$0x0], $0xffff;
	_ =	sdelay $0x4  }
0x351: {  	v2 =	vld [tilespmem:s1+$0x1060];
	[tilespmem:s1+$0x1D740] =	vst v0  }
0x352: {  	v0 =	vld.idx.msk [tilespmem:v1+s29+$0x0], $0xffff;
	_ =	sdelay $0x4  }
0x353: {  	[tilespmem:s1+$0x1D750] =	vst v0;
	v0 =	vld [tilespmem:s1+$0x1070];
	_ =	sdelay $0x1  }
0x354: {  	v1 =	vld.idx.msk [tilespmem:v2+s29+$0x0], $0xffff;
	_ =	sdelay $0x3  }
0x355: {  	s3 =	simm.s32 $0x400;
	s4 =	simm.s32 $0x80  }
.LBB2_28:
0x356: {  	p0 =	sne.s32 s3, $0x3E00;
	v2 =	vld [tilespmem:s4+$0x1000];
	[tilespmem:s1+$0x1D760] =	vst v1  }
0x357: {  	v0 =	vld.idx.msk [tilespmem:v0+s29+$0x0], $0xffff;
	_ =	sdelay $0x5  }
0x358: {  	v1 =	vld [tilespmem:s4+$0x1010];
	[tilespmem:s1+$0x1D770] =	vst v0;
	s1 =	smov.u32 s4  }
0x359: {  	v0 =	vld.idx.msk [tilespmem:v2+s29+$0x0], $0xffff;
	_ =	sdelay $0x5  }
0x35a: {  	[tilespmem:s1+$0x1D700] =	vst v0;
	v0 =	vld [tilespmem:s1+$0x1020]  }
0x35b: {  	v1 =	vld.idx.msk [tilespmem:v1+s29+$0x0], $0xffff;
	_ =	sdelay $0x5  }
0x35c: {  	[tilespmem:s1+$0x1D710] =	vst v1;
	v1 =	vld [tilespmem:s1+$0x1030]  }
0x35d: {  	v0 =	vld.idx.msk [tilespmem:v0+s29+$0x0], $0xffff;
	_ =	sdelay $0x5  }
0x35e: {  	[tilespmem:s1+$0x1D720] =	vst v0;
	v0 =	vld [tilespmem:s1+$0x1040]  }
0x35f: {  	v1 =	vld.idx.msk [tilespmem:v1+s29+$0x0], $0xffff;
	_ =	sdelay $0x5  }
0x360: {  	[tilespmem:s1+$0x1D730] =	vst v1;
	v1 =	vld [tilespmem:s1+$0x1050]  }
0x361: {  	v0 =	vld.idx.msk [tilespmem:v0+s29+$0x0], $0xffff;
	_ =	sdelay $0x5  }
0x362: {  	[tilespmem:s1+$0x1D740] =	vst v0;
	v2 =	vld [tilespmem:s1+$0x1060]  }
0x363: {  	v0 =	vld.idx.msk [tilespmem:v1+s29+$0x0], $0xffff;
	_ =	sdelay $0x5  }
0x364: {  	[tilespmem:s1+$0x1D750] =	vst v0;
	v0 =	vld [tilespmem:s1+$0x1070]  }
0x365: {  	v1 =	vld.idx.msk [tilespmem:v2+s29+$0x0], $0xffff  }
.Ltmp13:
0x366: {  	(pc) =	sbr.rel @p0 .LBB2_28-.Ltmp13, $2  }
0x367: {  	_ =	sdelay $0x2  }
0x368: {  	s4 =	sshra.s32 s3, $0x2;
	s3 =	sadd.s32 $0x200, s3  }
0x369: {  	_ =	sdelay $0x1  }
0x36a: {  	v2 =	vld [tilespmem:s4+$0x1000]  }
0x36b: {  	[tilespmem:s1+$0x1D760] =	vst v1  }
0x36c: {  	v0 =	vld.idx.msk [tilespmem:v0+s29+$0x0], $0xffff;
	_ =	sdelay $0x3  }
0x36d: {  	v1 =	vld [tilespmem:s4+$0x1010]  }
0x36e: {  	[tilespmem:s1+$0x1D770] =	vst v0  }
0x36f: {  	v0 =	vld.idx.msk [tilespmem:v2+s29+$0x0], $0xffff;
	_ =	sdelay $0x4  }
0x370: {  	[tilespmem:s4+$0x1D700] =	vst v0;
	v0 =	vld [tilespmem:s4+$0x1020]  }
0x371: {  	v1 =	vld.idx.msk [tilespmem:v1+s29+$0x0], $0xffff;
	_ =	sdelay $0x4  }
0x372: {  	[tilespmem:s4+$0x1D710] =	vst v1;
	v1 =	vld [tilespmem:s4+$0x1030];
	_ =	sdelay $0x1  }
0x373: {  	v0 =	vld.idx.msk [tilespmem:v0+s29+$0x0], $0xffff;
	_ =	sdelay $0x4  }
0x374: {  	[tilespmem:s4+$0x1D720] =	vst v0;
	v0 =	vld [tilespmem:s4+$0x1040]  }
0x375: {  	v1 =	vld.idx.msk [tilespmem:v1+s29+$0x0], $0xffff;
	_ =	sdelay $0x4  }
0x376: {  	[tilespmem:s4+$0x1D730] =	vst v1;
	v1 =	vld [tilespmem:s4+$0x1050];
	_ =	sdelay $0x1  }
0x377: {  	v0 =	vld.idx.msk [tilespmem:v0+s29+$0x0], $0xffff;
	_ =	sdelay $0x4  }
0x378: {  	[tilespmem:s4+$0x1D740] =	vst v0;
	v0 =	vld [tilespmem:s4+$0x1060]  }
0x379: {  	v1 =	vld.idx.msk [tilespmem:v1+s29+$0x0], $0xffff;
	_ =	sdelay $0x4  }
0x37a: {  	[tilespmem:s4+$0x1D750] =	vst v1;
	v1 =	vld [tilespmem:s4+$0x1070];
	_ =	sdelay $0x1  }
0x37b: {  	v0 =	vld.idx.msk [tilespmem:v0+s29+$0x0], $0xffff;
	_ =	sdelay $0x4  }
0x37c: {  	[tilespmem:s4+$0x1D760] =	vst v0  }
0x37d: {  	v0 =	vld.idx.msk [tilespmem:v1+s29+$0x0], $0xffff;
	_ =	sdelay $0x4  }
0x37e: {  	[tilespmem:s4+$0x1D770] =	vst v0  }
0x37f: {  	[hbm4b:s21+s26] =	stream.strided.scatter [tilespmem:s31], [sflag:$0x1], $0x1000, s28, s26, $0x38;
	[tilespmem:$0x1E700] =	vst v63  }
0x380: {  	_ =	swait.ge [sflag:s0], $0x1000  }
0x381: {  	[sflag:s0] =	ssyncset.done $0x0  }
0x382: {  	s1 =	simm.s32 $0x0;
	[sflag:s0] =	ssyncadd.s32 $0xFFFFF000  }
0x383: {  	v0 =	vld [tilespmem:s1+$0x2000];
	_ =	sdelay $0x5  }
0x384: {  	v1 =	vld [tilespmem:s1+$0x2010];
	_ =	sdelay $0x1  }
0x385: {  	v0 =	vld.idx.msk [tilespmem:v0+s29+$0x0], $0xffff;
	_ =	sdelay $0x4  }
0x386: {  	[tilespmem:s1+$0x1C700] =	vst v0;
	v0 =	vld [tilespmem:s1+$0x2020]  }
0x387: {  	v1 =	vld.idx.msk [tilespmem:v1+s29+$0x0], $0xffff;
	_ =	sdelay $0x4  }
0x388: {  	[tilespmem:s1+$0x1C710] =	vst v1;
	v1 =	vld [tilespmem:s1+$0x2030];
	_ =	sdelay $0x1  }
0x389: {  	v0 =	vld.idx.msk [tilespmem:v0+s29+$0x0], $0xffff;
	_ =	sdelay $0x4  }
0x38a: {  	[tilespmem:s1+$0x1C720] =	vst v0;
	v0 =	vld [tilespmem:s1+$0x2040]  }
0x38b: {  	v1 =	vld.idx.msk [tilespmem:v1+s29+$0x0], $0xffff;
	_ =	sdelay $0x4  }
0x38c: {  	[tilespmem:s1+$0x1C730] =	vst v1;
	v1 =	vld [tilespmem:s1+$0x2050];
	_ =	sdelay $0x1  }
0x38d: {  	v0 =	vld.idx.msk [tilespmem:v0+s29+$0x0], $0xffff;
	_ =	sdelay $0x4  }
0x38e: {  	v2 =	vld [tilespmem:s1+$0x2060];
	[tilespmem:s1+$0x1C740] =	vst v0  }
0x38f: {  	v0 =	vld.idx.msk [tilespmem:v1+s29+$0x0], $0xffff;
	_ =	sdelay $0x4  }
0x390: {  	[tilespmem:s1+$0x1C750] =	vst v0;
	v0 =	vld [tilespmem:s1+$0x2070];
	_ =	sdelay $0x1  }
0x391: {  	v1 =	vld.idx.msk [tilespmem:v2+s29+$0x0], $0xffff;
	_ =	sdelay $0x3  }
0x392: {  	s3 =	simm.s32 $0x400;
	s4 =	simm.s32 $0x80  }
.LBB2_30:
0x393: {  	p0 =	sne.s32 s3, $0x3E00;
	v2 =	vld [tilespmem:s4+$0x2000];
	[tilespmem:s1+$0x1C760] =	vst v1  }
0x394: {  	v0 =	vld.idx.msk [tilespmem:v0+s29+$0x0], $0xffff;
	_ =	sdelay $0x5  }
0x395: {  	v1 =	vld [tilespmem:s4+$0x2010];
	[tilespmem:s1+$0x1C770] =	vst v0;
	s1 =	smov.u32 s4  }
0x396: {  	v0 =	vld.idx.msk [tilespmem:v2+s29+$0x0], $0xffff;
	_ =	sdelay $0x5  }
0x397: {  	[tilespmem:s1+$0x1C700] =	vst v0;
	v0 =	vld [tilespmem:s1+$0x2020]  }
0x398: {  	v1 =	vld.idx.msk [tilespmem:v1+s29+$0x0], $0xffff;
	_ =	sdelay $0x5  }
0x399: {  	[tilespmem:s1+$0x1C710] =	vst v1;
	v1 =	vld [tilespmem:s1+$0x2030]  }
0x39a: {  	v0 =	vld.idx.msk [tilespmem:v0+s29+$0x0], $0xffff;
	_ =	sdelay $0x5  }
0x39b: {  	[tilespmem:s1+$0x1C720] =	vst v0;
	v0 =	vld [tilespmem:s1+$0x2040]  }
0x39c: {  	v1 =	vld.idx.msk [tilespmem:v1+s29+$0x0], $0xffff;
	_ =	sdelay $0x5  }
0x39d: {  	[tilespmem:s1+$0x1C730] =	vst v1;
	v1 =	vld [tilespmem:s1+$0x2050]  }
0x39e: {  	v0 =	vld.idx.msk [tilespmem:v0+s29+$0x0], $0xffff;
	_ =	sdelay $0x5  }
0x39f: {  	[tilespmem:s1+$0x1C740] =	vst v0;
	v2 =	vld [tilespmem:s1+$0x2060]  }
0x3a0: {  	v0 =	vld.idx.msk [tilespmem:v1+s29+$0x0], $0xffff;
	_ =	sdelay $0x5  }
0x3a1: {  	[tilespmem:s1+$0x1C750] =	vst v0;
	v0 =	vld [tilespmem:s1+$0x2070]  }
0x3a2: {  	v1 =	vld.idx.msk [tilespmem:v2+s29+$0x0], $0xffff  }
.Ltmp14:
0x3a3: {  	(pc) =	sbr.rel @p0 .LBB2_30-.Ltmp14, $2  }
0x3a4: {  	_ =	sdelay $0x2  }
0x3a5: {  	s4 =	sshra.s32 s3, $0x2;
	s3 =	sadd.s32 $0x200, s3  }
0x3a6: {  	_ =	sdelay $0x1  }
0x3a7: {  	v2 =	vld [tilespmem:s4+$0x2000]  }
0x3a8: {  	[tilespmem:s1+$0x1C760] =	vst v1  }
0x3a9: {  	v0 =	vld.idx.msk [tilespmem:v0+s29+$0x0], $0xffff;
	_ =	sdelay $0x3  }
0x3aa: {  	v1 =	vld [tilespmem:s4+$0x2010]  }
0x3ab: {  	[tilespmem:s1+$0x1C770] =	vst v0  }
0x3ac: {  	v0 =	vld.idx.msk [tilespmem:v2+s29+$0x0], $0xffff;
	_ =	sdelay $0x4  }
0x3ad: {  	[tilespmem:s4+$0x1C700] =	vst v0;
	v0 =	vld [tilespmem:s4+$0x2020]  }
0x3ae: {  	v1 =	vld.idx.msk [tilespmem:v1+s29+$0x0], $0xffff;
	_ =	sdelay $0x4  }
0x3af: {  	[tilespmem:s4+$0x1C710] =	vst v1;
	v1 =	vld [tilespmem:s4+$0x2030];
	_ =	sdelay $0x1  }
0x3b0: {  	v0 =	vld.idx.msk [tilespmem:v0+s29+$0x0], $0xffff;
	_ =	sdelay $0x4  }
0x3b1: {  	[tilespmem:s4+$0x1C720] =	vst v0;
	v0 =	vld [tilespmem:s4+$0x2040]  }
0x3b2: {  	v1 =	vld.idx.msk [tilespmem:v1+s29+$0x0], $0xffff;
	_ =	sdelay $0x4  }
0x3b3: {  	[tilespmem:s4+$0x1C730] =	vst v1;
	v1 =	vld [tilespmem:s4+$0x2050];
	_ =	sdelay $0x1  }
0x3b4: {  	v0 =	vld.idx.msk [tilespmem:v0+s29+$0x0], $0xffff;
	_ =	sdelay $0x4  }
0x3b5: {  	[tilespmem:s4+$0x1C740] =	vst v0;
	v0 =	vld [tilespmem:s4+$0x2060]  }
0x3b6: {  	v1 =	vld.idx.msk [tilespmem:v1+s29+$0x0], $0xffff;
	_ =	sdelay $0x4  }
0x3b7: {  	[tilespmem:s4+$0x1C750] =	vst v1;
	v1 =	vld [tilespmem:s4+$0x2070];
	_ =	sdelay $0x1  }
0x3b8: {  	v0 =	vld.idx.msk [tilespmem:v0+s29+$0x0], $0xffff;
	_ =	sdelay $0x4  }
0x3b9: {  	[tilespmem:s4+$0x1C760] =	vst v0  }
0x3ba: {  	v0 =	vld.idx.msk [tilespmem:v1+s29+$0x0], $0xffff;
	_ =	sdelay $0x4  }
0x3bb: {  	[tilespmem:s4+$0x1C770] =	vst v0  }
0x3bc: {  	[hbm4b:s22+s26] =	stream.strided.scatter [tilespmem:s30], [sflag:$0x1], $0x1000, s28, s26, $0x38;
	[tilespmem:$0x1E700] =	vst v63  }
0x3bd: {  	_ =	swait.ge [sflag:s0], $0x1000  }
0x3be: {  	[sflag:s0] =	ssyncset.done $0x0  }
0x3bf: {  	s1 =	simm.s32 $0x0;
	[sflag:s0] =	ssyncadd.s32 $0xFFFFF000  }
0x3c0: {  	v0 =	vld [tilespmem:s1+$0x3000];
	_ =	sdelay $0x5  }
0x3c1: {  	v1 =	vld [tilespmem:s1+$0x3010];
	_ =	sdelay $0x1  }
0x3c2: {  	v0 =	vld.idx.msk [tilespmem:v0+s29+$0x0], $0xffff;
	_ =	sdelay $0x4  }
0x3c3: {  	[tilespmem:s1+$0x1D700] =	vst v0;
	v0 =	vld [tilespmem:s1+$0x3020]  }
0x3c4: {  	v1 =	vld.idx.msk [tilespmem:v1+s29+$0x0], $0xffff;
	_ =	sdelay $0x4  }
0x3c5: {  	[tilespmem:s1+$0x1D710] =	vst v1;
	v1 =	vld [tilespmem:s1+$0x3030];
	_ =	sdelay $0x1  }
0x3c6: {  	v0 =	vld.idx.msk [tilespmem:v0+s29+$0x0], $0xffff;
	_ =	sdelay $0x4  }
0x3c7: {  	[tilespmem:s1+$0x1D720] =	vst v0;
	v0 =	vld [tilespmem:s1+$0x3040]  }
0x3c8: {  	v1 =	vld.idx.msk [tilespmem:v1+s29+$0x0], $0xffff;
	_ =	sdelay $0x4  }
0x3c9: {  	[tilespmem:s1+$0x1D730] =	vst v1;
	v1 =	vld [tilespmem:s1+$0x3050];
	_ =	sdelay $0x1  }
0x3ca: {  	v0 =	vld.idx.msk [tilespmem:v0+s29+$0x0], $0xffff;
	_ =	sdelay $0x4  }
0x3cb: {  	v2 =	vld [tilespmem:s1+$0x3060];
	[tilespmem:s1+$0x1D740] =	vst v0  }
0x3cc: {  	v0 =	vld.idx.msk [tilespmem:v1+s29+$0x0], $0xffff;
	_ =	sdelay $0x4  }
0x3cd: {  	[tilespmem:s1+$0x1D750] =	vst v0;
	v0 =	vld [tilespmem:s1+$0x3070];
	_ =	sdelay $0x1  }
0x3ce: {  	v1 =	vld.idx.msk [tilespmem:v2+s29+$0x0], $0xffff;
	_ =	sdelay $0x3  }
0x3cf: {  	s3 =	simm.s32 $0x400;
	s4 =	simm.s32 $0x80  }
.LBB2_32:
0x3d0: {  	p0 =	sne.s32 s3, $0x3E00;
	v2 =	vld [tilespmem:s4+$0x3000];
	[tilespmem:s1+$0x1D760] =	vst v1  }
0x3d1: {  	v0 =	vld.idx.msk [tilespmem:v0+s29+$0x0], $0xffff;
	_ =	sdelay $0x5  }
0x3d2: {  	v1 =	vld [tilespmem:s4+$0x3010];
	[tilespmem:s1+$0x1D770] =	vst v0;
	s1 =	smov.u32 s4  }
0x3d3: {  	v0 =	vld.idx.msk [tilespmem:v2+s29+$0x0], $0xffff;
	_ =	sdelay $0x5  }
0x3d4: {  	[tilespmem:s1+$0x1D700] =	vst v0;
	v0 =	vld [tilespmem:s1+$0x3020]  }
0x3d5: {  	v1 =	vld.idx.msk [tilespmem:v1+s29+$0x0], $0xffff;
	_ =	sdelay $0x5  }
0x3d6: {  	[tilespmem:s1+$0x1D710] =	vst v1;
	v1 =	vld [tilespmem:s1+$0x3030]  }
0x3d7: {  	v0 =	vld.idx.msk [tilespmem:v0+s29+$0x0], $0xffff;
	_ =	sdelay $0x5  }
0x3d8: {  	[tilespmem:s1+$0x1D720] =	vst v0;
	v0 =	vld [tilespmem:s1+$0x3040]  }
0x3d9: {  	v1 =	vld.idx.msk [tilespmem:v1+s29+$0x0], $0xffff;
	_ =	sdelay $0x5  }
0x3da: {  	[tilespmem:s1+$0x1D730] =	vst v1;
	v1 =	vld [tilespmem:s1+$0x3050]  }
0x3db: {  	v0 =	vld.idx.msk [tilespmem:v0+s29+$0x0], $0xffff;
	_ =	sdelay $0x5  }
0x3dc: {  	[tilespmem:s1+$0x1D740] =	vst v0;
	v2 =	vld [tilespmem:s1+$0x3060]  }
0x3dd: {  	v0 =	vld.idx.msk [tilespmem:v1+s29+$0x0], $0xffff;
	_ =	sdelay $0x5  }
0x3de: {  	[tilespmem:s1+$0x1D750] =	vst v0;
	v0 =	vld [tilespmem:s1+$0x3070]  }
0x3df: {  	v1 =	vld.idx.msk [tilespmem:v2+s29+$0x0], $0xffff  }
.Ltmp15:
0x3e0: {  	(pc) =	sbr.rel @p0 .LBB2_32-.Ltmp15, $2  }
0x3e1: {  	_ =	sdelay $0x2  }
0x3e2: {  	s4 =	sshra.s32 s3, $0x2;
	s3 =	sadd.s32 $0x200, s3  }
0x3e3: {  	_ =	sdelay $0x1  }
0x3e4: {  	v2 =	vld [tilespmem:s4+$0x3000]  }
0x3e5: {  	[tilespmem:s1+$0x1D760] =	vst v1  }
0x3e6: {  	v0 =	vld.idx.msk [tilespmem:v0+s29+$0x0], $0xffff;
	_ =	sdelay $0x3  }
0x3e7: {  	v1 =	vld [tilespmem:s4+$0x3010]  }
0x3e8: {  	[tilespmem:s1+$0x1D770] =	vst v0  }
0x3e9: {  	v0 =	vld.idx.msk [tilespmem:v2+s29+$0x0], $0xffff;
	_ =	sdelay $0x3  }
0x3ea: {  	v58 =	vld [tilespmem:s4+$0x3020]  }
0x3eb: {  	[tilespmem:s4+$0x1D700] =	vst v0  }
0x3ec: {  	v1 =	vld.idx.msk [tilespmem:v1+s29+$0x0], $0xffff;
	_ =	sdelay $0x3  }
0x3ed: {  	v59 =	vld [tilespmem:s4+$0x3030]  }
0x3ee: {  	[tilespmem:s4+$0x1D710] =	vst v1  }
0x3ef: {  	v0 =	vld.idx.msk [tilespmem:v58+s29+$0x0], $0xffff;
	_ =	sdelay $0x3  }
0x3f0: {  	v60 =	vld [tilespmem:s4+$0x3040]  }
0x3f1: {  	[tilespmem:s4+$0x1D720] =	vst v0  }
0x3f2: {  	v1 =	vld.idx.msk [tilespmem:v59+s29+$0x0], $0xffff;
	_ =	sdelay $0x3  }
0x3f3: {  	v61 =	vld [tilespmem:s4+$0x3050]  }
0x3f4: {  	[tilespmem:s4+$0x1D730] =	vst v1  }
0x3f5: {  	v0 =	vld.idx.msk [tilespmem:v60+s29+$0x0], $0xffff;
	_ =	sdelay $0x3  }
0x3f6: {  	v62 =	vld [tilespmem:s4+$0x3060]  }
0x3f7: {  	[tilespmem:s4+$0x1D740] =	vst v0  }
0x3f8: {  	v1 =	vld.idx.msk [tilespmem:v61+s29+$0x0], $0xffff;
	_ =	sdelay $0x3  }
0x3f9: {  	v63 =	vld [tilespmem:s4+$0x3070]  }
0x3fa: {  	[tilespmem:s4+$0x1D750] =	vst v1  }
0x3fb: {  	v0 =	vld.idx.msk [tilespmem:v62+s29+$0x0], $0xffff;
	_ =	sdelay $0x4  }
0x3fc: {  	[tilespmem:s4+$0x1D760] =	vst v0  }
0x3fd: {  	v0 =	vld.idx.msk [tilespmem:v63+s29+$0x0], $0xffff;
	_ =	sdelay $0x4  }
0x3fe: {  	s2 =	sadd.s32 $0x1, s2;
	[tilespmem:s4+$0x1D770] =	vst v0  }
0x3ff: {  	[hbm4b:s23+s26] =	stream.strided.scatter [tilespmem:s31], [sflag:$0x1], $0x1000, s28, s26, $0x38;
	[tilespmem:$0x1E700] =	vst v63  }
0x400: {  	p0 =	sne.s32 s2, s24;
	_ =	swait.ge [sflag:s0], $0x1000  }
.Ltmp16:
0x401: {  	[sflag:s0] =	ssyncset.done $0x0;
	(pc) =	sbr.rel @p0 .LBB2_1-.Ltmp16, $4  }
0x402: {  	[sflag:s0] =	ssyncadd.s32 $0xFFFFF000  }
0x403: {  	_ =	swait.ge [sflag:s0], $0x1000  }
0x404: {  	[sflag:s0] =	ssyncset.done $0x0  }
0x405: {  	[sflag:s0] =	ssyncadd.s32 $0xFFFFF000  }
0x406: {  	_ =	sfence.sel $0x180000  }
0x407: {  	[bflag:$0x0] =	sbarrier.arrive $0xFFFF  }
0x408: {  	_ =	strace $0x90000047  }
0x409: {  	s0 =	stileid.u32;
	[bflag:$0x2] =	sbarrier.arrive $0xFFFF  }
0x40a: {  	p0 =	sne.s32 s0, $0x0;
	s0 =	rddreg [dreg:$0x3]  }
0x40b: {  	s0 =	sadd.s32 @!p0 $0x100000, s0  }
0x40c: {  	[sflag:s0] =	ssyncadd.tile.s32 @!p0 $0x1;
	_ =	shalt  }
.Lfunc_end2:
_tile_overlayer_lowered:
.L_overlay_start_2:
0x40d: {  	(tag) =	ssettag $0x2  }
0x40e: {  	s0 =	rddreg [dreg:$0x0];
	s2 =	stileid.u32  }
0x40f: {  	s1 =	rddreg [dreg:$0x1];
	p0 =	sne.s32 s2, $0x0  }
0x410: {  	s3 =	rddreg [dreg:$0x2];
	[bflag:$0x3] =	sbarrier.arrive $0xFFFF;
	s2 =	simm.s32 @!p0 $0x1C02  }
0x411: {  	[timem:s3], [sflag:s2] =	dma.local @!p0 [hbm:s0], s1  }
0x412: {  	s0 =	simm.s32 @!p0 $0x2  }
0x413: {  	_ =	swait.ge @!p0 [sflag:s0], s1  }
0x414: {  	s1 =	ssub.s32 @!p0 $0x0, s1;
	[sflag:s0] =	ssyncset.done @!p0 $0x0  }
0x415: {  	[sflag:s0] =	ssyncadd.s32 @!p0 s1  }
0x416: {  	[bflag:$0x3] =	sbarrier.arrive $0xFFFF  }
0x417: {  	_ =	shalt  }

</sc_bundles>
